<compile_context>
chip_gen: v7x
topology: tpu7x:2x2x1
jax: 0.10.2.dev20260603
libtpu: 0.0.44.dev20260713+nightly
codegen_flags: <defaults>
</compile_context>

<pallas_src>
import jax
import jax.numpy as jnp
from jax import lax
from jax.experimental import pallas as pl
from jax.experimental.pallas import tpu as pltpu
from jax.experimental.pallas import tpu_sc as plsc

NUM_SEG = 1024
NC = 2
NS = 16
NW = NC * NS
LANES = 16


def _lane_gather(x, idx):
    dnums = lax.GatherDimensionNumbers(
        offset_dims=(), collapsed_slice_dims=(0,), start_index_map=(0,))
    return lax.gather(x, idx[:, None], dnums, (1,),
                      mode=lax.GatherScatterMode.PROMISE_IN_BOUNDS)


def _sc_segment_partials(n_rows: int):
    br = 5120
    nblk = n_rows // br
    assert nblk * br == n_rows
    base = nblk // NW
    rem = nblk % NW
    nbuf = 2
    n_iter = (base + nbuf) // nbuf
    cr = 320
    nch = br // cr
    assert nch * cr == br and cr % LANES == 0
    kv = cr // LANES

    def body(dxy, ids, out_s, out_c,
             bufd0, bufd1, bufi0, bufi1,
             loc_s, loc_c, accx, accy, cur, cnt,
             sd0, si0, sd1, si1):
        w = lax.axis_index("s") * NC + lax.axis_index("c")
        nb_w = jnp.where(w < rem, base + 1, base)
        b0 = jnp.where(w < rem, w * (base + 1),
                       rem * (base + 1) + (w - rem) * base)
        zero16 = jnp.zeros((LANES,), jnp.float32)
        iota = lax.iota(jnp.int32, LANES)
        lane0 = iota == 0
        lane01 = iota < 2

        def z_s(i, c):
            loc_s[pl.ds(i * LANES, LANES)] = zero16
            return c

        lax.fori_loop(0, (2 * NUM_SEG) // LANES, z_s, 0)

        def z_c(i, c):
            loc_c[pl.ds(i * LANES, LANES)] = zero16
            return c

        lax.fori_loop(0, NUM_SEG // LANES, z_c, 0)
        accx[...] = zero16
        accy[...] = zero16
        cnt[0] = 0
        cur[0] = 0

        def start(gblk, bd, bi, semd, semi):
            r = pl.ds(gblk * br, br)
            pltpu.async_copy(dxy.at[:, r], bd, semd)
            pltpu.async_copy(ids.at[r], bi, semi)

        def wait(gblk, bd, bi, semd, semi):
            r = pl.ds(gblk * br, br)
            pltpu.make_async_copy(dxy.at[:, r], bd, semd).wait()
            pltpu.make_async_copy(ids.at[r], bi, semi).wait()

        def flush(c):
            bx = accx[...]
            by = accy[...]
            for d in (1, 2, 4, 8):
                bx = bx + _lane_gather(bx, iota ^ d)
                by = by + _lane_gather(by, iota ^ d)
            idx = jnp.where(lane0, c, NUM_SEG + c)
            plsc.store_scatter(loc_s, [idx], jnp.where(lane0, bx, by),
                               mask=lane01)
            cntv = jnp.full((LANES,), cnt[0].astype(jnp.float32), jnp.float32)
            plsc.store_scatter(loc_c, [jnp.full((LANES,), c, jnp.int32)],
                               cntv, mask=lane0)
            accx[...] = zero16
            accy[...] = zero16
            cnt[0] = 0

        def advance_to(first):
            def tb(c, carry):
                flush(c)
                return carry

            lax.fori_loop(cur[0], first, tb, 0)
            cur[0] = first

        def do_vreg(bd, bi, roff):
            s = bi[pl.ds(roff, LANES)]
            s_first = s[0]
            s_last = s[LANES - 1]
            vx = bd[0, pl.ds(roff, LANES)]
            vy = bd[1, pl.ds(roff, LANES)]
            c0 = cur[0]
            uni = (s_first == c0) & (s_last == c0)

            @pl.when(uni)
            def _fast():
                accx[...] = accx[...] + vx
                accy[...] = accy[...] + vy
                cnt[0] = cnt[0] + LANES

            @pl.when(jnp.logical_not(uni))
            def _slow():
                def cb(c, carry):
                    m = s == c
                    accx[...] = accx[...] + jnp.where(m, vx, 0.0)
                    accy[...] = accy[...] + jnp.where(m, vy, 0.0)
                    cnt[0] = cnt[0] + plsc.all_reduce_population_count(m)[0]

                    @pl.when(c < s_last)
                    def _():
                        flush(c)

                    return carry

                lax.fori_loop(c0, s_last + 1, cb, 0)
                cur[0] = s_last

        def tree_sum(vals):
            while len(vals) > 1:
                nxt = [vals[i] + vals[i + 1]
                       for i in range(0, len(vals) - 1, 2)]
                if len(vals) % 2:
                    nxt.append(vals[-1])
                vals = nxt
            return vals[0]

        def do_chunk(bd, bi, ch):
            roff = ch * cr
            first = bi[pl.ds(roff, LANES)][0]
            last = bi[pl.ds(roff + cr - LANES, LANES)][LANES - 1]
            uni = first == last

            @pl.when(uni)
            def _fastc():
                advance_to(first)
                accx[...] = accx[...] + tree_sum(
                    [bd[0, pl.ds(roff + LANES * k, LANES)] for k in range(kv)])
                accy[...] = accy[...] + tree_sum(
                    [bd[1, pl.ds(roff + LANES * k, LANES)] for k in range(kv)])
                cnt[0] = cnt[0] + cr

            @pl.when(jnp.logical_not(uni))
            def _slowc():
                def vb(k, carry):
                    do_vreg(bd, bi, roff + k * LANES)
                    return carry

                lax.fori_loop(0, kv, vb, 0)

        def do_block(bd, bi, blk):
            @pl.when(blk == 0)
            def _():
                cur[0] = bi[pl.ds(0, LANES)][0]

            def chb(ch, carry):
                do_chunk(bd, bi, ch)
                return carry

            lax.fori_loop(0, nch, chb, 0)

        ring = ((bufd0, bufi0, sd0, si0),
                (bufd1, bufi1, sd1, si1))
        for j in range(nbuf):
            start(b0 + j, *ring[j])

        def bb(i, carry):
            for j in range(nbuf):
                bd, bi, semd, semi = ring[j]
                blk = i * nbuf + j

                @pl.when(blk < nb_w)
                def _():
                    wait(b0 + blk, bd, bi, semd, semi)
                    do_block(bd, bi, blk)

                    @pl.when(blk + nbuf < nb_w)
                    def _():
                        start(b0 + blk + nbuf, bd, bi, semd, semi)

            return carry

        lax.fori_loop(0, n_iter, bb, 0)
        flush(cur[0])
        pltpu.sync_copy(loc_s, out_s.at[w])
        pltpu.sync_copy(loc_c, out_c.at[w])

    mesh = plsc.VectorSubcoreMesh(core_axis_name="c", subcore_axis_name="s")
    return pl.kernel(
        body,
        out_type=[
            jax.ShapeDtypeStruct((NW, 2 * NUM_SEG), jnp.float32),
            jax.ShapeDtypeStruct((NW, NUM_SEG), jnp.float32),
        ],
        mesh=mesh,
        compiler_params=pltpu.CompilerParams(needs_layout_passes=False),
        scratch_types=[
            pltpu.VMEM((2, br), jnp.float32),
            pltpu.VMEM((2, br), jnp.float32),
            pltpu.VMEM((br,), jnp.int32),
            pltpu.VMEM((br,), jnp.int32),
            pltpu.VMEM((2 * NUM_SEG,), jnp.float32),
            pltpu.VMEM((NUM_SEG,), jnp.float32),
            pltpu.VMEM((LANES,), jnp.float32),
            pltpu.VMEM((LANES,), jnp.float32),
            pltpu.SMEM((1,), jnp.int32),
            pltpu.SMEM((1,), jnp.int32),
            pltpu.SemaphoreType.DMA,
            pltpu.SemaphoreType.DMA,
            pltpu.SemaphoreType.DMA,
            pltpu.SemaphoreType.DMA,
        ],
    )


def _combine_body(s_ref, c_ref, o_ref):
    s = s_ref[...]
    tx = jnp.sum(s[:, :NUM_SEG], axis=0)
    ty = jnp.sum(s[:, NUM_SEG:], axis=0)
    cnt = jnp.sum(c_ref[...], axis=0)
    denom = jnp.maximum(cnt, 1.0)
    good = cnt > 0.0
    mx = jnp.where(good, tx / denom, 0.0)
    my = jnp.where(good, ty / denom, 0.0)
    o_ref[...] = jnp.stack([mx, my], axis=0)


def kernel(data, segment_ids):
    n = data.shape[0]
    sums, cnts = _sc_segment_partials(n)(data.T, segment_ids)
    out2 = pl.pallas_call(
        _combine_body,
        out_shape=jax.ShapeDtypeStruct((2, NUM_SEG), jnp.float32),
    )(sums, cnts)
    return out2.T

# --- scband reference (transcript-rebuilt; emitter-appended) ---
"""Pipeline reference for scband-stmmodel-net-47588237639840 (READ-ONLY COPY).

The authoritative reference and input builder live on the scoring server;
editing this copy changes nothing except your own understanding.
"""

import jax, jax.numpy as jnp
import numpy as np

N = 6400000
D = 2
NUM_SEG = 1024


def setup_inputs(seed: int = 0) -> dict:
    key = jax.random.key(seed)
    k1, k2 = jax.random.split(key)
    data = jax.random.normal(k1, (N, D), dtype=jnp.float32)
    segment_ids = jnp.sort(jax.random.randint(k2, (N,), 0, NUM_SEG, dtype=jnp.int32))
    return {"data": data, "segment_ids": segment_ids}


def reference(data, segment_ids):
    # Distilled core of STMModelNet.computeProperties:
    #   images = tf.squeeze(tf.math.segment_mean(per_atom_outputs, sys_idx))
    # segment_mean = segment_sum / segment_count (empty segments -> 0, matching TF).
    seg_sum = jax.ops.segment_sum(data, segment_ids, num_segments=NUM_SEG)
    counts = jax.ops.segment_sum(
        jnp.ones((data.shape[0],), dtype=data.dtype), segment_ids, num_segments=NUM_SEG
    )
    safe_counts = jnp.maximum(counts, 1.0)
    mean = jnp.where((counts > 0)[:, None], seg_sum / safe_counts[:, None], 0.0)
    images = jnp.squeeze(mean)
    return images

if __name__ == "__main__":
    import jax
    _d = setup_inputs()
    print(jax.jit(kernel)(*tuple(_d.values())))

</pallas_src>

<mosaic_0001>
#map = affine_map<(d0, d1) -> (0, 0)>
#map1 = affine_map<(d0, d1) -> (0)>
module attributes {stable_mosaic.version = 14 : i64} {
  func.func @body(%arg0: i32, %arg1: i32, %arg2: memref<2x6400000xf32, #tpu.memory_space<hbm>>, %arg3: memref<6400000xi32, #tpu.memory_space<hbm>>, %arg4: memref<32x2048xf32, #tpu.memory_space<hbm>>, %arg5: memref<32x1024xf32, #tpu.memory_space<hbm>>, %arg6: memref<2x5120xf32, #tpu.memory_space<vmem>>, %arg7: memref<2x5120xf32, #tpu.memory_space<vmem>>, %arg8: memref<5120xi32, #tpu.memory_space<vmem>>, %arg9: memref<5120xi32, #tpu.memory_space<vmem>>, %arg10: memref<2048xf32, #tpu.memory_space<vmem>>, %arg11: memref<1024xf32, #tpu.memory_space<vmem>>, %arg12: memref<16xf32, #tpu.memory_space<vmem>>, %arg13: memref<16xf32, #tpu.memory_space<vmem>>, %arg14: memref<1xi32, #tpu.memory_space<smem>>, %arg15: memref<1xi32, #tpu.memory_space<smem>>, %arg16: memref<!tpu.dma_semaphore, #tpu.memory_space<semaphore_mem>>, %arg17: memref<!tpu.dma_semaphore, #tpu.memory_space<semaphore_mem>>, %arg18: memref<!tpu.dma_semaphore, #tpu.memory_space<semaphore_mem>>, %arg19: memref<!tpu.dma_semaphore, #tpu.memory_space<semaphore_mem>>) attributes {dimension_semantics = [#tpu.dimension_semantics<core_parallel>, #tpu.dimension_semantics<subcore_parallel>], iteration_bounds = array<i64: 2, 16>, scalar_prefetch = 0 : i64, scratch_operands = 14 : i64, tpu.core_type = #tpu.core_type<sc_vector_subcore>, window_params = [{transform_indices = #map}, {transform_indices = #map1}, {transform_indices = #map}, {transform_indices = #map}]} {
    %mul3A = arith.constant 2 : i32
    %mul3A_0 = arith.muli %arg1, %mul3A : i32
    %add3A = arith.addi %mul3A_0, %arg0 : i32
    %lt3A = arith.constant 2 : i32
    %lt3A_1 = arith.cmpi slt, %add3A, %lt3A : i32
    %jit3A = arith.constant 40 : i32
    %jit3A_2 = arith.constant 39 : i32
    %select_n3A = arith.select %lt3A_1, %jit3A, %jit3A_2 : i32
    %lt3A_3 = arith.constant 2 : i32
    %lt3A_4 = arith.cmpi slt, %add3A, %lt3A_3 : i32
    %mul3A_5 = arith.constant 40 : i32
    %mul3A_6 = arith.muli %add3A, %mul3A_5 : i32
    %sub3A = arith.constant 2 : i32
    %sub3A_7 = arith.subi %add3A, %sub3A : i32
    %mul3A_8 = arith.constant 39 : i32
    %mul3A_9 = arith.muli %sub3A_7, %mul3A_8 : i32
    %add3A_10 = arith.constant 80 : i32
    %add3A_11 = arith.addi %add3A_10, %mul3A_9 : i32
    %select_n3A_12 = arith.select %lt3A_4, %mul3A_6, %add3A_11 : i32
    %broadcast_in_dim3A = arith.constant 0.000000e+00 : f32
    %broadcast_in_dim3A_13 = vector.broadcast %broadcast_in_dim3A : f32 to vector<16xf32>
    %iota3A = tpu.iota {dimensions = array<i32: 0>} : vector<16xi32>
    %eq3A = arith.constant 0 : i32
    %eq3A_14 = vector.broadcast %eq3A : i32 to vector<16xi32>
    %eq3A_15 = arith.cmpi eq, %iota3A, %eq3A_14 : vector<16xi32>
    %lt3A_16 = arith.constant 2 : i32
    %lt3A_17 = vector.broadcast %lt3A_16 : i32 to vector<16xi32>
    %lt3A_18 = arith.cmpi slt, %iota3A, %lt3A_17 : vector<16xi32>
    %scan3A = arith.constant 0 : i32
    %scan3A_19 = arith.constant 0 : i32
    %scan3A_20 = arith.constant 128 : i32
    %scan3A_21 = arith.addi %scan3A_19, %scan3A_20 : i32
    %scan3A_22 = arith.constant 1 : i32
    scf.for %scan3A_145 = %scan3A_19 to %scan3A_21 step %scan3A_22  : i32 {
      %mul3A_146 = arith.constant 16 : i32
      %mul3A_147 = arith.muli %scan3A_145, %mul3A_146 : i32
      %swap3A_148 = arith.index_cast %mul3A_147 : i32 to index
      %swap3A_149 = tpu.vector_load %arg10[%swap3A_148] {strides = array<i32>} : memref<2048xf32, #tpu.memory_space<vmem>>, vector<16xf32>,
      tpu.vector_store %arg10[%swap3A_148], %broadcast_in_dim3A_13 {strides = array<i32>} : memref<2048xf32, #tpu.memory_space<vmem>>, vector<16xf32>,
    }
    %scan3A_23 = arith.constant 128 : i32
    %scan3A_24 = arith.constant 0 : i32
    %scan3A_25 = arith.constant 0 : i32
    %scan3A_26 = arith.constant 64 : i32
    %scan3A_27 = arith.addi %scan3A_25, %scan3A_26 : i32
    %scan3A_28 = arith.constant 1 : i32
    scf.for %scan3A_145 = %scan3A_25 to %scan3A_27 step %scan3A_28  : i32 {
      %mul3A_146 = arith.constant 16 : i32
      %mul3A_147 = arith.muli %scan3A_145, %mul3A_146 : i32
      %swap3A_148 = arith.index_cast %mul3A_147 : i32 to index
      %swap3A_149 = tpu.vector_load %arg11[%swap3A_148] {strides = array<i32>} : memref<1024xf32, #tpu.memory_space<vmem>>, vector<16xf32>,
      tpu.vector_store %arg11[%swap3A_148], %broadcast_in_dim3A_13 {strides = array<i32>} : memref<1024xf32, #tpu.memory_space<vmem>>, vector<16xf32>,
    }
    %scan3A_29 = arith.constant 64 : i32
    %swap3A = arith.constant 0 : index
    %swap3A_30 = tpu.vector_load %arg12[%swap3A] {strides = array<i32>} : memref<16xf32, #tpu.memory_space<vmem>>, vector<16xf32>,
    tpu.vector_store %arg12[%swap3A], %broadcast_in_dim3A_13 {strides = array<i32>} : memref<16xf32, #tpu.memory_space<vmem>>, vector<16xf32>,
    %swap3A_31 = arith.constant 0 : index
    %swap3A_32 = tpu.vector_load %arg13[%swap3A_31] {strides = array<i32>} : memref<16xf32, #tpu.memory_space<vmem>>, vector<16xf32>,
    tpu.vector_store %arg13[%swap3A_31], %broadcast_in_dim3A_13 {strides = array<i32>} : memref<16xf32, #tpu.memory_space<vmem>>, vector<16xf32>,
    %swap3A_33 = arith.constant 0 : i32
    %swap3A_34 = arith.constant 0 : i32
    %swap3A_35 = arith.index_cast %swap3A_34 : i32 to index
    %swap3A_36 = memref.load %arg15[%swap3A_35] : memref<1xi32, #tpu.memory_space<smem>>
    memref.store %swap3A_33, %arg15[%swap3A_35] : memref<1xi32, #tpu.memory_space<smem>>
    %swap3A_37 = arith.constant 0 : i32
    %swap3A_38 = arith.constant 0 : i32
    %swap3A_39 = arith.index_cast %swap3A_38 : i32 to index
    %swap3A_40 = memref.load %arg14[%swap3A_39] : memref<1xi32, #tpu.memory_space<smem>>
    memref.store %swap3A_37, %arg14[%swap3A_39] : memref<1xi32, #tpu.memory_space<smem>>
    %add3A_41 = arith.constant 0 : i32
    %add3A_42 = arith.addi %select_n3A_12, %add3A_41 : i32
    %mul3A_43 = arith.constant 5120 : i32
    %mul3A_44 = arith.muli %add3A_42, %mul3A_43 : i32
    %dma_start3A = arith.constant 0 : i32
    %dma_start3A_45 = tpu.memref_slice %arg2[%dma_start3A, %mul3A_44] : memref<2x6400000xf32, #tpu.memory_space<hbm>> -> memref<2x5120xf32, #tpu.memory_space<hbm>>
    %dma_start3A_46 = arith.constant 0 : i32
    %dma_start3A_47 = tpu.memref_slice %arg2[%dma_start3A_46, %mul3A_44] : memref<2x6400000xf32, #tpu.memory_space<hbm>> -> memref<2x5120xf32, #tpu.memory_space<hbm>>
    tpu.enqueue_dma source(%dma_start3A_47 : memref<2x5120xf32, #tpu.memory_space<hbm>>) target(%arg6 : memref<2x5120xf32, #tpu.memory_space<vmem>>) target_semaphore(%arg16 : memref<!tpu.dma_semaphore, #tpu.memory_space<semaphore_mem>>)
    %dma_start3A_48 = tpu.memref_slice %arg3[%mul3A_44] : memref<6400000xi32, #tpu.memory_space<hbm>> -> memref<5120xi32, #tpu.memory_space<hbm>>
    %dma_start3A_49 = tpu.memref_slice %arg3[%mul3A_44] : memref<6400000xi32, #tpu.memory_space<hbm>> -> memref<5120xi32, #tpu.memory_space<hbm>>
    tpu.enqueue_dma source(%dma_start3A_49 : memref<5120xi32, #tpu.memory_space<hbm>>) target(%arg8 : memref<5120xi32, #tpu.memory_space<vmem>>) target_semaphore(%arg17 : memref<!tpu.dma_semaphore, #tpu.memory_space<semaphore_mem>>)
    %add3A_50 = arith.constant 1 : i32
    %add3A_51 = arith.addi %select_n3A_12, %add3A_50 : i32
    %mul3A_52 = arith.constant 5120 : i32
    %mul3A_53 = arith.muli %add3A_51, %mul3A_52 : i32
    %dma_start3A_54 = arith.constant 0 : i32
    %dma_start3A_55 = tpu.memref_slice %arg2[%dma_start3A_54, %mul3A_53] : memref<2x6400000xf32, #tpu.memory_space<hbm>> -> memref<2x5120xf32, #tpu.memory_space<hbm>>
    %dma_start3A_56 = arith.constant 0 : i32
    %dma_start3A_57 = tpu.memref_slice %arg2[%dma_start3A_56, %mul3A_53] : memref<2x6400000xf32, #tpu.memory_space<hbm>> -> memref<2x5120xf32, #tpu.memory_space<hbm>>
    tpu.enqueue_dma source(%dma_start3A_57 : memref<2x5120xf32, #tpu.memory_space<hbm>>) target(%arg7 : memref<2x5120xf32, #tpu.memory_space<vmem>>) target_semaphore(%arg18 : memref<!tpu.dma_semaphore, #tpu.memory_space<semaphore_mem>>)
    %dma_start3A_58 = tpu.memref_slice %arg3[%mul3A_53] : memref<6400000xi32, #tpu.memory_space<hbm>> -> memref<5120xi32, #tpu.memory_space<hbm>>
    %dma_start3A_59 = tpu.memref_slice %arg3[%mul3A_53] : memref<6400000xi32, #tpu.memory_space<hbm>> -> memref<5120xi32, #tpu.memory_space<hbm>>
    tpu.enqueue_dma source(%dma_start3A_59 : memref<5120xi32, #tpu.memory_space<hbm>>) target(%arg9 : memref<5120xi32, #tpu.memory_space<vmem>>) target_semaphore(%arg19 : memref<!tpu.dma_semaphore, #tpu.memory_space<semaphore_mem>>)
    %scan3A_60 = arith.constant 0 : i32
    %scan3A_61 = arith.constant 0 : i32
    %scan3A_62 = arith.constant 20 : i32
    %scan3A_63 = arith.addi %scan3A_61, %scan3A_62 : i32
    %scan3A_64 = arith.constant 1 : i32
    scf.for %scan3A_145 = %scan3A_61 to %scan3A_63 step %scan3A_64  : i32 {
      %mul3A_146 = arith.constant 2 : i32
      %mul3A_147 = arith.muli %scan3A_145, %mul3A_146 : i32
      %add3A_148 = arith.constant 0 : i32
      %add3A_149 = arith.addi %mul3A_147, %add3A_148 : i32
      %lt3A_150 = arith.cmpi slt, %add3A_149, %select_n3A : i32
      %convert_element_type3A_151 = arith.extui %lt3A_150 : i1 to i32
      %cond3A = arith.constant 0 : i32
      %cond3A_152 = arith.cmpi ne, %convert_element_type3A_151, %cond3A : i32
      scf.if %cond3A_152 {
        %add3A_161 = arith.addi %select_n3A_12, %add3A_149 : i32
        %mul3A_162 = arith.constant 5120 : i32
        %mul3A_163 = arith.muli %add3A_161, %mul3A_162 : i32
        %dma_wait3A = arith.constant 0 : i32
        %dma_wait3A_164 = tpu.memref_slice %arg2[%dma_wait3A, %mul3A_163] : memref<2x6400000xf32, #tpu.memory_space<hbm>> -> memref<2x5120xf32, #tpu.memory_space<hbm>>
        %dma_wait3A_165 = arith.constant 0 : i32
        %dma_wait3A_166 = tpu.memref_slice %arg2[%dma_wait3A_165, %mul3A_163] : memref<2x6400000xf32, #tpu.memory_space<hbm>> -> memref<2x5120xf32, #tpu.memory_space<hbm>>
        tpu.wait_dma2 semaphore(%arg16 : memref<!tpu.dma_semaphore, #tpu.memory_space<semaphore_mem>>) src(%dma_wait3A_166 : memref<2x5120xf32, #tpu.memory_space<hbm>>) dst(%arg6 : memref<2x5120xf32, #tpu.memory_space<vmem>>)
        %dma_wait3A_167 = tpu.memref_slice %arg3[%mul3A_163] : memref<6400000xi32, #tpu.memory_space<hbm>> -> memref<5120xi32, #tpu.memory_space<hbm>>
        %dma_wait3A_168 = tpu.memref_slice %arg3[%mul3A_163] : memref<6400000xi32, #tpu.memory_space<hbm>> -> memref<5120xi32, #tpu.memory_space<hbm>>
        tpu.wait_dma2 semaphore(%arg17 : memref<!tpu.dma_semaphore, #tpu.memory_space<semaphore_mem>>) src(%dma_wait3A_168 : memref<5120xi32, #tpu.memory_space<hbm>>) dst(%arg8 : memref<5120xi32, #tpu.memory_space<vmem>>)
        %eq3A_169 = arith.constant 0 : i32
        %eq3A_170 = arith.cmpi eq, %add3A_149, %eq3A_169 : i32
        %convert_element_type3A_171 = arith.extui %eq3A_170 : i1 to i32
        %cond3A_172 = arith.constant 0 : i32
        %cond3A_173 = arith.cmpi ne, %convert_element_type3A_171, %cond3A_172 : i32
        scf.if %cond3A_173 {
          %get3A_186 = arith.constant 0 : index
          %get3A_187 = tpu.vector_load %arg8[%get3A_186] {strides = array<i32>} : memref<5120xi32, #tpu.memory_space<vmem>>, vector<16xi32>,
          %slice3A = vector.extract_strided_slice %get3A_187 {offsets = [0], sizes = [1], strides = [1]} : vector<16xi32> to vector<1xi32>
          %squeeze3A = vector.extract %slice3A[0] : i32 from vector<1xi32>
          %swap3A_188 = arith.constant 0 : i32
          %swap3A_189 = arith.index_cast %swap3A_188 : i32 to index
          %swap3A_190 = memref.load %arg14[%swap3A_189] : memref<1xi32, #tpu.memory_space<smem>>
          memref.store %squeeze3A, %arg14[%swap3A_189] : memref<1xi32, #tpu.memory_space<smem>>
        } else {
        }
        %scan3A_174 = arith.constant 0 : i32
        %scan3A_175 = arith.constant 0 : i32
        %scan3A_176 = arith.constant 16 : i32
        %scan3A_177 = arith.addi %scan3A_175, %scan3A_176 : i32
        %scan3A_178 = arith.constant 1 : i32
        scf.for %scan3A_186 = %scan3A_175 to %scan3A_177 step %scan3A_178  : i32 {
          %mul3A_187 = arith.constant 320 : i32
          %mul3A_188 = arith.muli %scan3A_186, %mul3A_187 : i32
          %get3A_189 = arith.index_cast %mul3A_188 : i32 to index
          %get3A_190 = tpu.vector_load %arg8[%get3A_189] {strides = array<i32>} : memref<5120xi32, #tpu.memory_space<vmem>>, vector<16xi32>,
          %slice3A = vector.extract_strided_slice %get3A_190 {offsets = [0], sizes = [1], strides = [1]} : vector<16xi32> to vector<1xi32>
          %squeeze3A = vector.extract %slice3A[0] : i32 from vector<1xi32>
          %add3A_191 = arith.constant 320 : i32
          %add3A_192 = arith.addi %mul3A_188, %add3A_191 : i32
          %sub3A_193 = arith.constant 16 : i32
          %sub3A_194 = arith.subi %add3A_192, %sub3A_193 : i32
          %get3A_195 = arith.index_cast %sub3A_194 : i32 to index
          %get3A_196 = tpu.vector_load %arg8[%get3A_195] {strides = array<i32>} : memref<5120xi32, #tpu.memory_space<vmem>>, vector<16xi32>,
          %slice3A_197 = vector.extract_strided_slice %get3A_196 {offsets = [15], sizes = [1], strides = [1]} : vector<16xi32> to vector<1xi32>
          %squeeze3A_198 = vector.extract %slice3A_197[0] : i32 from vector<1xi32>
          %eq3A_199 = arith.cmpi eq, %squeeze3A, %squeeze3A_198 : i32
          %convert_element_type3A_200 = arith.extui %eq3A_199 : i1 to i32
          %cond3A_201 = arith.constant 0 : i32
          %cond3A_202 = arith.cmpi ne, %convert_element_type3A_200, %cond3A_201 : i32
          scf.if %cond3A_202 {
            %get3A_207 = arith.constant 0 : i32
            %get3A_208 = arith.index_cast %get3A_207 : i32 to index
            %get3A_209 = memref.load %arg14[%get3A_208] : memref<1xi32, #tpu.memory_space<smem>>
            %while3A = arith.constant 0 : i32
            %while3A_210 = arith.subi %squeeze3A, %get3A_209 : i32
            %while3A_211 = arith.addi %get3A_209, %while3A_210 : i32
            %while3A_212 = arith.constant 1 : i32
            %while3A_213 = arith.divsi %while3A_210, %while3A_212 : i32
            %while3A_214 = arith.muli %while3A_213, %while3A_212 : i32
            %while3A_215 = arith.addi %get3A_209, %while3A_214 : i32
            %while3A_216 = arith.constant 1 : i32
            scf.for %while3A_517 = %get3A_209 to %while3A_215 step %while3A_216  : i32 {
              %get3A_518 = arith.constant 0 : index
              %get3A_519 = tpu.vector_load %arg12[%get3A_518] {strides = array<i32>} : memref<16xf32, #tpu.memory_space<vmem>>, vector<16xf32>,
              %get3A_520 = arith.constant 0 : index
              %get3A_521 = tpu.vector_load %arg13[%get3A_520] {strides = array<i32>} : memref<16xf32, #tpu.memory_space<vmem>>, vector<16xf32>,
              %xor3A_522 = arith.constant 1 : i32
              %xor3A_523 = vector.broadcast %xor3A_522 : i32 to vector<16xi32>
              %xor3A_524 = arith.xori %iota3A, %xor3A_523 : vector<16xi32>
              %broadcast_in_dim3A_525 = vector.shape_cast %xor3A_524 : vector<16xi32> to vector<16x1xi32>
              %gather3A_526 = vector.shape_cast %broadcast_in_dim3A_525 : vector<16x1xi32> to vector<16xi32>
              %gather3A_527 = tpu.dynamic_gather %get3A_519[%gather3A_526] in [0] : vector<16xf32>, vector<16xi32> -> vector<16xf32>
              %add3A_528 = arith.addf %get3A_519, %gather3A_527 : vector<16xf32>
              %xor3A_529 = arith.constant 1 : i32
              %xor3A_530 = vector.broadcast %xor3A_529 : i32 to vector<16xi32>
              %xor3A_531 = arith.xori %iota3A, %xor3A_530 : vector<16xi32>
              %broadcast_in_dim3A_532 = vector.shape_cast %xor3A_531 : vector<16xi32> to vector<16x1xi32>
              %gather3A_533 = vector.shape_cast %broadcast_in_dim3A_532 : vector<16x1xi32> to vector<16xi32>
              %gather3A_534 = tpu.dynamic_gather %get3A_521[%gather3A_533] in [0] : vector<16xf32>, vector<16xi32> -> vector<16xf32>
              %add3A_535 = arith.addf %get3A_521, %gather3A_534 : vector<16xf32>
              %xor3A_536 = arith.constant 2 : i32
              %xor3A_537 = vector.broadcast %xor3A_536 : i32 to vector<16xi32>
              %xor3A_538 = arith.xori %iota3A, %xor3A_537 : vector<16xi32>
              %broadcast_in_dim3A_539 = vector.shape_cast %xor3A_538 : vector<16xi32> to vector<16x1xi32>
              %gather3A_540 = vector.shape_cast %broadcast_in_dim3A_539 : vector<16x1xi32> to vector<16xi32>
              %gather3A_541 = tpu.dynamic_gather %add3A_528[%gather3A_540] in [0] : vector<16xf32>, vector<16xi32> -> vector<16xf32>
              %add3A_542 = arith.addf %add3A_528, %gather3A_541 : vector<16xf32>
              %xor3A_543 = arith.constant 2 : i32
              %xor3A_544 = vector.broadcast %xor3A_543 : i32 to vector<16xi32>
              %xor3A_545 = arith.xori %iota3A, %xor3A_544 : vector<16xi32>
              %broadcast_in_dim3A_546 = vector.shape_cast %xor3A_545 : vector<16xi32> to vector<16x1xi32>
              %gather3A_547 = vector.shape_cast %broadcast_in_dim3A_546 : vector<16x1xi32> to vector<16xi32>
              %gather3A_548 = tpu.dynamic_gather %add3A_535[%gather3A_547] in [0] : vector<16xf32>, vector<16xi32> -> vector<16xf32>
              %add3A_549 = arith.addf %add3A_535, %gather3A_548 : vector<16xf32>
              %xor3A_550 = arith.constant 4 : i32
              %xor3A_551 = vector.broadcast %xor3A_550 : i32 to vector<16xi32>
              %xor3A_552 = arith.xori %iota3A, %xor3A_551 : vector<16xi32>
              %broadcast_in_dim3A_553 = vector.shape_cast %xor3A_552 : vector<16xi32> to vector<16x1xi32>
              %gather3A_554 = vector.shape_cast %broadcast_in_dim3A_553 : vector<16x1xi32> to vector<16xi32>
              %gather3A_555 = tpu.dynamic_gather %add3A_542[%gather3A_554] in [0] : vector<16xf32>, vector<16xi32> -> vector<16xf32>
              %add3A_556 = arith.addf %add3A_542, %gather3A_555 : vector<16xf32>
              %xor3A_557 = arith.constant 4 : i32
              %xor3A_558 = vector.broadcast %xor3A_557 : i32 to vector<16xi32>
              %xor3A_559 = arith.xori %iota3A, %xor3A_558 : vector<16xi32>
              %broadcast_in_dim3A_560 = vector.shape_cast %xor3A_559 : vector<16xi32> to vector<16x1xi32>
              %gather3A_561 = vector.shape_cast %broadcast_in_dim3A_560 : vector<16x1xi32> to vector<16xi32>
              %gather3A_562 = tpu.dynamic_gather %add3A_549[%gather3A_561] in [0] : vector<16xf32>, vector<16xi32> -> vector<16xf32>
              %add3A_563 = arith.addf %add3A_549, %gather3A_562 : vector<16xf32>
              %xor3A_564 = arith.constant 8 : i32
              %xor3A_565 = vector.broadcast %xor3A_564 : i32 to vector<16xi32>
              %xor3A_566 = arith.xori %iota3A, %xor3A_565 : vector<16xi32>
              %broadcast_in_dim3A_567 = vector.shape_cast %xor3A_566 : vector<16xi32> to vector<16x1xi32>
              %gather3A_568 = vector.shape_cast %broadcast_in_dim3A_567 : vector<16x1xi32> to vector<16xi32>
              %gather3A_569 = tpu.dynamic_gather %add3A_556[%gather3A_568] in [0] : vector<16xf32>, vector<16xi32> -> vector<16xf32>
              %add3A_570 = arith.addf %add3A_556, %gather3A_569 : vector<16xf32>
              %xor3A_571 = arith.constant 8 : i32
              %xor3A_572 = vector.broadcast %xor3A_571 : i32 to vector<16xi32>
              %xor3A_573 = arith.xori %iota3A, %xor3A_572 : vector<16xi32>
              %broadcast_in_dim3A_574 = vector.shape_cast %xor3A_573 : vector<16xi32> to vector<16x1xi32>
              %gather3A_575 = vector.shape_cast %broadcast_in_dim3A_574 : vector<16x1xi32> to vector<16xi32>
              %gather3A_576 = tpu.dynamic_gather %add3A_563[%gather3A_575] in [0] : vector<16xf32>, vector<16xi32> -> vector<16xf32>
              %add3A_577 = arith.addf %add3A_563, %gather3A_576 : vector<16xf32>
              %add3A_578 = arith.constant 1024 : i32
              %add3A_579 = arith.addi %add3A_578, %while3A_517 : i32
              %broadcast_in_dim3A_580 = vector.broadcast %while3A_517 : i32 to vector<16xi32>
              %broadcast_in_dim3A_581 = vector.broadcast %add3A_579 : i32 to vector<16xi32>
              %select_n3A_582 = arith.select %eq3A_15, %broadcast_in_dim3A_580, %broadcast_in_dim3A_581 : vector<16xi1>, vector<16xi32>
              %select_n3A_583 = arith.select %eq3A_15, %add3A_570, %add3A_577 : vector<16xi1>, vector<16xf32>
              tpu.vector_store_idx %arg10[%select_n3A_582], %select_n3A_583 masked %lt3A_18 : memref<2048xf32, #tpu.memory_space<vmem>>[vector<16xi32>], vector<16xf32>, vector<16xi1>
              %get3A_584 = arith.constant 0 : i32
              %get3A_585 = arith.index_cast %get3A_584 : i32 to index
              %get3A_586 = memref.load %arg15[%get3A_585] : memref<1xi32, #tpu.memory_space<smem>>
              %convert_element_type3A_587 = arith.sitofp %get3A_586 : i32 to f32
              %broadcast_in_dim3A_588 = vector.broadcast %convert_element_type3A_587 : f32 to vector<16xf32>
              %broadcast_in_dim3A_589 = vector.broadcast %while3A_517 : i32 to vector<16xi32>
              tpu.vector_store_idx %arg11[%broadcast_in_dim3A_589], %broadcast_in_dim3A_588 masked %eq3A_15 : memref<1024xf32, #tpu.memory_space<vmem>>[vector<16xi32>], vector<16xf32>, vector<16xi1>
              %swap3A_590 = arith.constant 0 : index
              %swap3A_591 = tpu.vector_load %arg12[%swap3A_590] {strides = array<i32>} : memref<16xf32, #tpu.memory_space<vmem>>, vector<16xf32>,
              tpu.vector_store %arg12[%swap3A_590], %broadcast_in_dim3A_13 {strides = array<i32>} : memref<16xf32, #tpu.memory_space<vmem>>, vector<16xf32>,
              %swap3A_592 = arith.constant 0 : index
              %swap3A_593 = tpu.vector_load %arg13[%swap3A_592] {strides = array<i32>} : memref<16xf32, #tpu.memory_space<vmem>>, vector<16xf32>,
              tpu.vector_store %arg13[%swap3A_592], %broadcast_in_dim3A_13 {strides = array<i32>} : memref<16xf32, #tpu.memory_space<vmem>>, vector<16xf32>,
              %swap3A_594 = arith.constant 0 : i32
              %swap3A_595 = arith.constant 0 : i32
              %swap3A_596 = arith.index_cast %swap3A_595 : i32 to index
              %swap3A_597 = memref.load %arg15[%swap3A_596] : memref<1xi32, #tpu.memory_space<smem>>
              memref.store %swap3A_594, %arg15[%swap3A_596] : memref<1xi32, #tpu.memory_space<smem>>
            }
            %while3A_217 = arith.constant 1 : i32
            scf.for %while3A_517 = %while3A_215 to %while3A_211 step %while3A_217  : i32 {
              %get3A_518 = arith.constant 0 : index
              %get3A_519 = tpu.vector_load %arg12[%get3A_518] {strides = array<i32>} : memref<16xf32, #tpu.memory_space<vmem>>, vector<16xf32>,
              %get3A_520 = arith.constant 0 : index
              %get3A_521 = tpu.vector_load %arg13[%get3A_520] {strides = array<i32>} : memref<16xf32, #tpu.memory_space<vmem>>, vector<16xf32>,
              %xor3A_522 = arith.constant 1 : i32
              %xor3A_523 = vector.broadcast %xor3A_522 : i32 to vector<16xi32>
              %xor3A_524 = arith.xori %iota3A, %xor3A_523 : vector<16xi32>
              %broadcast_in_dim3A_525 = vector.shape_cast %xor3A_524 : vector<16xi32> to vector<16x1xi32>
              %gather3A_526 = vector.shape_cast %broadcast_in_dim3A_525 : vector<16x1xi32> to vector<16xi32>
              %gather3A_527 = tpu.dynamic_gather %get3A_519[%gather3A_526] in [0] : vector<16xf32>, vector<16xi32> -> vector<16xf32>
              %add3A_528 = arith.addf %get3A_519, %gather3A_527 : vector<16xf32>
              %xor3A_529 = arith.constant 1 : i32
              %xor3A_530 = vector.broadcast %xor3A_529 : i32 to vector<16xi32>
              %xor3A_531 = arith.xori %iota3A, %xor3A_530 : vector<16xi32>
              %broadcast_in_dim3A_532 = vector.shape_cast %xor3A_531 : vector<16xi32> to vector<16x1xi32>
              %gather3A_533 = vector.shape_cast %broadcast_in_dim3A_532 : vector<16x1xi32> to vector<16xi32>
              %gather3A_534 = tpu.dynamic_gather %get3A_521[%gather3A_533] in [0] : vector<16xf32>, vector<16xi32> -> vector<16xf32>
              %add3A_535 = arith.addf %get3A_521, %gather3A_534 : vector<16xf32>
              %xor3A_536 = arith.constant 2 : i32
              %xor3A_537 = vector.broadcast %xor3A_536 : i32 to vector<16xi32>
              %xor3A_538 = arith.xori %iota3A, %xor3A_537 : vector<16xi32>
              %broadcast_in_dim3A_539 = vector.shape_cast %xor3A_538 : vector<16xi32> to vector<16x1xi32>
              %gather3A_540 = vector.shape_cast %broadcast_in_dim3A_539 : vector<16x1xi32> to vector<16xi32>
              %gather3A_541 = tpu.dynamic_gather %add3A_528[%gather3A_540] in [0] : vector<16xf32>, vector<16xi32> -> vector<16xf32>
              %add3A_542 = arith.addf %add3A_528, %gather3A_541 : vector<16xf32>
              %xor3A_543 = arith.constant 2 : i32
              %xor3A_544 = vector.broadcast %xor3A_543 : i32 to vector<16xi32>
              %xor3A_545 = arith.xori %iota3A, %xor3A_544 : vector<16xi32>
              %broadcast_in_dim3A_546 = vector.shape_cast %xor3A_545 : vector<16xi32> to vector<16x1xi32>
              %gather3A_547 = vector.shape_cast %broadcast_in_dim3A_546 : vector<16x1xi32> to vector<16xi32>
              %gather3A_548 = tpu.dynamic_gather %add3A_535[%gather3A_547] in [0] : vector<16xf32>, vector<16xi32> -> vector<16xf32>
              %add3A_549 = arith.addf %add3A_535, %gather3A_548 : vector<16xf32>
              %xor3A_550 = arith.constant 4 : i32
              %xor3A_551 = vector.broadcast %xor3A_550 : i32 to vector<16xi32>
              %xor3A_552 = arith.xori %iota3A, %xor3A_551 : vector<16xi32>
              %broadcast_in_dim3A_553 = vector.shape_cast %xor3A_552 : vector<16xi32> to vector<16x1xi32>
              %gather3A_554 = vector.shape_cast %broadcast_in_dim3A_553 : vector<16x1xi32> to vector<16xi32>
              %gather3A_555 = tpu.dynamic_gather %add3A_542[%gather3A_554] in [0] : vector<16xf32>, vector<16xi32> -> vector<16xf32>
              %add3A_556 = arith.addf %add3A_542, %gather3A_555 : vector<16xf32>
              %xor3A_557 = arith.constant 4 : i32
              %xor3A_558 = vector.broadcast %xor3A_557 : i32 to vector<16xi32>
              %xor3A_559 = arith.xori %iota3A, %xor3A_558 : vector<16xi32>
              %broadcast_in_dim3A_560 = vector.shape_cast %xor3A_559 : vector<16xi32> to vector<16x1xi32>
              %gather3A_561 = vector.shape_cast %broadcast_in_dim3A_560 : vector<16x1xi32> to vector<16xi32>
              %gather3A_562 = tpu.dynamic_gather %add3A_549[%gather3A_561] in [0] : vector<16xf32>, vector<16xi32> -> vector<16xf32>
              %add3A_563 = arith.addf %add3A_549, %gather3A_562 : vector<16xf32>
              %xor3A_564 = arith.constant 8 : i32
              %xor3A_565 = vector.broadcast %xor3A_564 : i32 to vector<16xi32>
              %xor3A_566 = arith.xori %iota3A, %xor3A_565 : vector<16xi32>
              %broadcast_in_dim3A_567 = vector.shape_cast %xor3A_566 : vector<16xi32> to vector<16x1xi32>
              %gather3A_568 = vector.shape_cast %broadcast_in_dim3A_567 : vector<16x1xi32> to vector<16xi32>
              %gather3A_569 = tpu.dynamic_gather %add3A_556[%gather3A_568] in [0] : vector<16xf32>, vector<16xi32> -> vector<16xf32>
              %add3A_570 = arith.addf %add3A_556, %gather3A_569 : vector<16xf32>
              %xor3A_571 = arith.constant 8 : i32
              %xor3A_572 = vector.broadcast %xor3A_571 : i32 to vector<16xi32>
              %xor3A_573 = arith.xori %iota3A, %xor3A_572 : vector<16xi32>
              %broadcast_in_dim3A_574 = vector.shape_cast %xor3A_573 : vector<16xi32> to vector<16x1xi32>
              %gather3A_575 = vector.shape_cast %broadcast_in_dim3A_574 : vector<16x1xi32> to vector<16xi32>
              %gather3A_576 = tpu.dynamic_gather %add3A_563[%gather3A_575] in [0] : vector<16xf32>, vector<16xi32> -> vector<16xf32>
              %add3A_577 = arith.addf %add3A_563, %gather3A_576 : vector<16xf32>
              %add3A_578 = arith.constant 1024 : i32
              %add3A_579 = arith.addi %add3A_578, %while3A_517 : i32
              %broadcast_in_dim3A_580 = vector.broadcast %while3A_517 : i32 to vector<16xi32>
              %broadcast_in_dim3A_581 = vector.broadcast %add3A_579 : i32 to vector<16xi32>
              %select_n3A_582 = arith.select %eq3A_15, %broadcast_in_dim3A_580, %broadcast_in_dim3A_581 : vector<16xi1>, vector<16xi32>
              %select_n3A_583 = arith.select %eq3A_15, %add3A_570, %add3A_577 : vector<16xi1>, vector<16xf32>
              tpu.vector_store_idx %arg10[%select_n3A_582], %select_n3A_583 masked %lt3A_18 : memref<2048xf32, #tpu.memory_space<vmem>>[vector<16xi32>], vector<16xf32>, vector<16xi1>
              %get3A_584 = arith.constant 0 : i32
              %get3A_585 = arith.index_cast %get3A_584 : i32 to index
              %get3A_586 = memref.load %arg15[%get3A_585] : memref<1xi32, #tpu.memory_space<smem>>
              %convert_element_type3A_587 = arith.sitofp %get3A_586 : i32 to f32
              %broadcast_in_dim3A_588 = vector.broadcast %convert_element_type3A_587 : f32 to vector<16xf32>
              %broadcast_in_dim3A_589 = vector.broadcast %while3A_517 : i32 to vector<16xi32>
              tpu.vector_store_idx %arg11[%broadcast_in_dim3A_589], %broadcast_in_dim3A_588 masked %eq3A_15 : memref<1024xf32, #tpu.memory_space<vmem>>[vector<16xi32>], vector<16xf32>, vector<16xi1>
              %swap3A_590 = arith.constant 0 : index
              %swap3A_591 = tpu.vector_load %arg12[%swap3A_590] {strides = array<i32>} : memref<16xf32, #tpu.memory_space<vmem>>, vector<16xf32>,
              tpu.vector_store %arg12[%swap3A_590], %broadcast_in_dim3A_13 {strides = array<i32>} : memref<16xf32, #tpu.memory_space<vmem>>, vector<16xf32>,
              %swap3A_592 = arith.constant 0 : index
              %swap3A_593 = tpu.vector_load %arg13[%swap3A_592] {strides = array<i32>} : memref<16xf32, #tpu.memory_space<vmem>>, vector<16xf32>,
              tpu.vector_store %arg13[%swap3A_592], %broadcast_in_dim3A_13 {strides = array<i32>} : memref<16xf32, #tpu.memory_space<vmem>>, vector<16xf32>,
              %swap3A_594 = arith.constant 0 : i32
              %swap3A_595 = arith.constant 0 : i32
              %swap3A_596 = arith.index_cast %swap3A_595 : i32 to index
              %swap3A_597 = memref.load %arg15[%swap3A_596] : memref<1xi32, #tpu.memory_space<smem>>
              memref.store %swap3A_594, %arg15[%swap3A_596] : memref<1xi32, #tpu.memory_space<smem>>
            }
            %swap3A_218 = arith.constant 0 : i32
            %swap3A_219 = arith.index_cast %swap3A_218 : i32 to index
            %swap3A_220 = memref.load %arg14[%swap3A_219] : memref<1xi32, #tpu.memory_space<smem>>
            memref.store %squeeze3A, %arg14[%swap3A_219] : memref<1xi32, #tpu.memory_space<smem>>
            %get3A_221 = arith.constant 0 : index
            %get3A_222 = tpu.vector_load %arg12[%get3A_221] {strides = array<i32>} : memref<16xf32, #tpu.memory_space<vmem>>, vector<16xf32>,
            %add3A_223 = arith.constant 0 : i32
            %add3A_224 = arith.addi %mul3A_188, %add3A_223 : i32
            %get3A_225 = arith.constant 0 : i32
            %get3A_226 = arith.index_cast %get3A_225 : i32 to index
            %get3A_227 = arith.index_cast %add3A_224 : i32 to index
            %get3A_228 = tpu.vector_load %arg6[%get3A_226, %get3A_227] {strides = array<i32>} : memref<2x5120xf32, #tpu.memory_space<vmem>>, vector<16xf32>,
            %add3A_229 = arith.constant 16 : i32
            %add3A_230 = arith.addi %mul3A_188, %add3A_229 : i32
            %get3A_231 = arith.constant 0 : i32
            %get3A_232 = arith.index_cast %get3A_231 : i32 to index
            %get3A_233 = arith.index_cast %add3A_230 : i32 to index
            %get3A_234 = tpu.vector_load %arg6[%get3A_232, %get3A_233] {strides = array<i32>} : memref<2x5120xf32, #tpu.memory_space<vmem>>, vector<16xf32>,
            %add3A_235 = arith.constant 32 : i32
            %add3A_236 = arith.addi %mul3A_188, %add3A_235 : i32
            %get3A_237 = arith.constant 0 : i32
            %get3A_238 = arith.index_cast %get3A_237 : i32 to index
            %get3A_239 = arith.index_cast %add3A_236 : i32 to index
            %get3A_240 = tpu.vector_load %arg6[%get3A_238, %get3A_239] {strides = array<i32>} : memref<2x5120xf32, #tpu.memory_space<vmem>>, vector<16xf32>,
            %add3A_241 = arith.constant 48 : i32
            %add3A_242 = arith.addi %mul3A_188, %add3A_241 : i32
            %get3A_243 = arith.constant 0 : i32
            %get3A_244 = arith.index_cast %get3A_243 : i32 to index
            %get3A_245 = arith.index_cast %add3A_242 : i32 to index
            %get3A_246 = tpu.vector_load %arg6[%get3A_244, %get3A_245] {strides = array<i32>} : memref<2x5120xf32, #tpu.memory_space<vmem>>, vector<16xf32>,
            %add3A_247 = arith.constant 64 : i32
            %add3A_248 = arith.addi %mul3A_188, %add3A_247 : i32
            %get3A_249 = arith.constant 0 : i32
            %get3A_250 = arith.index_cast %get3A_249 : i32 to index
            %get3A_251 = arith.index_cast %add3A_248 : i32 to index
            %get3A_252 = tpu.vector_load %arg6[%get3A_250, %get3A_251] {strides = array<i32>} : memref<2x5120xf32, #tpu.memory_space<vmem>>, vector<16xf32>,
            %add3A_253 = arith.constant 80 : i32
            %add3A_254 = arith.addi %mul3A_188, %add3A_253 : i32
            %get3A_255 = arith.constant 0 : i32
            %get3A_256 = arith.index_cast %get3A_255 : i32 to index
            %get3A_257 = arith.index_cast %add3A_254 : i32 to index
            %get3A_258 = tpu.vector_load %arg6[%get3A_256, %get3A_257] {strides = array<i32>} : memref<2x5120xf32, #tpu.memory_space<vmem>>, vector<16xf32>,
            %add3A_259 = arith.constant 96 : i32
            %add3A_260 = arith.addi %mul3A_188, %add3A_259 : i32
            %get3A_261 = arith.constant 0 : i32
            %get3A_262 = arith.index_cast %get3A_261 : i32 to index
            %get3A_263 = arith.index_cast %add3A_260 : i32 to index
            %get3A_264 = tpu.vector_load %arg6[%get3A_262, %get3A_263] {strides = array<i32>} : memref<2x5120xf32, #tpu.memory_space<vmem>>, vector<16xf32>,
            %add3A_265 = arith.constant 112 : i32
            %add3A_266 = arith.addi %mul3A_188, %add3A_265 : i32
            %get3A_267 = arith.constant 0 : i32
            %get3A_268 = arith.index_cast %get3A_267 : i32 to index
            %get3A_269 = arith.index_cast %add3A_266 : i32 to index
            %get3A_270 = tpu.vector_load %arg6[%get3A_268, %get3A_269] {strides = array<i32>} : memref<2x5120xf32, #tpu.memory_space<vmem>>, vector<16xf32>,
            %add3A_271 = arith.constant 128 : i32
            %add3A_272 = arith.addi %mul3A_188, %add3A_271 : i32
            %get3A_273 = arith.constant 0 : i32
            %get3A_274 = arith.index_cast %get3A_273 : i32 to index
            %get3A_275 = arith.index_cast %add3A_272 : i32 to index
            %get3A_276 = tpu.vector_load %arg6[%get3A_274, %get3A_275] {strides = array<i32>} : memref<2x5120xf32, #tpu.memory_space<vmem>>, vector<16xf32>,
            %add3A_277 = arith.constant 144 : i32
            %add3A_278 = arith.addi %mul3A_188, %add3A_277 : i32
            %get3A_279 = arith.constant 0 : i32
            %get3A_280 = arith.index_cast %get3A_279 : i32 to index
            %get3A_281 = arith.index_cast %add3A_278 : i32 to index
            %get3A_282 = tpu.vector_load %arg6[%get3A_280, %get3A_281] {strides = array<i32>} : memref<2x5120xf32, #tpu.memory_space<vmem>>, vector<16xf32>,
            %add3A_283 = arith.constant 160 : i32
            %add3A_284 = arith.addi %mul3A_188, %add3A_283 : i32
            %get3A_285 = arith.constant 0 : i32
            %get3A_286 = arith.index_cast %get3A_285 : i32 to index
            %get3A_287 = arith.index_cast %add3A_284 : i32 to index
            %get3A_288 = tpu.vector_load %arg6[%get3A_286, %get3A_287] {strides = array<i32>} : memref<2x5120xf32, #tpu.memory_space<vmem>>, vector<16xf32>,
            %add3A_289 = arith.constant 176 : i32
            %add3A_290 = arith.addi %mul3A_188, %add3A_289 : i32
            %get3A_291 = arith.constant 0 : i32
            %get3A_292 = arith.index_cast %get3A_291 : i32 to index
            %get3A_293 = arith.index_cast %add3A_290 : i32 to index
            %get3A_294 = tpu.vector_load %arg6[%get3A_292, %get3A_293] {strides = array<i32>} : memref<2x5120xf32, #tpu.memory_space<vmem>>, vector<16xf32>,
            %add3A_295 = arith.constant 192 : i32
            %add3A_296 = arith.addi %mul3A_188, %add3A_295 : i32
            %get3A_297 = arith.constant 0 : i32
            %get3A_298 = arith.index_cast %get3A_297 : i32 to index
            %get3A_299 = arith.index_cast %add3A_296 : i32 to index
            %get3A_300 = tpu.vector_load %arg6[%get3A_298, %get3A_299] {strides = array<i32>} : memref<2x5120xf32, #tpu.memory_space<vmem>>, vector<16xf32>,
            %add3A_301 = arith.constant 208 : i32
            %add3A_302 = arith.addi %mul3A_188, %add3A_301 : i32
            %get3A_303 = arith.constant 0 : i32
            %get3A_304 = arith.index_cast %get3A_303 : i32 to index
            %get3A_305 = arith.index_cast %add3A_302 : i32 to index
            %get3A_306 = tpu.vector_load %arg6[%get3A_304, %get3A_305] {strides = array<i32>} : memref<2x5120xf32, #tpu.memory_space<vmem>>, vector<16xf32>,
            %add3A_307 = arith.constant 224 : i32
            %add3A_308 = arith.addi %mul3A_188, %add3A_307 : i32
            %get3A_309 = arith.constant 0 : i32
            %get3A_310 = arith.index_cast %get3A_309 : i32 to index
            %get3A_311 = arith.index_cast %add3A_308 : i32 to index
            %get3A_312 = tpu.vector_load %arg6[%get3A_310, %get3A_311] {strides = array<i32>} : memref<2x5120xf32, #tpu.memory_space<vmem>>, vector<16xf32>,
            %add3A_313 = arith.constant 240 : i32
            %add3A_314 = arith.addi %mul3A_188, %add3A_313 : i32
            %get3A_315 = arith.constant 0 : i32
            %get3A_316 = arith.index_cast %get3A_315 : i32 to index
            %get3A_317 = arith.index_cast %add3A_314 : i32 to index
            %get3A_318 = tpu.vector_load %arg6[%get3A_316, %get3A_317] {strides = array<i32>} : memref<2x5120xf32, #tpu.memory_space<vmem>>, vector<16xf32>,
            %add3A_319 = arith.constant 256 : i32
            %add3A_320 = arith.addi %mul3A_188, %add3A_319 : i32
            %get3A_321 = arith.constant 0 : i32
            %get3A_322 = arith.index_cast %get3A_321 : i32 to index
            %get3A_323 = arith.index_cast %add3A_320 : i32 to index
            %get3A_324 = tpu.vector_load %arg6[%get3A_322, %get3A_323] {strides = array<i32>} : memref<2x5120xf32, #tpu.memory_space<vmem>>, vector<16xf32>,
            %add3A_325 = arith.constant 272 : i32
            %add3A_326 = arith.addi %mul3A_188, %add3A_325 : i32
            %get3A_327 = arith.constant 0 : i32
            %get3A_328 = arith.index_cast %get3A_327 : i32 to index
            %get3A_329 = arith.index_cast %add3A_326 : i32 to index
            %get3A_330 = tpu.vector_load %arg6[%get3A_328, %get3A_329] {strides = array<i32>} : memref<2x5120xf32, #tpu.memory_space<vmem>>, vector<16xf32>,
            %add3A_331 = arith.constant 288 : i32
            %add3A_332 = arith.addi %mul3A_188, %add3A_331 : i32
            %get3A_333 = arith.constant 0 : i32
            %get3A_334 = arith.index_cast %get3A_333 : i32 to index
            %get3A_335 = arith.index_cast %add3A_332 : i32 to index
            %get3A_336 = tpu.vector_load %arg6[%get3A_334, %get3A_335] {strides = array<i32>} : memref<2x5120xf32, #tpu.memory_space<vmem>>, vector<16xf32>,
            %add3A_337 = arith.constant 304 : i32
            %add3A_338 = arith.addi %mul3A_188, %add3A_337 : i32
            %get3A_339 = arith.constant 0 : i32
            %get3A_340 = arith.index_cast %get3A_339 : i32 to index
            %get3A_341 = arith.index_cast %add3A_338 : i32 to index
            %get3A_342 = tpu.vector_load %arg6[%get3A_340, %get3A_341] {strides = array<i32>} : memref<2x5120xf32, #tpu.memory_space<vmem>>, vector<16xf32>,
            %add3A_343 = arith.addf %get3A_228, %get3A_234 : vector<16xf32>
            %add3A_344 = arith.addf %get3A_240, %get3A_246 : vector<16xf32>
            %add3A_345 = arith.addf %get3A_252, %get3A_258 : vector<16xf32>
            %add3A_346 = arith.addf %get3A_264, %get3A_270 : vector<16xf32>
            %add3A_347 = arith.addf %get3A_276, %get3A_282 : vector<16xf32>
            %add3A_348 = arith.addf %get3A_288, %get3A_294 : vector<16xf32>
            %add3A_349 = arith.addf %get3A_300, %get3A_306 : vector<16xf32>
            %add3A_350 = arith.addf %get3A_312, %get3A_318 : vector<16xf32>
            %add3A_351 = arith.addf %get3A_324, %get3A_330 : vector<16xf32>
            %add3A_352 = arith.addf %get3A_336, %get3A_342 : vector<16xf32>
            %add3A_353 = arith.addf %add3A_343, %add3A_344 : vector<16xf32>
            %add3A_354 = arith.addf %add3A_345, %add3A_346 : vector<16xf32>
            %add3A_355 = arith.addf %add3A_347, %add3A_348 : vector<16xf32>
            %add3A_356 = arith.addf %add3A_349, %add3A_350 : vector<16xf32>
            %add3A_357 = arith.addf %add3A_351, %add3A_352 : vector<16xf32>
            %add3A_358 = arith.addf %add3A_353, %add3A_354 : vector<16xf32>
            %add3A_359 = arith.addf %add3A_355, %add3A_356 : vector<16xf32>
            %add3A_360 = arith.addf %add3A_358, %add3A_359 : vector<16xf32>
            %add3A_361 = arith.addf %add3A_360, %add3A_357 : vector<16xf32>
            %add3A_362 = arith.addf %get3A_222, %add3A_361 : vector<16xf32>
            %swap3A_363 = arith.constant 0 : index
            %swap3A_364 = tpu.vector_load %arg12[%swap3A_363] {strides = array<i32>} : memref<16xf32, #tpu.memory_space<vmem>>, vector<16xf32>,
            tpu.vector_store %arg12[%swap3A_363], %add3A_362 {strides = array<i32>} : memref<16xf32, #tpu.memory_space<vmem>>, vector<16xf32>,
            %get3A_365 = arith.constant 0 : index
            %get3A_366 = tpu.vector_load %arg13[%get3A_365] {strides = array<i32>} : memref<16xf32, #tpu.memory_space<vmem>>, vector<16xf32>,
            %add3A_367 = arith.constant 0 : i32
            %add3A_368 = arith.addi %mul3A_188, %add3A_367 : i32
            %get3A_369 = arith.constant 1 : i32
            %get3A_370 = arith.index_cast %get3A_369 : i32 to index
            %get3A_371 = arith.index_cast %add3A_368 : i32 to index
            %get3A_372 = tpu.vector_load %arg6[%get3A_370, %get3A_371] {strides = array<i32>} : memref<2x5120xf32, #tpu.memory_space<vmem>>, vector<16xf32>,
            %add3A_373 = arith.constant 16 : i32
            %add3A_374 = arith.addi %mul3A_188, %add3A_373 : i32
            %get3A_375 = arith.constant 1 : i32
            %get3A_376 = arith.index_cast %get3A_375 : i32 to index
            %get3A_377 = arith.index_cast %add3A_374 : i32 to index
            %get3A_378 = tpu.vector_load %arg6[%get3A_376, %get3A_377] {strides = array<i32>} : memref<2x5120xf32, #tpu.memory_space<vmem>>, vector<16xf32>,
            %add3A_379 = arith.constant 32 : i32
            %add3A_380 = arith.addi %mul3A_188, %add3A_379 : i32
            %get3A_381 = arith.constant 1 : i32
            %get3A_382 = arith.index_cast %get3A_381 : i32 to index
            %get3A_383 = arith.index_cast %add3A_380 : i32 to index
            %get3A_384 = tpu.vector_load %arg6[%get3A_382, %get3A_383] {strides = array<i32>} : memref<2x5120xf32, #tpu.memory_space<vmem>>, vector<16xf32>,
            %add3A_385 = arith.constant 48 : i32
            %add3A_386 = arith.addi %mul3A_188, %add3A_385 : i32
            %get3A_387 = arith.constant 1 : i32
            %get3A_388 = arith.index_cast %get3A_387 : i32 to index
            %get3A_389 = arith.index_cast %add3A_386 : i32 to index
            %get3A_390 = tpu.vector_load %arg6[%get3A_388, %get3A_389] {strides = array<i32>} : memref<2x5120xf32, #tpu.memory_space<vmem>>, vector<16xf32>,
            %add3A_391 = arith.constant 64 : i32
            %add3A_392 = arith.addi %mul3A_188, %add3A_391 : i32
            %get3A_393 = arith.constant 1 : i32
            %get3A_394 = arith.index_cast %get3A_393 : i32 to index
            %get3A_395 = arith.index_cast %add3A_392 : i32 to index
            %get3A_396 = tpu.vector_load %arg6[%get3A_394, %get3A_395] {strides = array<i32>} : memref<2x5120xf32, #tpu.memory_space<vmem>>, vector<16xf32>,
            %add3A_397 = arith.constant 80 : i32
            %add3A_398 = arith.addi %mul3A_188, %add3A_397 : i32
            %get3A_399 = arith.constant 1 : i32
            %get3A_400 = arith.index_cast %get3A_399 : i32 to index
            %get3A_401 = arith.index_cast %add3A_398 : i32 to index
            %get3A_402 = tpu.vector_load %arg6[%get3A_400, %get3A_401] {strides = array<i32>} : memref<2x5120xf32, #tpu.memory_space<vmem>>, vector<16xf32>,
            %add3A_403 = arith.constant 96 : i32
            %add3A_404 = arith.addi %mul3A_188, %add3A_403 : i32
            %get3A_405 = arith.constant 1 : i32
            %get3A_406 = arith.index_cast %get3A_405 : i32 to index
            %get3A_407 = arith.index_cast %add3A_404 : i32 to index
            %get3A_408 = tpu.vector_load %arg6[%get3A_406, %get3A_407] {strides = array<i32>} : memref<2x5120xf32, #tpu.memory_space<vmem>>, vector<16xf32>,
            %add3A_409 = arith.constant 112 : i32
            %add3A_410 = arith.addi %mul3A_188, %add3A_409 : i32
            %get3A_411 = arith.constant 1 : i32
            %get3A_412 = arith.index_cast %get3A_411 : i32 to index
            %get3A_413 = arith.index_cast %add3A_410 : i32 to index
            %get3A_414 = tpu.vector_load %arg6[%get3A_412, %get3A_413] {strides = array<i32>} : memref<2x5120xf32, #tpu.memory_space<vmem>>, vector<16xf32>,
            %add3A_415 = arith.constant 128 : i32
            %add3A_416 = arith.addi %mul3A_188, %add3A_415 : i32
            %get3A_417 = arith.constant 1 : i32
            %get3A_418 = arith.index_cast %get3A_417 : i32 to index
            %get3A_419 = arith.index_cast %add3A_416 : i32 to index
            %get3A_420 = tpu.vector_load %arg6[%get3A_418, %get3A_419] {strides = array<i32>} : memref<2x5120xf32, #tpu.memory_space<vmem>>, vector<16xf32>,
            %add3A_421 = arith.constant 144 : i32
            %add3A_422 = arith.addi %mul3A_188, %add3A_421 : i32
            %get3A_423 = arith.constant 1 : i32
            %get3A_424 = arith.index_cast %get3A_423 : i32 to index
            %get3A_425 = arith.index_cast %add3A_422 : i32 to index
            %get3A_426 = tpu.vector_load %arg6[%get3A_424, %get3A_425] {strides = array<i32>} : memref<2x5120xf32, #tpu.memory_space<vmem>>, vector<16xf32>,
            %add3A_427 = arith.constant 160 : i32
            %add3A_428 = arith.addi %mul3A_188, %add3A_427 : i32
            %get3A_429 = arith.constant 1 : i32
            %get3A_430 = arith.index_cast %get3A_429 : i32 to index
            %get3A_431 = arith.index_cast %add3A_428 : i32 to index
            %get3A_432 = tpu.vector_load %arg6[%get3A_430, %get3A_431] {strides = array<i32>} : memref<2x5120xf32, #tpu.memory_space<vmem>>, vector<16xf32>,
            %add3A_433 = arith.constant 176 : i32
            %add3A_434 = arith.addi %mul3A_188, %add3A_433 : i32
            %get3A_435 = arith.constant 1 : i32
            %get3A_436 = arith.index_cast %get3A_435 : i32 to index
            %get3A_437 = arith.index_cast %add3A_434 : i32 to index
            %get3A_438 = tpu.vector_load %arg6[%get3A_436, %get3A_437] {strides = array<i32>} : memref<2x5120xf32, #tpu.memory_space<vmem>>, vector<16xf32>,
            %add3A_439 = arith.constant 192 : i32
            %add3A_440 = arith.addi %mul3A_188, %add3A_439 : i32
            %get3A_441 = arith.constant 1 : i32
            %get3A_442 = arith.index_cast %get3A_441 : i32 to index
            %get3A_443 = arith.index_cast %add3A_440 : i32 to index
            %get3A_444 = tpu.vector_load %arg6[%get3A_442, %get3A_443] {strides = array<i32>} : memref<2x5120xf32, #tpu.memory_space<vmem>>, vector<16xf32>,
            %add3A_445 = arith.constant 208 : i32
            %add3A_446 = arith.addi %mul3A_188, %add3A_445 : i32
            %get3A_447 = arith.constant 1 : i32
            %get3A_448 = arith.index_cast %get3A_447 : i32 to index
            %get3A_449 = arith.index_cast %add3A_446 : i32 to index
            %get3A_450 = tpu.vector_load %arg6[%get3A_448, %get3A_449] {strides = array<i32>} : memref<2x5120xf32, #tpu.memory_space<vmem>>, vector<16xf32>,
            %add3A_451 = arith.constant 224 : i32
            %add3A_452 = arith.addi %mul3A_188, %add3A_451 : i32
            %get3A_453 = arith.constant 1 : i32
            %get3A_454 = arith.index_cast %get3A_453 : i32 to index
            %get3A_455 = arith.index_cast %add3A_452 : i32 to index
            %get3A_456 = tpu.vector_load %arg6[%get3A_454, %get3A_455] {strides = array<i32>} : memref<2x5120xf32, #tpu.memory_space<vmem>>, vector<16xf32>,
            %add3A_457 = arith.constant 240 : i32
            %add3A_458 = arith.addi %mul3A_188, %add3A_457 : i32
            %get3A_459 = arith.constant 1 : i32
            %get3A_460 = arith.index_cast %get3A_459 : i32 to index
            %get3A_461 = arith.index_cast %add3A_458 : i32 to index
            %get3A_462 = tpu.vector_load %arg6[%get3A_460, %get3A_461] {strides = array<i32>} : memref<2x5120xf32, #tpu.memory_space<vmem>>, vector<16xf32>,
            %add3A_463 = arith.constant 256 : i32
            %add3A_464 = arith.addi %mul3A_188, %add3A_463 : i32
            %get3A_465 = arith.constant 1 : i32
            %get3A_466 = arith.index_cast %get3A_465 : i32 to index
            %get3A_467 = arith.index_cast %add3A_464 : i32 to index
            %get3A_468 = tpu.vector_load %arg6[%get3A_466, %get3A_467] {strides = array<i32>} : memref<2x5120xf32, #tpu.memory_space<vmem>>, vector<16xf32>,
            %add3A_469 = arith.constant 272 : i32
            %add3A_470 = arith.addi %mul3A_188, %add3A_469 : i32
            %get3A_471 = arith.constant 1 : i32
            %get3A_472 = arith.index_cast %get3A_471 : i32 to index
            %get3A_473 = arith.index_cast %add3A_470 : i32 to index
            %get3A_474 = tpu.vector_load %arg6[%get3A_472, %get3A_473] {strides = array<i32>} : memref<2x5120xf32, #tpu.memory_space<vmem>>, vector<16xf32>,
            %add3A_475 = arith.constant 288 : i32
            %add3A_476 = arith.addi %mul3A_188, %add3A_475 : i32
            %get3A_477 = arith.constant 1 : i32
            %get3A_478 = arith.index_cast %get3A_477 : i32 to index
            %get3A_479 = arith.index_cast %add3A_476 : i32 to index
            %get3A_480 = tpu.vector_load %arg6[%get3A_478, %get3A_479] {strides = array<i32>} : memref<2x5120xf32, #tpu.memory_space<vmem>>, vector<16xf32>,
            %add3A_481 = arith.constant 304 : i32
            %add3A_482 = arith.addi %mul3A_188, %add3A_481 : i32
            %get3A_483 = arith.constant 1 : i32
            %get3A_484 = arith.index_cast %get3A_483 : i32 to index
            %get3A_485 = arith.index_cast %add3A_482 : i32 to index
            %get3A_486 = tpu.vector_load %arg6[%get3A_484, %get3A_485] {strides = array<i32>} : memref<2x5120xf32, #tpu.memory_space<vmem>>, vector<16xf32>,
            %add3A_487 = arith.addf %get3A_372, %get3A_378 : vector<16xf32>
            %add3A_488 = arith.addf %get3A_384, %get3A_390 : vector<16xf32>
            %add3A_489 = arith.addf %get3A_396, %get3A_402 : vector<16xf32>
            %add3A_490 = arith.addf %get3A_408, %get3A_414 : vector<16xf32>
            %add3A_491 = arith.addf %get3A_420, %get3A_426 : vector<16xf32>
            %add3A_492 = arith.addf %get3A_432, %get3A_438 : vector<16xf32>
            %add3A_493 = arith.addf %get3A_444, %get3A_450 : vector<16xf32>
            %add3A_494 = arith.addf %get3A_456, %get3A_462 : vector<16xf32>
            %add3A_495 = arith.addf %get3A_468, %get3A_474 : vector<16xf32>
            %add3A_496 = arith.addf %get3A_480, %get3A_486 : vector<16xf32>
            %add3A_497 = arith.addf %add3A_487, %add3A_488 : vector<16xf32>
            %add3A_498 = arith.addf %add3A_489, %add3A_490 : vector<16xf32>
            %add3A_499 = arith.addf %add3A_491, %add3A_492 : vector<16xf32>
            %add3A_500 = arith.addf %add3A_493, %add3A_494 : vector<16xf32>
            %add3A_501 = arith.addf %add3A_495, %add3A_496 : vector<16xf32>
            %add3A_502 = arith.addf %add3A_497, %add3A_498 : vector<16xf32>
            %add3A_503 = arith.addf %add3A_499, %add3A_500 : vector<16xf32>
            %add3A_504 = arith.addf %add3A_502, %add3A_503 : vector<16xf32>
            %add3A_505 = arith.addf %add3A_504, %add3A_501 : vector<16xf32>
            %add3A_506 = arith.addf %get3A_366, %add3A_505 : vector<16xf32>
            %swap3A_507 = arith.constant 0 : index
            %swap3A_508 = tpu.vector_load %arg13[%swap3A_507] {strides = array<i32>} : memref<16xf32, #tpu.memory_space<vmem>>, vector<16xf32>,
            tpu.vector_store %arg13[%swap3A_507], %add3A_506 {strides = array<i32>} : memref<16xf32, #tpu.memory_space<vmem>>, vector<16xf32>,
            %get3A_509 = arith.constant 0 : i32
            %get3A_510 = arith.index_cast %get3A_509 : i32 to index
            %get3A_511 = memref.load %arg15[%get3A_510] : memref<1xi32, #tpu.memory_space<smem>>
            %add3A_512 = arith.constant 320 : i32
            %add3A_513 = arith.addi %get3A_511, %add3A_512 : i32
            %swap3A_514 = arith.constant 0 : i32
            %swap3A_515 = arith.index_cast %swap3A_514 : i32 to index
            %swap3A_516 = memref.load %arg15[%swap3A_515] : memref<1xi32, #tpu.memory_space<smem>>
            memref.store %add3A_513, %arg15[%swap3A_515] : memref<1xi32, #tpu.memory_space<smem>>
          } else {
          }
          %not3A = arith.constant true
          %not3A_203 = arith.xori %eq3A_199, %not3A : i1
          %convert_element_type3A_204 = arith.extui %not3A_203 : i1 to i32
          %cond3A_205 = arith.constant 0 : i32
          %cond3A_206 = arith.cmpi ne, %convert_element_type3A_204, %cond3A_205 : i32
          scf.if %cond3A_206 {
            %scan3A_207 = arith.constant 0 : i32
            %scan3A_208 = arith.constant 0 : i32
            %scan3A_209 = arith.constant 20 : i32
            %scan3A_210 = arith.addi %scan3A_208, %scan3A_209 : i32
            %scan3A_211 = arith.constant 1 : i32
            scf.for %scan3A_213 = %scan3A_208 to %scan3A_210 step %scan3A_211  : i32 {
              %mul3A_214 = arith.constant 16 : i32
              %mul3A_215 = arith.muli %scan3A_213, %mul3A_214 : i32
              %add3A_216 = arith.addi %mul3A_188, %mul3A_215 : i32
              %get3A_217 = arith.index_cast %add3A_216 : i32 to index
              %get3A_218 = tpu.vector_load %arg8[%get3A_217] {strides = array<i32>} : memref<5120xi32, #tpu.memory_space<vmem>>, vector<16xi32>,
              %slice3A_219 = vector.extract_strided_slice %get3A_218 {offsets = [0], sizes = [1], strides = [1]} : vector<16xi32> to vector<1xi32>
              %squeeze3A_220 = vector.extract %slice3A_219[0] : i32 from vector<1xi32>
              %slice3A_221 = vector.extract_strided_slice %get3A_218 {offsets = [15], sizes = [1], strides = [1]} : vector<16xi32> to vector<1xi32>
              %squeeze3A_222 = vector.extract %slice3A_221[0] : i32 from vector<1xi32>
              %get3A_223 = arith.constant 0 : i32
              %get3A_224 = arith.index_cast %get3A_223 : i32 to index
              %get3A_225 = arith.index_cast %add3A_216 : i32 to index
              %get3A_226 = tpu.vector_load %arg6[%get3A_224, %get3A_225] {strides = array<i32>} : memref<2x5120xf32, #tpu.memory_space<vmem>>, vector<16xf32>,
              %get3A_227 = arith.constant 1 : i32
              %get3A_228 = arith.index_cast %get3A_227 : i32 to index
              %get3A_229 = arith.index_cast %add3A_216 : i32 to index
              %get3A_230 = tpu.vector_load %arg6[%get3A_228, %get3A_229] {strides = array<i32>} : memref<2x5120xf32, #tpu.memory_space<vmem>>, vector<16xf32>,
              %get3A_231 = arith.constant 0 : i32
              %get3A_232 = arith.index_cast %get3A_231 : i32 to index
              %get3A_233 = memref.load %arg14[%get3A_232] : memref<1xi32, #tpu.memory_space<smem>>
              %eq3A_234 = arith.cmpi eq, %squeeze3A_220, %get3A_233 : i32
              %eq3A_235 = arith.cmpi eq, %squeeze3A_222, %get3A_233 : i32
              %and3A = arith.andi %eq3A_234, %eq3A_235 : i1
              %convert_element_type3A_236 = arith.extui %and3A : i1 to i32
              %cond3A_237 = arith.constant 0 : i32
              %cond3A_238 = arith.cmpi ne, %convert_element_type3A_236, %cond3A_237 : i32
              scf.if %cond3A_238 {
                %get3A_244 = arith.constant 0 : index
                %get3A_245 = tpu.vector_load %arg12[%get3A_244] {strides = array<i32>} : memref<16xf32, #tpu.memory_space<vmem>>, vector<16xf32>,
                %add3A_246 = arith.addf %get3A_245, %get3A_226 : vector<16xf32>
                %swap3A_247 = arith.constant 0 : index
                %swap3A_248 = tpu.vector_load %arg12[%swap3A_247] {strides = array<i32>} : memref<16xf32, #tpu.memory_space<vmem>>, vector<16xf32>,
                tpu.vector_store %arg12[%swap3A_247], %add3A_246 {strides = array<i32>} : memref<16xf32, #tpu.memory_space<vmem>>, vector<16xf32>,
                %get3A_249 = arith.constant 0 : index
                %get3A_250 = tpu.vector_load %arg13[%get3A_249] {strides = array<i32>} : memref<16xf32, #tpu.memory_space<vmem>>, vector<16xf32>,
                %add3A_251 = arith.addf %get3A_250, %get3A_230 : vector<16xf32>
                %swap3A_252 = arith.constant 0 : index
                %swap3A_253 = tpu.vector_load %arg13[%swap3A_252] {strides = array<i32>} : memref<16xf32, #tpu.memory_space<vmem>>, vector<16xf32>,
                tpu.vector_store %arg13[%swap3A_252], %add3A_251 {strides = array<i32>} : memref<16xf32, #tpu.memory_space<vmem>>, vector<16xf32>,
                %get3A_254 = arith.constant 0 : i32
                %get3A_255 = arith.index_cast %get3A_254 : i32 to index
                %get3A_256 = memref.load %arg15[%get3A_255] : memref<1xi32, #tpu.memory_space<smem>>
                %add3A_257 = arith.constant 16 : i32
                %add3A_258 = arith.addi %get3A_256, %add3A_257 : i32
                %swap3A_259 = arith.constant 0 : i32
                %swap3A_260 = arith.index_cast %swap3A_259 : i32 to index
                %swap3A_261 = memref.load %arg15[%swap3A_260] : memref<1xi32, #tpu.memory_space<smem>>
                memref.store %add3A_258, %arg15[%swap3A_260] : memref<1xi32, #tpu.memory_space<smem>>
              } else {
              }
              %not3A_239 = arith.constant true
              %not3A_240 = arith.xori %and3A, %not3A_239 : i1
              %convert_element_type3A_241 = arith.extui %not3A_240 : i1 to i32
              %cond3A_242 = arith.constant 0 : i32
              %cond3A_243 = arith.cmpi ne, %convert_element_type3A_241, %cond3A_242 : i32
              scf.if %cond3A_243 {
                %add3A_244 = arith.constant 1 : i32
                %add3A_245 = arith.addi %squeeze3A_222, %add3A_244 : i32
                %while3A = arith.constant 0 : i32
                %while3A_246 = arith.subi %add3A_245, %get3A_233 : i32
                %while3A_247 = arith.addi %get3A_233, %while3A_246 : i32
                %while3A_248 = arith.constant 1 : i32
                %while3A_249 = arith.divsi %while3A_246, %while3A_248 : i32
                %while3A_250 = arith.muli %while3A_249, %while3A_248 : i32
                %while3A_251 = arith.addi %get3A_233, %while3A_250 : i32
                %while3A_252 = arith.constant 1 : i32
                scf.for %while3A_257 = %get3A_233 to %while3A_251 step %while3A_252  : i32 {
                  %eq3A_258 = vector.broadcast %while3A_257 : i32 to vector<16xi32>
                  %eq3A_259 = arith.cmpi eq, %get3A_218, %eq3A_258 : vector<16xi32>
                  %get3A_260 = arith.constant 0 : index
                  %get3A_261 = tpu.vector_load %arg12[%get3A_260] {strides = array<i32>} : memref<16xf32, #tpu.memory_space<vmem>>, vector<16xf32>,
                  %jit3A_262 = arith.constant 0.000000e+00 : f32
                  %broadcast_in_dim3A_263 = vector.broadcast %jit3A_262 : f32 to vector<16xf32>
                  %select_n3A_264 = arith.select %eq3A_259, %get3A_226, %broadcast_in_dim3A_263 : vector<16xi1>, vector<16xf32>
                  %add3A_265 = arith.addf %get3A_261, %select_n3A_264 : vector<16xf32>
                  %swap3A_266 = arith.constant 0 : index
                  %swap3A_267 = tpu.vector_load %arg12[%swap3A_266] {strides = array<i32>} : memref<16xf32, #tpu.memory_space<vmem>>, vector<16xf32>,
                  tpu.vector_store %arg12[%swap3A_266], %add3A_265 {strides = array<i32>} : memref<16xf32, #tpu.memory_space<vmem>>, vector<16xf32>,
                  %get3A_268 = arith.constant 0 : index
                  %get3A_269 = tpu.vector_load %arg13[%get3A_268] {strides = array<i32>} : memref<16xf32, #tpu.memory_space<vmem>>, vector<16xf32>,
                  %jit3A_270 = arith.constant 0.000000e+00 : f32
                  %broadcast_in_dim3A_271 = vector.broadcast %jit3A_270 : f32 to vector<16xf32>
                  %select_n3A_272 = arith.select %eq3A_259, %get3A_230, %broadcast_in_dim3A_271 : vector<16xi1>, vector<16xf32>
                  %add3A_273 = arith.addf %get3A_269, %select_n3A_272 : vector<16xf32>
                  %swap3A_274 = arith.constant 0 : index
                  %swap3A_275 = tpu.vector_load %arg13[%swap3A_274] {strides = array<i32>} : memref<16xf32, #tpu.memory_space<vmem>>, vector<16xf32>,
                  tpu.vector_store %arg13[%swap3A_274], %add3A_273 {strides = array<i32>} : memref<16xf32, #tpu.memory_space<vmem>>, vector<16xf32>,
                  %get3A_276 = arith.constant 0 : i32
                  %get3A_277 = arith.index_cast %get3A_276 : i32 to index
                  %get3A_278 = memref.load %arg15[%get3A_277] : memref<1xi32, #tpu.memory_space<smem>>
                  %all_reduce_population_count3A = tpu.all_reduce %eq3A_259 {dim = 0 : i64, kind = #tpu.reduction_kind<sum>} : vector<16xi1> -> vector<16xi32>
                  %slice3A_279 = vector.extract_strided_slice %all_reduce_population_count3A {offsets = [0], sizes = [1], strides = [1]} : vector<16xi32> to vector<1xi32>
                  %squeeze3A_280 = vector.extract %slice3A_279[0] : i32 from vector<1xi32>
                  %add3A_281 = arith.addi %get3A_278, %squeeze3A_280 : i32
                  %swap3A_282 = arith.constant 0 : i32
                  %swap3A_283 = arith.index_cast %swap3A_282 : i32 to index
                  %swap3A_284 = memref.load %arg15[%swap3A_283] : memref<1xi32, #tpu.memory_space<smem>>
                  memref.store %add3A_281, %arg15[%swap3A_283] : memref<1xi32, #tpu.memory_space<smem>>
                  %lt3A_285 = arith.cmpi slt, %while3A_257, %squeeze3A_222 : i32
                  %convert_element_type3A_286 = arith.extui %lt3A_285 : i1 to i32
                  %cond3A_287 = arith.constant 0 : i32
                  %cond3A_288 = arith.cmpi ne, %convert_element_type3A_286, %cond3A_287 : i32
                  scf.if %cond3A_288 {
                    %get3A_289 = arith.constant 0 : index
                    %get3A_290 = tpu.vector_load %arg12[%get3A_289] {strides = array<i32>} : memref<16xf32, #tpu.memory_space<vmem>>, vector<16xf32>,
                    %get3A_291 = arith.constant 0 : index
                    %get3A_292 = tpu.vector_load %arg13[%get3A_291] {strides = array<i32>} : memref<16xf32, #tpu.memory_space<vmem>>, vector<16xf32>,
                    %xor3A_293 = arith.constant 1 : i32
                    %xor3A_294 = vector.broadcast %xor3A_293 : i32 to vector<16xi32>
                    %xor3A_295 = arith.xori %iota3A, %xor3A_294 : vector<16xi32>
                    %broadcast_in_dim3A_296 = vector.shape_cast %xor3A_295 : vector<16xi32> to vector<16x1xi32>
                    %gather3A_297 = vector.shape_cast %broadcast_in_dim3A_296 : vector<16x1xi32> to vector<16xi32>
                    %gather3A_298 = tpu.dynamic_gather %get3A_290[%gather3A_297] in [0] : vector<16xf32>, vector<16xi32> -> vector<16xf32>
                    %add3A_299 = arith.addf %get3A_290, %gather3A_298 : vector<16xf32>
                    %xor3A_300 = arith.constant 1 : i32
                    %xor3A_301 = vector.broadcast %xor3A_300 : i32 to vector<16xi32>
                    %xor3A_302 = arith.xori %iota3A, %xor3A_301 : vector<16xi32>
                    %broadcast_in_dim3A_303 = vector.shape_cast %xor3A_302 : vector<16xi32> to vector<16x1xi32>
                    %gather3A_304 = vector.shape_cast %broadcast_in_dim3A_303 : vector<16x1xi32> to vector<16xi32>
                    %gather3A_305 = tpu.dynamic_gather %get3A_292[%gather3A_304] in [0] : vector<16xf32>, vector<16xi32> -> vector<16xf32>
                    %add3A_306 = arith.addf %get3A_292, %gather3A_305 : vector<16xf32>
                    %xor3A_307 = arith.constant 2 : i32
                    %xor3A_308 = vector.broadcast %xor3A_307 : i32 to vector<16xi32>
                    %xor3A_309 = arith.xori %iota3A, %xor3A_308 : vector<16xi32>
                    %broadcast_in_dim3A_310 = vector.shape_cast %xor3A_309 : vector<16xi32> to vector<16x1xi32>
                    %gather3A_311 = vector.shape_cast %broadcast_in_dim3A_310 : vector<16x1xi32> to vector<16xi32>
                    %gather3A_312 = tpu.dynamic_gather %add3A_299[%gather3A_311] in [0] : vector<16xf32>, vector<16xi32> -> vector<16xf32>
                    %add3A_313 = arith.addf %add3A_299, %gather3A_312 : vector<16xf32>
                    %xor3A_314 = arith.constant 2 : i32
                    %xor3A_315 = vector.broadcast %xor3A_314 : i32 to vector<16xi32>
                    %xor3A_316 = arith.xori %iota3A, %xor3A_315 : vector<16xi32>
                    %broadcast_in_dim3A_317 = vector.shape_cast %xor3A_316 : vector<16xi32> to vector<16x1xi32>
                    %gather3A_318 = vector.shape_cast %broadcast_in_dim3A_317 : vector<16x1xi32> to vector<16xi32>
                    %gather3A_319 = tpu.dynamic_gather %add3A_306[%gather3A_318] in [0] : vector<16xf32>, vector<16xi32> -> vector<16xf32>
                    %add3A_320 = arith.addf %add3A_306, %gather3A_319 : vector<16xf32>
                    %xor3A_321 = arith.constant 4 : i32
                    %xor3A_322 = vector.broadcast %xor3A_321 : i32 to vector<16xi32>
                    %xor3A_323 = arith.xori %iota3A, %xor3A_322 : vector<16xi32>
                    %broadcast_in_dim3A_324 = vector.shape_cast %xor3A_323 : vector<16xi32> to vector<16x1xi32>
                    %gather3A_325 = vector.shape_cast %broadcast_in_dim3A_324 : vector<16x1xi32> to vector<16xi32>
                    %gather3A_326 = tpu.dynamic_gather %add3A_313[%gather3A_325] in [0] : vector<16xf32>, vector<16xi32> -> vector<16xf32>
                    %add3A_327 = arith.addf %add3A_313, %gather3A_326 : vector<16xf32>
                    %xor3A_328 = arith.constant 4 : i32
                    %xor3A_329 = vector.broadcast %xor3A_328 : i32 to vector<16xi32>
                    %xor3A_330 = arith.xori %iota3A, %xor3A_329 : vector<16xi32>
                    %broadcast_in_dim3A_331 = vector.shape_cast %xor3A_330 : vector<16xi32> to vector<16x1xi32>
                    %gather3A_332 = vector.shape_cast %broadcast_in_dim3A_331 : vector<16x1xi32> to vector<16xi32>
                    %gather3A_333 = tpu.dynamic_gather %add3A_320[%gather3A_332] in [0] : vector<16xf32>, vector<16xi32> -> vector<16xf32>
                    %add3A_334 = arith.addf %add3A_320, %gather3A_333 : vector<16xf32>
                    %xor3A_335 = arith.constant 8 : i32
                    %xor3A_336 = vector.broadcast %xor3A_335 : i32 to vector<16xi32>
                    %xor3A_337 = arith.xori %iota3A, %xor3A_336 : vector<16xi32>
                    %broadcast_in_dim3A_338 = vector.shape_cast %xor3A_337 : vector<16xi32> to vector<16x1xi32>
                    %gather3A_339 = vector.shape_cast %broadcast_in_dim3A_338 : vector<16x1xi32> to vector<16xi32>
                    %gather3A_340 = tpu.dynamic_gather %add3A_327[%gather3A_339] in [0] : vector<16xf32>, vector<16xi32> -> vector<16xf32>
                    %add3A_341 = arith.addf %add3A_327, %gather3A_340 : vector<16xf32>
                    %xor3A_342 = arith.constant 8 : i32
                    %xor3A_343 = vector.broadcast %xor3A_342 : i32 to vector<16xi32>
                    %xor3A_344 = arith.xori %iota3A, %xor3A_343 : vector<16xi32>
                    %broadcast_in_dim3A_345 = vector.shape_cast %xor3A_344 : vector<16xi32> to vector<16x1xi32>
                    %gather3A_346 = vector.shape_cast %broadcast_in_dim3A_345 : vector<16x1xi32> to vector<16xi32>
                    %gather3A_347 = tpu.dynamic_gather %add3A_334[%gather3A_346] in [0] : vector<16xf32>, vector<16xi32> -> vector<16xf32>
                    %add3A_348 = arith.addf %add3A_334, %gather3A_347 : vector<16xf32>
                    %add3A_349 = arith.constant 1024 : i32
                    %add3A_350 = arith.addi %add3A_349, %while3A_257 : i32
                    %broadcast_in_dim3A_351 = vector.broadcast %while3A_257 : i32 to vector<16xi32>
                    %broadcast_in_dim3A_352 = vector.broadcast %add3A_350 : i32 to vector<16xi32>
                    %select_n3A_353 = arith.select %eq3A_15, %broadcast_in_dim3A_351, %broadcast_in_dim3A_352 : vector<16xi1>, vector<16xi32>
                    %select_n3A_354 = arith.select %eq3A_15, %add3A_341, %add3A_348 : vector<16xi1>, vector<16xf32>
                    tpu.vector_store_idx %arg10[%select_n3A_353], %select_n3A_354 masked %lt3A_18 : memref<2048xf32, #tpu.memory_space<vmem>>[vector<16xi32>], vector<16xf32>, vector<16xi1>
                    %get3A_355 = arith.constant 0 : i32
                    %get3A_356 = arith.index_cast %get3A_355 : i32 to index
                    %get3A_357 = memref.load %arg15[%get3A_356] : memref<1xi32, #tpu.memory_space<smem>>
                    %convert_element_type3A_358 = arith.sitofp %get3A_357 : i32 to f32
                    %broadcast_in_dim3A_359 = vector.broadcast %convert_element_type3A_358 : f32 to vector<16xf32>
                    %broadcast_in_dim3A_360 = vector.broadcast %while3A_257 : i32 to vector<16xi32>
                    tpu.vector_store_idx %arg11[%broadcast_in_dim3A_360], %broadcast_in_dim3A_359 masked %eq3A_15 : memref<1024xf32, #tpu.memory_space<vmem>>[vector<16xi32>], vector<16xf32>, vector<16xi1>
                    %swap3A_361 = arith.constant 0 : index
                    %swap3A_362 = tpu.vector_load %arg12[%swap3A_361] {strides = array<i32>} : memref<16xf32, #tpu.memory_space<vmem>>, vector<16xf32>,
                    tpu.vector_store %arg12[%swap3A_361], %broadcast_in_dim3A_13 {strides = array<i32>} : memref<16xf32, #tpu.memory_space<vmem>>, vector<16xf32>,
                    %swap3A_363 = arith.constant 0 : index
                    %swap3A_364 = tpu.vector_load %arg13[%swap3A_363] {strides = array<i32>} : memref<16xf32, #tpu.memory_space<vmem>>, vector<16xf32>,
                    tpu.vector_store %arg13[%swap3A_363], %broadcast_in_dim3A_13 {strides = array<i32>} : memref<16xf32, #tpu.memory_space<vmem>>, vector<16xf32>,
                    %swap3A_365 = arith.constant 0 : i32
                    %swap3A_366 = arith.constant 0 : i32
                    %swap3A_367 = arith.index_cast %swap3A_366 : i32 to index
                    %swap3A_368 = memref.load %arg15[%swap3A_367] : memref<1xi32, #tpu.memory_space<smem>>
                    memref.store %swap3A_365, %arg15[%swap3A_367] : memref<1xi32, #tpu.memory_space<smem>>
                  } else {
                  }
                }
                %while3A_253 = arith.constant 1 : i32
                scf.for %while3A_257 = %while3A_251 to %while3A_247 step %while3A_253  : i32 {
                  %eq3A_258 = vector.broadcast %while3A_257 : i32 to vector<16xi32>
                  %eq3A_259 = arith.cmpi eq, %get3A_218, %eq3A_258 : vector<16xi32>
                  %get3A_260 = arith.constant 0 : index
                  %get3A_261 = tpu.vector_load %arg12[%get3A_260] {strides = array<i32>} : memref<16xf32, #tpu.memory_space<vmem>>, vector<16xf32>,
                  %jit3A_262 = arith.constant 0.000000e+00 : f32
                  %broadcast_in_dim3A_263 = vector.broadcast %jit3A_262 : f32 to vector<16xf32>
                  %select_n3A_264 = arith.select %eq3A_259, %get3A_226, %broadcast_in_dim3A_263 : vector<16xi1>, vector<16xf32>
                  %add3A_265 = arith.addf %get3A_261, %select_n3A_264 : vector<16xf32>
                  %swap3A_266 = arith.constant 0 : index
                  %swap3A_267 = tpu.vector_load %arg12[%swap3A_266] {strides = array<i32>} : memref<16xf32, #tpu.memory_space<vmem>>, vector<16xf32>,
                  tpu.vector_store %arg12[%swap3A_266], %add3A_265 {strides = array<i32>} : memref<16xf32, #tpu.memory_space<vmem>>, vector<16xf32>,
                  %get3A_268 = arith.constant 0 : index
                  %get3A_269 = tpu.vector_load %arg13[%get3A_268] {strides = array<i32>} : memref<16xf32, #tpu.memory_space<vmem>>, vector<16xf32>,
                  %jit3A_270 = arith.constant 0.000000e+00 : f32
                  %broadcast_in_dim3A_271 = vector.broadcast %jit3A_270 : f32 to vector<16xf32>
                  %select_n3A_272 = arith.select %eq3A_259, %get3A_230, %broadcast_in_dim3A_271 : vector<16xi1>, vector<16xf32>
                  %add3A_273 = arith.addf %get3A_269, %select_n3A_272 : vector<16xf32>
                  %swap3A_274 = arith.constant 0 : index
                  %swap3A_275 = tpu.vector_load %arg13[%swap3A_274] {strides = array<i32>} : memref<16xf32, #tpu.memory_space<vmem>>, vector<16xf32>,
                  tpu.vector_store %arg13[%swap3A_274], %add3A_273 {strides = array<i32>} : memref<16xf32, #tpu.memory_space<vmem>>, vector<16xf32>,
                  %get3A_276 = arith.constant 0 : i32
                  %get3A_277 = arith.index_cast %get3A_276 : i32 to index
                  %get3A_278 = memref.load %arg15[%get3A_277] : memref<1xi32, #tpu.memory_space<smem>>
                  %all_reduce_population_count3A = tpu.all_reduce %eq3A_259 {dim = 0 : i64, kind = #tpu.reduction_kind<sum>} : vector<16xi1> -> vector<16xi32>
                  %slice3A_279 = vector.extract_strided_slice %all_reduce_population_count3A {offsets = [0], sizes = [1], strides = [1]} : vector<16xi32> to vector<1xi32>
                  %squeeze3A_280 = vector.extract %slice3A_279[0] : i32 from vector<1xi32>
                  %add3A_281 = arith.addi %get3A_278, %squeeze3A_280 : i32
                  %swap3A_282 = arith.constant 0 : i32
                  %swap3A_283 = arith.index_cast %swap3A_282 : i32 to index
                  %swap3A_284 = memref.load %arg15[%swap3A_283] : memref<1xi32, #tpu.memory_space<smem>>
                  memref.store %add3A_281, %arg15[%swap3A_283] : memref<1xi32, #tpu.memory_space<smem>>
                  %lt3A_285 = arith.cmpi slt, %while3A_257, %squeeze3A_222 : i32
                  %convert_element_type3A_286 = arith.extui %lt3A_285 : i1 to i32
                  %cond3A_287 = arith.constant 0 : i32
                  %cond3A_288 = arith.cmpi ne, %convert_element_type3A_286, %cond3A_287 : i32
                  scf.if %cond3A_288 {
                    %get3A_289 = arith.constant 0 : index
                    %get3A_290 = tpu.vector_load %arg12[%get3A_289] {strides = array<i32>} : memref<16xf32, #tpu.memory_space<vmem>>, vector<16xf32>,
                    %get3A_291 = arith.constant 0 : index
                    %get3A_292 = tpu.vector_load %arg13[%get3A_291] {strides = array<i32>} : memref<16xf32, #tpu.memory_space<vmem>>, vector<16xf32>,
                    %xor3A_293 = arith.constant 1 : i32
                    %xor3A_294 = vector.broadcast %xor3A_293 : i32 to vector<16xi32>
                    %xor3A_295 = arith.xori %iota3A, %xor3A_294 : vector<16xi32>
                    %broadcast_in_dim3A_296 = vector.shape_cast %xor3A_295 : vector<16xi32> to vector<16x1xi32>
                    %gather3A_297 = vector.shape_cast %broadcast_in_dim3A_296 : vector<16x1xi32> to vector<16xi32>
                    %gather3A_298 = tpu.dynamic_gather %get3A_290[%gather3A_297] in [0] : vector<16xf32>, vector<16xi32> -> vector<16xf32>
                    %add3A_299 = arith.addf %get3A_290, %gather3A_298 : vector<16xf32>
                    %xor3A_300 = arith.constant 1 : i32
                    %xor3A_301 = vector.broadcast %xor3A_300 : i32 to vector<16xi32>
                    %xor3A_302 = arith.xori %iota3A, %xor3A_301 : vector<16xi32>
                    %broadcast_in_dim3A_303 = vector.shape_cast %xor3A_302 : vector<16xi32> to vector<16x1xi32>
                    %gather3A_304 = vector.shape_cast %broadcast_in_dim3A_303 : vector<16x1xi32> to vector<16xi32>
                    %gather3A_305 = tpu.dynamic_gather %get3A_292[%gather3A_304] in [0] : vector<16xf32>, vector<16xi32> -> vector<16xf32>
                    %add3A_306 = arith.addf %get3A_292, %gather3A_305 : vector<16xf32>
                    %xor3A_307 = arith.constant 2 : i32
                    %xor3A_308 = vector.broadcast %xor3A_307 : i32 to vector<16xi32>
                    %xor3A_309 = arith.xori %iota3A, %xor3A_308 : vector<16xi32>
                    %broadcast_in_dim3A_310 = vector.shape_cast %xor3A_309 : vector<16xi32> to vector<16x1xi32>
                    %gather3A_311 = vector.shape_cast %broadcast_in_dim3A_310 : vector<16x1xi32> to vector<16xi32>
                    %gather3A_312 = tpu.dynamic_gather %add3A_299[%gather3A_311] in [0] : vector<16xf32>, vector<16xi32> -> vector<16xf32>
                    %add3A_313 = arith.addf %add3A_299, %gather3A_312 : vector<16xf32>
                    %xor3A_314 = arith.constant 2 : i32
                    %xor3A_315 = vector.broadcast %xor3A_314 : i32 to vector<16xi32>
                    %xor3A_316 = arith.xori %iota3A, %xor3A_315 : vector<16xi32>
                    %broadcast_in_dim3A_317 = vector.shape_cast %xor3A_316 : vector<16xi32> to vector<16x1xi32>
                    %gather3A_318 = vector.shape_cast %broadcast_in_dim3A_317 : vector<16x1xi32> to vector<16xi32>
                    %gather3A_319 = tpu.dynamic_gather %add3A_306[%gather3A_318] in [0] : vector<16xf32>, vector<16xi32> -> vector<16xf32>
                    %add3A_320 = arith.addf %add3A_306, %gather3A_319 : vector<16xf32>
                    %xor3A_321 = arith.constant 4 : i32
                    %xor3A_322 = vector.broadcast %xor3A_321 : i32 to vector<16xi32>
                    %xor3A_323 = arith.xori %iota3A, %xor3A_322 : vector<16xi32>
                    %broadcast_in_dim3A_324 = vector.shape_cast %xor3A_323 : vector<16xi32> to vector<16x1xi32>
                    %gather3A_325 = vector.shape_cast %broadcast_in_dim3A_324 : vector<16x1xi32> to vector<16xi32>
                    %gather3A_326 = tpu.dynamic_gather %add3A_313[%gather3A_325] in [0] : vector<16xf32>, vector<16xi32> -> vector<16xf32>
                    %add3A_327 = arith.addf %add3A_313, %gather3A_326 : vector<16xf32>
                    %xor3A_328 = arith.constant 4 : i32
                    %xor3A_329 = vector.broadcast %xor3A_328 : i32 to vector<16xi32>
                    %xor3A_330 = arith.xori %iota3A, %xor3A_329 : vector<16xi32>
                    %broadcast_in_dim3A_331 = vector.shape_cast %xor3A_330 : vector<16xi32> to vector<16x1xi32>
                    %gather3A_332 = vector.shape_cast %broadcast_in_dim3A_331 : vector<16x1xi32> to vector<16xi32>
                    %gather3A_333 = tpu.dynamic_gather %add3A_320[%gather3A_332] in [0] : vector<16xf32>, vector<16xi32> -> vector<16xf32>
                    %add3A_334 = arith.addf %add3A_320, %gather3A_333 : vector<16xf32>
                    %xor3A_335 = arith.constant 8 : i32
                    %xor3A_336 = vector.broadcast %xor3A_335 : i32 to vector<16xi32>
                    %xor3A_337 = arith.xori %iota3A, %xor3A_336 : vector<16xi32>
                    %broadcast_in_dim3A_338 = vector.shape_cast %xor3A_337 : vector<16xi32> to vector<16x1xi32>
                    %gather3A_339 = vector.shape_cast %broadcast_in_dim3A_338 : vector<16x1xi32> to vector<16xi32>
                    %gather3A_340 = tpu.dynamic_gather %add3A_327[%gather3A_339] in [0] : vector<16xf32>, vector<16xi32> -> vector<16xf32>
                    %add3A_341 = arith.addf %add3A_327, %gather3A_340 : vector<16xf32>
                    %xor3A_342 = arith.constant 8 : i32
                    %xor3A_343 = vector.broadcast %xor3A_342 : i32 to vector<16xi32>
                    %xor3A_344 = arith.xori %iota3A, %xor3A_343 : vector<16xi32>
                    %broadcast_in_dim3A_345 = vector.shape_cast %xor3A_344 : vector<16xi32> to vector<16x1xi32>
                    %gather3A_346 = vector.shape_cast %broadcast_in_dim3A_345 : vector<16x1xi32> to vector<16xi32>
                    %gather3A_347 = tpu.dynamic_gather %add3A_334[%gather3A_346] in [0] : vector<16xf32>, vector<16xi32> -> vector<16xf32>
                    %add3A_348 = arith.addf %add3A_334, %gather3A_347 : vector<16xf32>
                    %add3A_349 = arith.constant 1024 : i32
                    %add3A_350 = arith.addi %add3A_349, %while3A_257 : i32
                    %broadcast_in_dim3A_351 = vector.broadcast %while3A_257 : i32 to vector<16xi32>
                    %broadcast_in_dim3A_352 = vector.broadcast %add3A_350 : i32 to vector<16xi32>
                    %select_n3A_353 = arith.select %eq3A_15, %broadcast_in_dim3A_351, %broadcast_in_dim3A_352 : vector<16xi1>, vector<16xi32>
                    %select_n3A_354 = arith.select %eq3A_15, %add3A_341, %add3A_348 : vector<16xi1>, vector<16xf32>
                    tpu.vector_store_idx %arg10[%select_n3A_353], %select_n3A_354 masked %lt3A_18 : memref<2048xf32, #tpu.memory_space<vmem>>[vector<16xi32>], vector<16xf32>, vector<16xi1>
                    %get3A_355 = arith.constant 0 : i32
                    %get3A_356 = arith.index_cast %get3A_355 : i32 to index
                    %get3A_357 = memref.load %arg15[%get3A_356] : memref<1xi32, #tpu.memory_space<smem>>
                    %convert_element_type3A_358 = arith.sitofp %get3A_357 : i32 to f32
                    %broadcast_in_dim3A_359 = vector.broadcast %convert_element_type3A_358 : f32 to vector<16xf32>
                    %broadcast_in_dim3A_360 = vector.broadcast %while3A_257 : i32 to vector<16xi32>
                    tpu.vector_store_idx %arg11[%broadcast_in_dim3A_360], %broadcast_in_dim3A_359 masked %eq3A_15 : memref<1024xf32, #tpu.memory_space<vmem>>[vector<16xi32>], vector<16xf32>, vector<16xi1>
                    %swap3A_361 = arith.constant 0 : index
                    %swap3A_362 = tpu.vector_load %arg12[%swap3A_361] {strides = array<i32>} : memref<16xf32, #tpu.memory_space<vmem>>, vector<16xf32>,
                    tpu.vector_store %arg12[%swap3A_361], %broadcast_in_dim3A_13 {strides = array<i32>} : memref<16xf32, #tpu.memory_space<vmem>>, vector<16xf32>,
                    %swap3A_363 = arith.constant 0 : index
                    %swap3A_364 = tpu.vector_load %arg13[%swap3A_363] {strides = array<i32>} : memref<16xf32, #tpu.memory_space<vmem>>, vector<16xf32>,
                    tpu.vector_store %arg13[%swap3A_363], %broadcast_in_dim3A_13 {strides = array<i32>} : memref<16xf32, #tpu.memory_space<vmem>>, vector<16xf32>,
                    %swap3A_365 = arith.constant 0 : i32
                    %swap3A_366 = arith.constant 0 : i32
                    %swap3A_367 = arith.index_cast %swap3A_366 : i32 to index
                    %swap3A_368 = memref.load %arg15[%swap3A_367] : memref<1xi32, #tpu.memory_space<smem>>
                    memref.store %swap3A_365, %arg15[%swap3A_367] : memref<1xi32, #tpu.memory_space<smem>>
                  } else {
                  }
                }
                %swap3A_254 = arith.constant 0 : i32
                %swap3A_255 = arith.index_cast %swap3A_254 : i32 to index
                %swap3A_256 = memref.load %arg14[%swap3A_255] : memref<1xi32, #tpu.memory_space<smem>>
                memref.store %squeeze3A_222, %arg14[%swap3A_255] : memref<1xi32, #tpu.memory_space<smem>>
              } else {
              }
            }
            %scan3A_212 = arith.constant 20 : i32
          } else {
          }
        }
        %scan3A_179 = arith.constant 16 : i32
        %add3A_180 = arith.constant 2 : i32
        %add3A_181 = arith.addi %add3A_149, %add3A_180 : i32
        %lt3A_182 = arith.cmpi slt, %add3A_181, %select_n3A : i32
        %convert_element_type3A_183 = arith.extui %lt3A_182 : i1 to i32
        %cond3A_184 = arith.constant 0 : i32
        %cond3A_185 = arith.cmpi ne, %convert_element_type3A_183, %cond3A_184 : i32
        scf.if %cond3A_185 {
          %add3A_186 = arith.addi %select_n3A_12, %add3A_149 : i32
          %add3A_187 = arith.constant 2 : i32
          %add3A_188 = arith.addi %add3A_186, %add3A_187 : i32
          %mul3A_189 = arith.constant 5120 : i32
          %mul3A_190 = arith.muli %add3A_188, %mul3A_189 : i32
          %dma_start3A_191 = arith.constant 0 : i32
          %dma_start3A_192 = tpu.memref_slice %arg2[%dma_start3A_191, %mul3A_190] : memref<2x6400000xf32, #tpu.memory_space<hbm>> -> memref<2x5120xf32, #tpu.memory_space<hbm>>
          %dma_start3A_193 = arith.constant 0 : i32
          %dma_start3A_194 = tpu.memref_slice %arg2[%dma_start3A_193, %mul3A_190] : memref<2x6400000xf32, #tpu.memory_space<hbm>> -> memref<2x5120xf32, #tpu.memory_space<hbm>>
          tpu.enqueue_dma source(%dma_start3A_194 : memref<2x5120xf32, #tpu.memory_space<hbm>>) target(%arg6 : memref<2x5120xf32, #tpu.memory_space<vmem>>) target_semaphore(%arg16 : memref<!tpu.dma_semaphore, #tpu.memory_space<semaphore_mem>>)
          %dma_start3A_195 = tpu.memref_slice %arg3[%mul3A_190] : memref<6400000xi32, #tpu.memory_space<hbm>> -> memref<5120xi32, #tpu.memory_space<hbm>>
          %dma_start3A_196 = tpu.memref_slice %arg3[%mul3A_190] : memref<6400000xi32, #tpu.memory_space<hbm>> -> memref<5120xi32, #tpu.memory_space<hbm>>
          tpu.enqueue_dma source(%dma_start3A_196 : memref<5120xi32, #tpu.memory_space<hbm>>) target(%arg8 : memref<5120xi32, #tpu.memory_space<vmem>>) target_semaphore(%arg17 : memref<!tpu.dma_semaphore, #tpu.memory_space<semaphore_mem>>)
        } else {
        }
      } else {
      }
      %mul3A_153 = arith.constant 2 : i32
      %mul3A_154 = arith.muli %scan3A_145, %mul3A_153 : i32
      %add3A_155 = arith.constant 1 : i32
      %add3A_156 = arith.addi %mul3A_154, %add3A_155 : i32
      %lt3A_157 = arith.cmpi slt, %add3A_156, %select_n3A : i32
      %convert_element_type3A_158 = arith.extui %lt3A_157 : i1 to i32
      %cond3A_159 = arith.constant 0 : i32
      %cond3A_160 = arith.cmpi ne, %convert_element_type3A_158, %cond3A_159 : i32
      scf.if %cond3A_160 {
        %add3A_161 = arith.addi %select_n3A_12, %add3A_156 : i32
        %mul3A_162 = arith.constant 5120 : i32
        %mul3A_163 = arith.muli %add3A_161, %mul3A_162 : i32
        %dma_wait3A = arith.constant 0 : i32
        %dma_wait3A_164 = tpu.memref_slice %arg2[%dma_wait3A, %mul3A_163] : memref<2x6400000xf32, #tpu.memory_space<hbm>> -> memref<2x5120xf32, #tpu.memory_space<hbm>>
        %dma_wait3A_165 = arith.constant 0 : i32
        %dma_wait3A_166 = tpu.memref_slice %arg2[%dma_wait3A_165, %mul3A_163] : memref<2x6400000xf32, #tpu.memory_space<hbm>> -> memref<2x5120xf32, #tpu.memory_space<hbm>>
        tpu.wait_dma2 semaphore(%arg18 : memref<!tpu.dma_semaphore, #tpu.memory_space<semaphore_mem>>) src(%dma_wait3A_166 : memref<2x5120xf32, #tpu.memory_space<hbm>>) dst(%arg7 : memref<2x5120xf32, #tpu.memory_space<vmem>>)
        %dma_wait3A_167 = tpu.memref_slice %arg3[%mul3A_163] : memref<6400000xi32, #tpu.memory_space<hbm>> -> memref<5120xi32, #tpu.memory_space<hbm>>
        %dma_wait3A_168 = tpu.memref_slice %arg3[%mul3A_163] : memref<6400000xi32, #tpu.memory_space<hbm>> -> memref<5120xi32, #tpu.memory_space<hbm>>
        tpu.wait_dma2 semaphore(%arg19 : memref<!tpu.dma_semaphore, #tpu.memory_space<semaphore_mem>>) src(%dma_wait3A_168 : memref<5120xi32, #tpu.memory_space<hbm>>) dst(%arg9 : memref<5120xi32, #tpu.memory_space<vmem>>)
        %eq3A_169 = arith.constant 0 : i32
        %eq3A_170 = arith.cmpi eq, %add3A_156, %eq3A_169 : i32
        %convert_element_type3A_171 = arith.extui %eq3A_170 : i1 to i32
        %cond3A_172 = arith.constant 0 : i32
        %cond3A_173 = arith.cmpi ne, %convert_element_type3A_171, %cond3A_172 : i32
        scf.if %cond3A_173 {
          %get3A_186 = arith.constant 0 : index
          %get3A_187 = tpu.vector_load %arg9[%get3A_186] {strides = array<i32>} : memref<5120xi32, #tpu.memory_space<vmem>>, vector<16xi32>,
          %slice3A = vector.extract_strided_slice %get3A_187 {offsets = [0], sizes = [1], strides = [1]} : vector<16xi32> to vector<1xi32>
          %squeeze3A = vector.extract %slice3A[0] : i32 from vector<1xi32>
          %swap3A_188 = arith.constant 0 : i32
          %swap3A_189 = arith.index_cast %swap3A_188 : i32 to index
          %swap3A_190 = memref.load %arg14[%swap3A_189] : memref<1xi32, #tpu.memory_space<smem>>
          memref.store %squeeze3A, %arg14[%swap3A_189] : memref<1xi32, #tpu.memory_space<smem>>
        } else {
        }
        %scan3A_174 = arith.constant 0 : i32
        %scan3A_175 = arith.constant 0 : i32
        %scan3A_176 = arith.constant 16 : i32
        %scan3A_177 = arith.addi %scan3A_175, %scan3A_176 : i32
        %scan3A_178 = arith.constant 1 : i32
        scf.for %scan3A_186 = %scan3A_175 to %scan3A_177 step %scan3A_178  : i32 {
          %mul3A_187 = arith.constant 320 : i32
          %mul3A_188 = arith.muli %scan3A_186, %mul3A_187 : i32
          %get3A_189 = arith.index_cast %mul3A_188 : i32 to index
          %get3A_190 = tpu.vector_load %arg9[%get3A_189] {strides = array<i32>} : memref<5120xi32, #tpu.memory_space<vmem>>, vector<16xi32>,
          %slice3A = vector.extract_strided_slice %get3A_190 {offsets = [0], sizes = [1], strides = [1]} : vector<16xi32> to vector<1xi32>
          %squeeze3A = vector.extract %slice3A[0] : i32 from vector<1xi32>
          %add3A_191 = arith.constant 320 : i32
          %add3A_192 = arith.addi %mul3A_188, %add3A_191 : i32
          %sub3A_193 = arith.constant 16 : i32
          %sub3A_194 = arith.subi %add3A_192, %sub3A_193 : i32
          %get3A_195 = arith.index_cast %sub3A_194 : i32 to index
          %get3A_196 = tpu.vector_load %arg9[%get3A_195] {strides = array<i32>} : memref<5120xi32, #tpu.memory_space<vmem>>, vector<16xi32>,
          %slice3A_197 = vector.extract_strided_slice %get3A_196 {offsets = [15], sizes = [1], strides = [1]} : vector<16xi32> to vector<1xi32>
          %squeeze3A_198 = vector.extract %slice3A_197[0] : i32 from vector<1xi32>
          %eq3A_199 = arith.cmpi eq, %squeeze3A, %squeeze3A_198 : i32
          %convert_element_type3A_200 = arith.extui %eq3A_199 : i1 to i32
          %cond3A_201 = arith.constant 0 : i32
          %cond3A_202 = arith.cmpi ne, %convert_element_type3A_200, %cond3A_201 : i32
          scf.if %cond3A_202 {
            %get3A_207 = arith.constant 0 : i32
            %get3A_208 = arith.index_cast %get3A_207 : i32 to index
            %get3A_209 = memref.load %arg14[%get3A_208] : memref<1xi32, #tpu.memory_space<smem>>
            %while3A = arith.constant 0 : i32
            %while3A_210 = arith.subi %squeeze3A, %get3A_209 : i32
            %while3A_211 = arith.addi %get3A_209, %while3A_210 : i32
            %while3A_212 = arith.constant 1 : i32
            %while3A_213 = arith.divsi %while3A_210, %while3A_212 : i32
            %while3A_214 = arith.muli %while3A_213, %while3A_212 : i32
            %while3A_215 = arith.addi %get3A_209, %while3A_214 : i32
            %while3A_216 = arith.constant 1 : i32
            scf.for %while3A_517 = %get3A_209 to %while3A_215 step %while3A_216  : i32 {
              %get3A_518 = arith.constant 0 : index
              %get3A_519 = tpu.vector_load %arg12[%get3A_518] {strides = array<i32>} : memref<16xf32, #tpu.memory_space<vmem>>, vector<16xf32>,
              %get3A_520 = arith.constant 0 : index
              %get3A_521 = tpu.vector_load %arg13[%get3A_520] {strides = array<i32>} : memref<16xf32, #tpu.memory_space<vmem>>, vector<16xf32>,
              %xor3A_522 = arith.constant 1 : i32
              %xor3A_523 = vector.broadcast %xor3A_522 : i32 to vector<16xi32>
              %xor3A_524 = arith.xori %iota3A, %xor3A_523 : vector<16xi32>
              %broadcast_in_dim3A_525 = vector.shape_cast %xor3A_524 : vector<16xi32> to vector<16x1xi32>
              %gather3A_526 = vector.shape_cast %broadcast_in_dim3A_525 : vector<16x1xi32> to vector<16xi32>
              %gather3A_527 = tpu.dynamic_gather %get3A_519[%gather3A_526] in [0] : vector<16xf32>, vector<16xi32> -> vector<16xf32>
              %add3A_528 = arith.addf %get3A_519, %gather3A_527 : vector<16xf32>
              %xor3A_529 = arith.constant 1 : i32
              %xor3A_530 = vector.broadcast %xor3A_529 : i32 to vector<16xi32>
              %xor3A_531 = arith.xori %iota3A, %xor3A_530 : vector<16xi32>
              %broadcast_in_dim3A_532 = vector.shape_cast %xor3A_531 : vector<16xi32> to vector<16x1xi32>
              %gather3A_533 = vector.shape_cast %broadcast_in_dim3A_532 : vector<16x1xi32> to vector<16xi32>
              %gather3A_534 = tpu.dynamic_gather %get3A_521[%gather3A_533] in [0] : vector<16xf32>, vector<16xi32> -> vector<16xf32>
              %add3A_535 = arith.addf %get3A_521, %gather3A_534 : vector<16xf32>
              %xor3A_536 = arith.constant 2 : i32
              %xor3A_537 = vector.broadcast %xor3A_536 : i32 to vector<16xi32>
              %xor3A_538 = arith.xori %iota3A, %xor3A_537 : vector<16xi32>
              %broadcast_in_dim3A_539 = vector.shape_cast %xor3A_538 : vector<16xi32> to vector<16x1xi32>
              %gather3A_540 = vector.shape_cast %broadcast_in_dim3A_539 : vector<16x1xi32> to vector<16xi32>
              %gather3A_541 = tpu.dynamic_gather %add3A_528[%gather3A_540] in [0] : vector<16xf32>, vector<16xi32> -> vector<16xf32>
              %add3A_542 = arith.addf %add3A_528, %gather3A_541 : vector<16xf32>
              %xor3A_543 = arith.constant 2 : i32
              %xor3A_544 = vector.broadcast %xor3A_543 : i32 to vector<16xi32>
              %xor3A_545 = arith.xori %iota3A, %xor3A_544 : vector<16xi32>
              %broadcast_in_dim3A_546 = vector.shape_cast %xor3A_545 : vector<16xi32> to vector<16x1xi32>
              %gather3A_547 = vector.shape_cast %broadcast_in_dim3A_546 : vector<16x1xi32> to vector<16xi32>
              %gather3A_548 = tpu.dynamic_gather %add3A_535[%gather3A_547] in [0] : vector<16xf32>, vector<16xi32> -> vector<16xf32>
              %add3A_549 = arith.addf %add3A_535, %gather3A_548 : vector<16xf32>
              %xor3A_550 = arith.constant 4 : i32
              %xor3A_551 = vector.broadcast %xor3A_550 : i32 to vector<16xi32>
              %xor3A_552 = arith.xori %iota3A, %xor3A_551 : vector<16xi32>
              %broadcast_in_dim3A_553 = vector.shape_cast %xor3A_552 : vector<16xi32> to vector<16x1xi32>
              %gather3A_554 = vector.shape_cast %broadcast_in_dim3A_553 : vector<16x1xi32> to vector<16xi32>
              %gather3A_555 = tpu.dynamic_gather %add3A_542[%gather3A_554] in [0] : vector<16xf32>, vector<16xi32> -> vector<16xf32>
              %add3A_556 = arith.addf %add3A_542, %gather3A_555 : vector<16xf32>
              %xor3A_557 = arith.constant 4 : i32
              %xor3A_558 = vector.broadcast %xor3A_557 : i32 to vector<16xi32>
              %xor3A_559 = arith.xori %iota3A, %xor3A_558 : vector<16xi32>
              %broadcast_in_dim3A_560 = vector.shape_cast %xor3A_559 : vector<16xi32> to vector<16x1xi32>
              %gather3A_561 = vector.shape_cast %broadcast_in_dim3A_560 : vector<16x1xi32> to vector<16xi32>
              %gather3A_562 = tpu.dynamic_gather %add3A_549[%gather3A_561] in [0] : vector<16xf32>, vector<16xi32> -> vector<16xf32>
              %add3A_563 = arith.addf %add3A_549, %gather3A_562 : vector<16xf32>
              %xor3A_564 = arith.constant 8 : i32
              %xor3A_565 = vector.broadcast %xor3A_564 : i32 to vector<16xi32>
              %xor3A_566 = arith.xori %iota3A, %xor3A_565 : vector<16xi32>
              %broadcast_in_dim3A_567 = vector.shape_cast %xor3A_566 : vector<16xi32> to vector<16x1xi32>
              %gather3A_568 = vector.shape_cast %broadcast_in_dim3A_567 : vector<16x1xi32> to vector<16xi32>
              %gather3A_569 = tpu.dynamic_gather %add3A_556[%gather3A_568] in [0] : vector<16xf32>, vector<16xi32> -> vector<16xf32>
              %add3A_570 = arith.addf %add3A_556, %gather3A_569 : vector<16xf32>
              %xor3A_571 = arith.constant 8 : i32
              %xor3A_572 = vector.broadcast %xor3A_571 : i32 to vector<16xi32>
              %xor3A_573 = arith.xori %iota3A, %xor3A_572 : vector<16xi32>
              %broadcast_in_dim3A_574 = vector.shape_cast %xor3A_573 : vector<16xi32> to vector<16x1xi32>
              %gather3A_575 = vector.shape_cast %broadcast_in_dim3A_574 : vector<16x1xi32> to vector<16xi32>
              %gather3A_576 = tpu.dynamic_gather %add3A_563[%gather3A_575] in [0] : vector<16xf32>, vector<16xi32> -> vector<16xf32>
              %add3A_577 = arith.addf %add3A_563, %gather3A_576 : vector<16xf32>
              %add3A_578 = arith.constant 1024 : i32
              %add3A_579 = arith.addi %add3A_578, %while3A_517 : i32
              %broadcast_in_dim3A_580 = vector.broadcast %while3A_517 : i32 to vector<16xi32>
              %broadcast_in_dim3A_581 = vector.broadcast %add3A_579 : i32 to vector<16xi32>
              %select_n3A_582 = arith.select %eq3A_15, %broadcast_in_dim3A_580, %broadcast_in_dim3A_581 : vector<16xi1>, vector<16xi32>
              %select_n3A_583 = arith.select %eq3A_15, %add3A_570, %add3A_577 : vector<16xi1>, vector<16xf32>
              tpu.vector_store_idx %arg10[%select_n3A_582], %select_n3A_583 masked %lt3A_18 : memref<2048xf32, #tpu.memory_space<vmem>>[vector<16xi32>], vector<16xf32>, vector<16xi1>
              %get3A_584 = arith.constant 0 : i32
              %get3A_585 = arith.index_cast %get3A_584 : i32 to index
              %get3A_586 = memref.load %arg15[%get3A_585] : memref<1xi32, #tpu.memory_space<smem>>
              %convert_element_type3A_587 = arith.sitofp %get3A_586 : i32 to f32
              %broadcast_in_dim3A_588 = vector.broadcast %convert_element_type3A_587 : f32 to vector<16xf32>
              %broadcast_in_dim3A_589 = vector.broadcast %while3A_517 : i32 to vector<16xi32>
              tpu.vector_store_idx %arg11[%broadcast_in_dim3A_589], %broadcast_in_dim3A_588 masked %eq3A_15 : memref<1024xf32, #tpu.memory_space<vmem>>[vector<16xi32>], vector<16xf32>, vector<16xi1>
              %swap3A_590 = arith.constant 0 : index
              %swap3A_591 = tpu.vector_load %arg12[%swap3A_590] {strides = array<i32>} : memref<16xf32, #tpu.memory_space<vmem>>, vector<16xf32>,
              tpu.vector_store %arg12[%swap3A_590], %broadcast_in_dim3A_13 {strides = array<i32>} : memref<16xf32, #tpu.memory_space<vmem>>, vector<16xf32>,
              %swap3A_592 = arith.constant 0 : index
              %swap3A_593 = tpu.vector_load %arg13[%swap3A_592] {strides = array<i32>} : memref<16xf32, #tpu.memory_space<vmem>>, vector<16xf32>,
              tpu.vector_store %arg13[%swap3A_592], %broadcast_in_dim3A_13 {strides = array<i32>} : memref<16xf32, #tpu.memory_space<vmem>>, vector<16xf32>,
              %swap3A_594 = arith.constant 0 : i32
              %swap3A_595 = arith.constant 0 : i32
              %swap3A_596 = arith.index_cast %swap3A_595 : i32 to index
              %swap3A_597 = memref.load %arg15[%swap3A_596] : memref<1xi32, #tpu.memory_space<smem>>
              memref.store %swap3A_594, %arg15[%swap3A_596] : memref<1xi32, #tpu.memory_space<smem>>
            }
            %while3A_217 = arith.constant 1 : i32
            scf.for %while3A_517 = %while3A_215 to %while3A_211 step %while3A_217  : i32 {
              %get3A_518 = arith.constant 0 : index
              %get3A_519 = tpu.vector_load %arg12[%get3A_518] {strides = array<i32>} : memref<16xf32, #tpu.memory_space<vmem>>, vector<16xf32>,
              %get3A_520 = arith.constant 0 : index
              %get3A_521 = tpu.vector_load %arg13[%get3A_520] {strides = array<i32>} : memref<16xf32, #tpu.memory_space<vmem>>, vector<16xf32>,
              %xor3A_522 = arith.constant 1 : i32
              %xor3A_523 = vector.broadcast %xor3A_522 : i32 to vector<16xi32>
              %xor3A_524 = arith.xori %iota3A, %xor3A_523 : vector<16xi32>
              %broadcast_in_dim3A_525 = vector.shape_cast %xor3A_524 : vector<16xi32> to vector<16x1xi32>
              %gather3A_526 = vector.shape_cast %broadcast_in_dim3A_525 : vector<16x1xi32> to vector<16xi32>
              %gather3A_527 = tpu.dynamic_gather %get3A_519[%gather3A_526] in [0] : vector<16xf32>, vector<16xi32> -> vector<16xf32>
              %add3A_528 = arith.addf %get3A_519, %gather3A_527 : vector<16xf32>
              %xor3A_529 = arith.constant 1 : i32
              %xor3A_530 = vector.broadcast %xor3A_529 : i32 to vector<16xi32>
              %xor3A_531 = arith.xori %iota3A, %xor3A_530 : vector<16xi32>
              %broadcast_in_dim3A_532 = vector.shape_cast %xor3A_531 : vector<16xi32> to vector<16x1xi32>
              %gather3A_533 = vector.shape_cast %broadcast_in_dim3A_532 : vector<16x1xi32> to vector<16xi32>
              %gather3A_534 = tpu.dynamic_gather %get3A_521[%gather3A_533] in [0] : vector<16xf32>, vector<16xi32> -> vector<16xf32>
              %add3A_535 = arith.addf %get3A_521, %gather3A_534 : vector<16xf32>
              %xor3A_536 = arith.constant 2 : i32
              %xor3A_537 = vector.broadcast %xor3A_536 : i32 to vector<16xi32>
              %xor3A_538 = arith.xori %iota3A, %xor3A_537 : vector<16xi32>
              %broadcast_in_dim3A_539 = vector.shape_cast %xor3A_538 : vector<16xi32> to vector<16x1xi32>
              %gather3A_540 = vector.shape_cast %broadcast_in_dim3A_539 : vector<16x1xi32> to vector<16xi32>
              %gather3A_541 = tpu.dynamic_gather %add3A_528[%gather3A_540] in [0] : vector<16xf32>, vector<16xi32> -> vector<16xf32>
              %add3A_542 = arith.addf %add3A_528, %gather3A_541 : vector<16xf32>
              %xor3A_543 = arith.constant 2 : i32
              %xor3A_544 = vector.broadcast %xor3A_543 : i32 to vector<16xi32>
              %xor3A_545 = arith.xori %iota3A, %xor3A_544 : vector<16xi32>
              %broadcast_in_dim3A_546 = vector.shape_cast %xor3A_545 : vector<16xi32> to vector<16x1xi32>
              %gather3A_547 = vector.shape_cast %broadcast_in_dim3A_546 : vector<16x1xi32> to vector<16xi32>
              %gather3A_548 = tpu.dynamic_gather %add3A_535[%gather3A_547] in [0] : vector<16xf32>, vector<16xi32> -> vector<16xf32>
              %add3A_549 = arith.addf %add3A_535, %gather3A_548 : vector<16xf32>
              %xor3A_550 = arith.constant 4 : i32
              %xor3A_551 = vector.broadcast %xor3A_550 : i32 to vector<16xi32>
              %xor3A_552 = arith.xori %iota3A, %xor3A_551 : vector<16xi32>
              %broadcast_in_dim3A_553 = vector.shape_cast %xor3A_552 : vector<16xi32> to vector<16x1xi32>
              %gather3A_554 = vector.shape_cast %broadcast_in_dim3A_553 : vector<16x1xi32> to vector<16xi32>
              %gather3A_555 = tpu.dynamic_gather %add3A_542[%gather3A_554] in [0] : vector<16xf32>, vector<16xi32> -> vector<16xf32>
              %add3A_556 = arith.addf %add3A_542, %gather3A_555 : vector<16xf32>
              %xor3A_557 = arith.constant 4 : i32
              %xor3A_558 = vector.broadcast %xor3A_557 : i32 to vector<16xi32>
              %xor3A_559 = arith.xori %iota3A, %xor3A_558 : vector<16xi32>
              %broadcast_in_dim3A_560 = vector.shape_cast %xor3A_559 : vector<16xi32> to vector<16x1xi32>
              %gather3A_561 = vector.shape_cast %broadcast_in_dim3A_560 : vector<16x1xi32> to vector<16xi32>
              %gather3A_562 = tpu.dynamic_gather %add3A_549[%gather3A_561] in [0] : vector<16xf32>, vector<16xi32> -> vector<16xf32>
              %add3A_563 = arith.addf %add3A_549, %gather3A_562 : vector<16xf32>
              %xor3A_564 = arith.constant 8 : i32
              %xor3A_565 = vector.broadcast %xor3A_564 : i32 to vector<16xi32>
              %xor3A_566 = arith.xori %iota3A, %xor3A_565 : vector<16xi32>
              %broadcast_in_dim3A_567 = vector.shape_cast %xor3A_566 : vector<16xi32> to vector<16x1xi32>
              %gather3A_568 = vector.shape_cast %broadcast_in_dim3A_567 : vector<16x1xi32> to vector<16xi32>
              %gather3A_569 = tpu.dynamic_gather %add3A_556[%gather3A_568] in [0] : vector<16xf32>, vector<16xi32> -> vector<16xf32>
              %add3A_570 = arith.addf %add3A_556, %gather3A_569 : vector<16xf32>
              %xor3A_571 = arith.constant 8 : i32
              %xor3A_572 = vector.broadcast %xor3A_571 : i32 to vector<16xi32>
              %xor3A_573 = arith.xori %iota3A, %xor3A_572 : vector<16xi32>
              %broadcast_in_dim3A_574 = vector.shape_cast %xor3A_573 : vector<16xi32> to vector<16x1xi32>
              %gather3A_575 = vector.shape_cast %broadcast_in_dim3A_574 : vector<16x1xi32> to vector<16xi32>
              %gather3A_576 = tpu.dynamic_gather %add3A_563[%gather3A_575] in [0] : vector<16xf32>, vector<16xi32> -> vector<16xf32>
              %add3A_577 = arith.addf %add3A_563, %gather3A_576 : vector<16xf32>
              %add3A_578 = arith.constant 1024 : i32
              %add3A_579 = arith.addi %add3A_578, %while3A_517 : i32
              %broadcast_in_dim3A_580 = vector.broadcast %while3A_517 : i32 to vector<16xi32>
              %broadcast_in_dim3A_581 = vector.broadcast %add3A_579 : i32 to vector<16xi32>
              %select_n3A_582 = arith.select %eq3A_15, %broadcast_in_dim3A_580, %broadcast_in_dim3A_581 : vector<16xi1>, vector<16xi32>
              %select_n3A_583 = arith.select %eq3A_15, %add3A_570, %add3A_577 : vector<16xi1>, vector<16xf32>
              tpu.vector_store_idx %arg10[%select_n3A_582], %select_n3A_583 masked %lt3A_18 : memref<2048xf32, #tpu.memory_space<vmem>>[vector<16xi32>], vector<16xf32>, vector<16xi1>
              %get3A_584 = arith.constant 0 : i32
              %get3A_585 = arith.index_cast %get3A_584 : i32 to index
              %get3A_586 = memref.load %arg15[%get3A_585] : memref<1xi32, #tpu.memory_space<smem>>
              %convert_element_type3A_587 = arith.sitofp %get3A_586 : i32 to f32
              %broadcast_in_dim3A_588 = vector.broadcast %convert_element_type3A_587 : f32 to vector<16xf32>
              %broadcast_in_dim3A_589 = vector.broadcast %while3A_517 : i32 to vector<16xi32>
              tpu.vector_store_idx %arg11[%broadcast_in_dim3A_589], %broadcast_in_dim3A_588 masked %eq3A_15 : memref<1024xf32, #tpu.memory_space<vmem>>[vector<16xi32>], vector<16xf32>, vector<16xi1>
              %swap3A_590 = arith.constant 0 : index
              %swap3A_591 = tpu.vector_load %arg12[%swap3A_590] {strides = array<i32>} : memref<16xf32, #tpu.memory_space<vmem>>, vector<16xf32>,
              tpu.vector_store %arg12[%swap3A_590], %broadcast_in_dim3A_13 {strides = array<i32>} : memref<16xf32, #tpu.memory_space<vmem>>, vector<16xf32>,
              %swap3A_592 = arith.constant 0 : index
              %swap3A_593 = tpu.vector_load %arg13[%swap3A_592] {strides = array<i32>} : memref<16xf32, #tpu.memory_space<vmem>>, vector<16xf32>,
              tpu.vector_store %arg13[%swap3A_592], %broadcast_in_dim3A_13 {strides = array<i32>} : memref<16xf32, #tpu.memory_space<vmem>>, vector<16xf32>,
              %swap3A_594 = arith.constant 0 : i32
              %swap3A_595 = arith.constant 0 : i32
              %swap3A_596 = arith.index_cast %swap3A_595 : i32 to index
              %swap3A_597 = memref.load %arg15[%swap3A_596] : memref<1xi32, #tpu.memory_space<smem>>
              memref.store %swap3A_594, %arg15[%swap3A_596] : memref<1xi32, #tpu.memory_space<smem>>
            }
            %swap3A_218 = arith.constant 0 : i32
            %swap3A_219 = arith.index_cast %swap3A_218 : i32 to index
            %swap3A_220 = memref.load %arg14[%swap3A_219] : memref<1xi32, #tpu.memory_space<smem>>
            memref.store %squeeze3A, %arg14[%swap3A_219] : memref<1xi32, #tpu.memory_space<smem>>
            %get3A_221 = arith.constant 0 : index
            %get3A_222 = tpu.vector_load %arg12[%get3A_221] {strides = array<i32>} : memref<16xf32, #tpu.memory_space<vmem>>, vector<16xf32>,
            %add3A_223 = arith.constant 0 : i32
            %add3A_224 = arith.addi %mul3A_188, %add3A_223 : i32
            %get3A_225 = arith.constant 0 : i32
            %get3A_226 = arith.index_cast %get3A_225 : i32 to index
            %get3A_227 = arith.index_cast %add3A_224 : i32 to index
            %get3A_228 = tpu.vector_load %arg7[%get3A_226, %get3A_227] {strides = array<i32>} : memref<2x5120xf32, #tpu.memory_space<vmem>>, vector<16xf32>,
            %add3A_229 = arith.constant 16 : i32
            %add3A_230 = arith.addi %mul3A_188, %add3A_229 : i32
            %get3A_231 = arith.constant 0 : i32
            %get3A_232 = arith.index_cast %get3A_231 : i32 to index
            %get3A_233 = arith.index_cast %add3A_230 : i32 to index
            %get3A_234 = tpu.vector_load %arg7[%get3A_232, %get3A_233] {strides = array<i32>} : memref<2x5120xf32, #tpu.memory_space<vmem>>, vector<16xf32>,
            %add3A_235 = arith.constant 32 : i32
            %add3A_236 = arith.addi %mul3A_188, %add3A_235 : i32
            %get3A_237 = arith.constant 0 : i32
            %get3A_238 = arith.index_cast %get3A_237 : i32 to index
            %get3A_239 = arith.index_cast %add3A_236 : i32 to index
            %get3A_240 = tpu.vector_load %arg7[%get3A_238, %get3A_239] {strides = array<i32>} : memref<2x5120xf32, #tpu.memory_space<vmem>>, vector<16xf32>,
            %add3A_241 = arith.constant 48 : i32
            %add3A_242 = arith.addi %mul3A_188, %add3A_241 : i32
            %get3A_243 = arith.constant 0 : i32
            %get3A_244 = arith.index_cast %get3A_243 : i32 to index
            %get3A_245 = arith.index_cast %add3A_242 : i32 to index
            %get3A_246 = tpu.vector_load %arg7[%get3A_244, %get3A_245] {strides = array<i32>} : memref<2x5120xf32, #tpu.memory_space<vmem>>, vector<16xf32>,
            %add3A_247 = arith.constant 64 : i32
            %add3A_248 = arith.addi %mul3A_188, %add3A_247 : i32
            %get3A_249 = arith.constant 0 : i32
            %get3A_250 = arith.index_cast %get3A_249 : i32 to index
            %get3A_251 = arith.index_cast %add3A_248 : i32 to index
            %get3A_252 = tpu.vector_load %arg7[%get3A_250, %get3A_251] {strides = array<i32>} : memref<2x5120xf32, #tpu.memory_space<vmem>>, vector<16xf32>,
            %add3A_253 = arith.constant 80 : i32
            %add3A_254 = arith.addi %mul3A_188, %add3A_253 : i32
            %get3A_255 = arith.constant 0 : i32
            %get3A_256 = arith.index_cast %get3A_255 : i32 to index
            %get3A_257 = arith.index_cast %add3A_254 : i32 to index
            %get3A_258 = tpu.vector_load %arg7[%get3A_256, %get3A_257] {strides = array<i32>} : memref<2x5120xf32, #tpu.memory_space<vmem>>, vector<16xf32>,
            %add3A_259 = arith.constant 96 : i32
            %add3A_260 = arith.addi %mul3A_188, %add3A_259 : i32
            %get3A_261 = arith.constant 0 : i32
            %get3A_262 = arith.index_cast %get3A_261 : i32 to index
            %get3A_263 = arith.index_cast %add3A_260 : i32 to index
            %get3A_264 = tpu.vector_load %arg7[%get3A_262, %get3A_263] {strides = array<i32>} : memref<2x5120xf32, #tpu.memory_space<vmem>>, vector<16xf32>,
            %add3A_265 = arith.constant 112 : i32
            %add3A_266 = arith.addi %mul3A_188, %add3A_265 : i32
            %get3A_267 = arith.constant 0 : i32
            %get3A_268 = arith.index_cast %get3A_267 : i32 to index
            %get3A_269 = arith.index_cast %add3A_266 : i32 to index
            %get3A_270 = tpu.vector_load %arg7[%get3A_268, %get3A_269] {strides = array<i32>} : memref<2x5120xf32, #tpu.memory_space<vmem>>, vector<16xf32>,
            %add3A_271 = arith.constant 128 : i32
            %add3A_272 = arith.addi %mul3A_188, %add3A_271 : i32
            %get3A_273 = arith.constant 0 : i32
            %get3A_274 = arith.index_cast %get3A_273 : i32 to index
            %get3A_275 = arith.index_cast %add3A_272 : i32 to index
            %get3A_276 = tpu.vector_load %arg7[%get3A_274, %get3A_275] {strides = array<i32>} : memref<2x5120xf32, #tpu.memory_space<vmem>>, vector<16xf32>,
            %add3A_277 = arith.constant 144 : i32
            %add3A_278 = arith.addi %mul3A_188, %add3A_277 : i32
            %get3A_279 = arith.constant 0 : i32
            %get3A_280 = arith.index_cast %get3A_279 : i32 to index
            %get3A_281 = arith.index_cast %add3A_278 : i32 to index
            %get3A_282 = tpu.vector_load %arg7[%get3A_280, %get3A_281] {strides = array<i32>} : memref<2x5120xf32, #tpu.memory_space<vmem>>, vector<16xf32>,
            %add3A_283 = arith.constant 160 : i32
            %add3A_284 = arith.addi %mul3A_188, %add3A_283 : i32
            %get3A_285 = arith.constant 0 : i32
            %get3A_286 = arith.index_cast %get3A_285 : i32 to index
            %get3A_287 = arith.index_cast %add3A_284 : i32 to index
            %get3A_288 = tpu.vector_load %arg7[%get3A_286, %get3A_287] {strides = array<i32>} : memref<2x5120xf32, #tpu.memory_space<vmem>>, vector<16xf32>,
            %add3A_289 = arith.constant 176 : i32
            %add3A_290 = arith.addi %mul3A_188, %add3A_289 : i32
            %get3A_291 = arith.constant 0 : i32
            %get3A_292 = arith.index_cast %get3A_291 : i32 to index
            %get3A_293 = arith.index_cast %add3A_290 : i32 to index
            %get3A_294 = tpu.vector_load %arg7[%get3A_292, %get3A_293] {strides = array<i32>} : memref<2x5120xf32, #tpu.memory_space<vmem>>, vector<16xf32>,
            %add3A_295 = arith.constant 192 : i32
            %add3A_296 = arith.addi %mul3A_188, %add3A_295 : i32
            %get3A_297 = arith.constant 0 : i32
            %get3A_298 = arith.index_cast %get3A_297 : i32 to index
            %get3A_299 = arith.index_cast %add3A_296 : i32 to index
            %get3A_300 = tpu.vector_load %arg7[%get3A_298, %get3A_299] {strides = array<i32>} : memref<2x5120xf32, #tpu.memory_space<vmem>>, vector<16xf32>,
            %add3A_301 = arith.constant 208 : i32
            %add3A_302 = arith.addi %mul3A_188, %add3A_301 : i32
            %get3A_303 = arith.constant 0 : i32
            %get3A_304 = arith.index_cast %get3A_303 : i32 to index
            %get3A_305 = arith.index_cast %add3A_302 : i32 to index
            %get3A_306 = tpu.vector_load %arg7[%get3A_304, %get3A_305] {strides = array<i32>} : memref<2x5120xf32, #tpu.memory_space<vmem>>, vector<16xf32>,
            %add3A_307 = arith.constant 224 : i32
            %add3A_308 = arith.addi %mul3A_188, %add3A_307 : i32
            %get3A_309 = arith.constant 0 : i32
            %get3A_310 = arith.index_cast %get3A_309 : i32 to index
            %get3A_311 = arith.index_cast %add3A_308 : i32 to index
            %get3A_312 = tpu.vector_load %arg7[%get3A_310, %get3A_311] {strides = array<i32>} : memref<2x5120xf32, #tpu.memory_space<vmem>>, vector<16xf32>,
            %add3A_313 = arith.constant 240 : i32
            %add3A_314 = arith.addi %mul3A_188, %add3A_313 : i32
            %get3A_315 = arith.constant 0 : i32
            %get3A_316 = arith.index_cast %get3A_315 : i32 to index
            %get3A_317 = arith.index_cast %add3A_314 : i32 to index
            %get3A_318 = tpu.vector_load %arg7[%get3A_316, %get3A_317] {strides = array<i32>} : memref<2x5120xf32, #tpu.memory_space<vmem>>, vector<16xf32>,
            %add3A_319 = arith.constant 256 : i32
            %add3A_320 = arith.addi %mul3A_188, %add3A_319 : i32
            %get3A_321 = arith.constant 0 : i32
            %get3A_322 = arith.index_cast %get3A_321 : i32 to index
            %get3A_323 = arith.index_cast %add3A_320 : i32 to index
            %get3A_324 = tpu.vector_load %arg7[%get3A_322, %get3A_323] {strides = array<i32>} : memref<2x5120xf32, #tpu.memory_space<vmem>>, vector<16xf32>,
            %add3A_325 = arith.constant 272 : i32
            %add3A_326 = arith.addi %mul3A_188, %add3A_325 : i32
            %get3A_327 = arith.constant 0 : i32
            %get3A_328 = arith.index_cast %get3A_327 : i32 to index
            %get3A_329 = arith.index_cast %add3A_326 : i32 to index
            %get3A_330 = tpu.vector_load %arg7[%get3A_328, %get3A_329] {strides = array<i32>} : memref<2x5120xf32, #tpu.memory_space<vmem>>, vector<16xf32>,
            %add3A_331 = arith.constant 288 : i32
            %add3A_332 = arith.addi %mul3A_188, %add3A_331 : i32
            %get3A_333 = arith.constant 0 : i32
            %get3A_334 = arith.index_cast %get3A_333 : i32 to index
            %get3A_335 = arith.index_cast %add3A_332 : i32 to index
            %get3A_336 = tpu.vector_load %arg7[%get3A_334, %get3A_335] {strides = array<i32>} : memref<2x5120xf32, #tpu.memory_space<vmem>>, vector<16xf32>,
            %add3A_337 = arith.constant 304 : i32
            %add3A_338 = arith.addi %mul3A_188, %add3A_337 : i32
            %get3A_339 = arith.constant 0 : i32
            %get3A_340 = arith.index_cast %get3A_339 : i32 to index
            %get3A_341 = arith.index_cast %add3A_338 : i32 to index
            %get3A_342 = tpu.vector_load %arg7[%get3A_340, %get3A_341] {strides = array<i32>} : memref<2x5120xf32, #tpu.memory_space<vmem>>, vector<16xf32>,
            %add3A_343 = arith.addf %get3A_228, %get3A_234 : vector<16xf32>
            %add3A_344 = arith.addf %get3A_240, %get3A_246 : vector<16xf32>
            %add3A_345 = arith.addf %get3A_252, %get3A_258 : vector<16xf32>
            %add3A_346 = arith.addf %get3A_264, %get3A_270 : vector<16xf32>
            %add3A_347 = arith.addf %get3A_276, %get3A_282 : vector<16xf32>
            %add3A_348 = arith.addf %get3A_288, %get3A_294 : vector<16xf32>
            %add3A_349 = arith.addf %get3A_300, %get3A_306 : vector<16xf32>
            %add3A_350 = arith.addf %get3A_312, %get3A_318 : vector<16xf32>
            %add3A_351 = arith.addf %get3A_324, %get3A_330 : vector<16xf32>
            %add3A_352 = arith.addf %get3A_336, %get3A_342 : vector<16xf32>
            %add3A_353 = arith.addf %add3A_343, %add3A_344 : vector<16xf32>
            %add3A_354 = arith.addf %add3A_345, %add3A_346 : vector<16xf32>
            %add3A_355 = arith.addf %add3A_347, %add3A_348 : vector<16xf32>
            %add3A_356 = arith.addf %add3A_349, %add3A_350 : vector<16xf32>
            %add3A_357 = arith.addf %add3A_351, %add3A_352 : vector<16xf32>
            %add3A_358 = arith.addf %add3A_353, %add3A_354 : vector<16xf32>
            %add3A_359 = arith.addf %add3A_355, %add3A_356 : vector<16xf32>
            %add3A_360 = arith.addf %add3A_358, %add3A_359 : vector<16xf32>
            %add3A_361 = arith.addf %add3A_360, %add3A_357 : vector<16xf32>
            %add3A_362 = arith.addf %get3A_222, %add3A_361 : vector<16xf32>
            %swap3A_363 = arith.constant 0 : index
            %swap3A_364 = tpu.vector_load %arg12[%swap3A_363] {strides = array<i32>} : memref<16xf32, #tpu.memory_space<vmem>>, vector<16xf32>,
            tpu.vector_store %arg12[%swap3A_363], %add3A_362 {strides = array<i32>} : memref<16xf32, #tpu.memory_space<vmem>>, vector<16xf32>,
            %get3A_365 = arith.constant 0 : index
            %get3A_366 = tpu.vector_load %arg13[%get3A_365] {strides = array<i32>} : memref<16xf32, #tpu.memory_space<vmem>>, vector<16xf32>,
            %add3A_367 = arith.constant 0 : i32
            %add3A_368 = arith.addi %mul3A_188, %add3A_367 : i32
            %get3A_369 = arith.constant 1 : i32
            %get3A_370 = arith.index_cast %get3A_369 : i32 to index
            %get3A_371 = arith.index_cast %add3A_368 : i32 to index
            %get3A_372 = tpu.vector_load %arg7[%get3A_370, %get3A_371] {strides = array<i32>} : memref<2x5120xf32, #tpu.memory_space<vmem>>, vector<16xf32>,
            %add3A_373 = arith.constant 16 : i32
            %add3A_374 = arith.addi %mul3A_188, %add3A_373 : i32
            %get3A_375 = arith.constant 1 : i32
            %get3A_376 = arith.index_cast %get3A_375 : i32 to index
            %get3A_377 = arith.index_cast %add3A_374 : i32 to index
            %get3A_378 = tpu.vector_load %arg7[%get3A_376, %get3A_377] {strides = array<i32>} : memref<2x5120xf32, #tpu.memory_space<vmem>>, vector<16xf32>,
            %add3A_379 = arith.constant 32 : i32
            %add3A_380 = arith.addi %mul3A_188, %add3A_379 : i32
            %get3A_381 = arith.constant 1 : i32
            %get3A_382 = arith.index_cast %get3A_381 : i32 to index
            %get3A_383 = arith.index_cast %add3A_380 : i32 to index
            %get3A_384 = tpu.vector_load %arg7[%get3A_382, %get3A_383] {strides = array<i32>} : memref<2x5120xf32, #tpu.memory_space<vmem>>, vector<16xf32>,
            %add3A_385 = arith.constant 48 : i32
            %add3A_386 = arith.addi %mul3A_188, %add3A_385 : i32
            %get3A_387 = arith.constant 1 : i32
            %get3A_388 = arith.index_cast %get3A_387 : i32 to index
            %get3A_389 = arith.index_cast %add3A_386 : i32 to index
            %get3A_390 = tpu.vector_load %arg7[%get3A_388, %get3A_389] {strides = array<i32>} : memref<2x5120xf32, #tpu.memory_space<vmem>>, vector<16xf32>,
            %add3A_391 = arith.constant 64 : i32
            %add3A_392 = arith.addi %mul3A_188, %add3A_391 : i32
            %get3A_393 = arith.constant 1 : i32
            %get3A_394 = arith.index_cast %get3A_393 : i32 to index
            %get3A_395 = arith.index_cast %add3A_392 : i32 to index
            %get3A_396 = tpu.vector_load %arg7[%get3A_394, %get3A_395] {strides = array<i32>} : memref<2x5120xf32, #tpu.memory_space<vmem>>, vector<16xf32>,
            %add3A_397 = arith.constant 80 : i32
            %add3A_398 = arith.addi %mul3A_188, %add3A_397 : i32
            %get3A_399 = arith.constant 1 : i32
            %get3A_400 = arith.index_cast %get3A_399 : i32 to index
            %get3A_401 = arith.index_cast %add3A_398 : i32 to index
            %get3A_402 = tpu.vector_load %arg7[%get3A_400, %get3A_401] {strides = array<i32>} : memref<2x5120xf32, #tpu.memory_space<vmem>>, vector<16xf32>,
            %add3A_403 = arith.constant 96 : i32
            %add3A_404 = arith.addi %mul3A_188, %add3A_403 : i32
            %get3A_405 = arith.constant 1 : i32
            %get3A_406 = arith.index_cast %get3A_405 : i32 to index
            %get3A_407 = arith.index_cast %add3A_404 : i32 to index
            %get3A_408 = tpu.vector_load %arg7[%get3A_406, %get3A_407] {strides = array<i32>} : memref<2x5120xf32, #tpu.memory_space<vmem>>, vector<16xf32>,
            %add3A_409 = arith.constant 112 : i32
            %add3A_410 = arith.addi %mul3A_188, %add3A_409 : i32
            %get3A_411 = arith.constant 1 : i32
            %get3A_412 = arith.index_cast %get3A_411 : i32 to index
            %get3A_413 = arith.index_cast %add3A_410 : i32 to index
            %get3A_414 = tpu.vector_load %arg7[%get3A_412, %get3A_413] {strides = array<i32>} : memref<2x5120xf32, #tpu.memory_space<vmem>>, vector<16xf32>,
            %add3A_415 = arith.constant 128 : i32
            %add3A_416 = arith.addi %mul3A_188, %add3A_415 : i32
            %get3A_417 = arith.constant 1 : i32
            %get3A_418 = arith.index_cast %get3A_417 : i32 to index
            %get3A_419 = arith.index_cast %add3A_416 : i32 to index
            %get3A_420 = tpu.vector_load %arg7[%get3A_418, %get3A_419] {strides = array<i32>} : memref<2x5120xf32, #tpu.memory_space<vmem>>, vector<16xf32>,
            %add3A_421 = arith.constant 144 : i32
            %add3A_422 = arith.addi %mul3A_188, %add3A_421 : i32
            %get3A_423 = arith.constant 1 : i32
            %get3A_424 = arith.index_cast %get3A_423 : i32 to index
            %get3A_425 = arith.index_cast %add3A_422 : i32 to index
            %get3A_426 = tpu.vector_load %arg7[%get3A_424, %get3A_425] {strides = array<i32>} : memref<2x5120xf32, #tpu.memory_space<vmem>>, vector<16xf32>,
            %add3A_427 = arith.constant 160 : i32
            %add3A_428 = arith.addi %mul3A_188, %add3A_427 : i32
            %get3A_429 = arith.constant 1 : i32
            %get3A_430 = arith.index_cast %get3A_429 : i32 to index
            %get3A_431 = arith.index_cast %add3A_428 : i32 to index
            %get3A_432 = tpu.vector_load %arg7[%get3A_430, %get3A_431] {strides = array<i32>} : memref<2x5120xf32, #tpu.memory_space<vmem>>, vector<16xf32>,
            %add3A_433 = arith.constant 176 : i32
            %add3A_434 = arith.addi %mul3A_188, %add3A_433 : i32
            %get3A_435 = arith.constant 1 : i32
            %get3A_436 = arith.index_cast %get3A_435 : i32 to index
            %get3A_437 = arith.index_cast %add3A_434 : i32 to index
            %get3A_438 = tpu.vector_load %arg7[%get3A_436, %get3A_437] {strides = array<i32>} : memref<2x5120xf32, #tpu.memory_space<vmem>>, vector<16xf32>,
            %add3A_439 = arith.constant 192 : i32
            %add3A_440 = arith.addi %mul3A_188, %add3A_439 : i32
            %get3A_441 = arith.constant 1 : i32
            %get3A_442 = arith.index_cast %get3A_441 : i32 to index
            %get3A_443 = arith.index_cast %add3A_440 : i32 to index
            %get3A_444 = tpu.vector_load %arg7[%get3A_442, %get3A_443] {strides = array<i32>} : memref<2x5120xf32, #tpu.memory_space<vmem>>, vector<16xf32>,
            %add3A_445 = arith.constant 208 : i32
            %add3A_446 = arith.addi %mul3A_188, %add3A_445 : i32
            %get3A_447 = arith.constant 1 : i32
            %get3A_448 = arith.index_cast %get3A_447 : i32 to index
            %get3A_449 = arith.index_cast %add3A_446 : i32 to index
            %get3A_450 = tpu.vector_load %arg7[%get3A_448, %get3A_449] {strides = array<i32>} : memref<2x5120xf32, #tpu.memory_space<vmem>>, vector<16xf32>,
            %add3A_451 = arith.constant 224 : i32
            %add3A_452 = arith.addi %mul3A_188, %add3A_451 : i32
            %get3A_453 = arith.constant 1 : i32
            %get3A_454 = arith.index_cast %get3A_453 : i32 to index
            %get3A_455 = arith.index_cast %add3A_452 : i32 to index
            %get3A_456 = tpu.vector_load %arg7[%get3A_454, %get3A_455] {strides = array<i32>} : memref<2x5120xf32, #tpu.memory_space<vmem>>, vector<16xf32>,
            %add3A_457 = arith.constant 240 : i32
            %add3A_458 = arith.addi %mul3A_188, %add3A_457 : i32
            %get3A_459 = arith.constant 1 : i32
            %get3A_460 = arith.index_cast %get3A_459 : i32 to index
            %get3A_461 = arith.index_cast %add3A_458 : i32 to index
            %get3A_462 = tpu.vector_load %arg7[%get3A_460, %get3A_461] {strides = array<i32>} : memref<2x5120xf32, #tpu.memory_space<vmem>>, vector<16xf32>,
            %add3A_463 = arith.constant 256 : i32
            %add3A_464 = arith.addi %mul3A_188, %add3A_463 : i32
            %get3A_465 = arith.constant 1 : i32
            %get3A_466 = arith.index_cast %get3A_465 : i32 to index
            %get3A_467 = arith.index_cast %add3A_464 : i32 to index
            %get3A_468 = tpu.vector_load %arg7[%get3A_466, %get3A_467] {strides = array<i32>} : memref<2x5120xf32, #tpu.memory_space<vmem>>, vector<16xf32>,
            %add3A_469 = arith.constant 272 : i32
            %add3A_470 = arith.addi %mul3A_188, %add3A_469 : i32
            %get3A_471 = arith.constant 1 : i32
            %get3A_472 = arith.index_cast %get3A_471 : i32 to index
            %get3A_473 = arith.index_cast %add3A_470 : i32 to index
            %get3A_474 = tpu.vector_load %arg7[%get3A_472, %get3A_473] {strides = array<i32>} : memref<2x5120xf32, #tpu.memory_space<vmem>>, vector<16xf32>,
            %add3A_475 = arith.constant 288 : i32
            %add3A_476 = arith.addi %mul3A_188, %add3A_475 : i32
            %get3A_477 = arith.constant 1 : i32
            %get3A_478 = arith.index_cast %get3A_477 : i32 to index
            %get3A_479 = arith.index_cast %add3A_476 : i32 to index
            %get3A_480 = tpu.vector_load %arg7[%get3A_478, %get3A_479] {strides = array<i32>} : memref<2x5120xf32, #tpu.memory_space<vmem>>, vector<16xf32>,
            %add3A_481 = arith.constant 304 : i32
            %add3A_482 = arith.addi %mul3A_188, %add3A_481 : i32
            %get3A_483 = arith.constant 1 : i32
            %get3A_484 = arith.index_cast %get3A_483 : i32 to index
            %get3A_485 = arith.index_cast %add3A_482 : i32 to index
            %get3A_486 = tpu.vector_load %arg7[%get3A_484, %get3A_485] {strides = array<i32>} : memref<2x5120xf32, #tpu.memory_space<vmem>>, vector<16xf32>,
            %add3A_487 = arith.addf %get3A_372, %get3A_378 : vector<16xf32>
            %add3A_488 = arith.addf %get3A_384, %get3A_390 : vector<16xf32>
            %add3A_489 = arith.addf %get3A_396, %get3A_402 : vector<16xf32>
            %add3A_490 = arith.addf %get3A_408, %get3A_414 : vector<16xf32>
            %add3A_491 = arith.addf %get3A_420, %get3A_426 : vector<16xf32>
            %add3A_492 = arith.addf %get3A_432, %get3A_438 : vector<16xf32>
            %add3A_493 = arith.addf %get3A_444, %get3A_450 : vector<16xf32>
            %add3A_494 = arith.addf %get3A_456, %get3A_462 : vector<16xf32>
            %add3A_495 = arith.addf %get3A_468, %get3A_474 : vector<16xf32>
            %add3A_496 = arith.addf %get3A_480, %get3A_486 : vector<16xf32>
            %add3A_497 = arith.addf %add3A_487, %add3A_488 : vector<16xf32>
            %add3A_498 = arith.addf %add3A_489, %add3A_490 : vector<16xf32>
            %add3A_499 = arith.addf %add3A_491, %add3A_492 : vector<16xf32>
            %add3A_500 = arith.addf %add3A_493, %add3A_494 : vector<16xf32>
            %add3A_501 = arith.addf %add3A_495, %add3A_496 : vector<16xf32>
            %add3A_502 = arith.addf %add3A_497, %add3A_498 : vector<16xf32>
            %add3A_503 = arith.addf %add3A_499, %add3A_500 : vector<16xf32>
            %add3A_504 = arith.addf %add3A_502, %add3A_503 : vector<16xf32>
            %add3A_505 = arith.addf %add3A_504, %add3A_501 : vector<16xf32>
            %add3A_506 = arith.addf %get3A_366, %add3A_505 : vector<16xf32>
            %swap3A_507 = arith.constant 0 : index
            %swap3A_508 = tpu.vector_load %arg13[%swap3A_507] {strides = array<i32>} : memref<16xf32, #tpu.memory_space<vmem>>, vector<16xf32>,
            tpu.vector_store %arg13[%swap3A_507], %add3A_506 {strides = array<i32>} : memref<16xf32, #tpu.memory_space<vmem>>, vector<16xf32>,
            %get3A_509 = arith.constant 0 : i32
            %get3A_510 = arith.index_cast %get3A_509 : i32 to index
            %get3A_511 = memref.load %arg15[%get3A_510] : memref<1xi32, #tpu.memory_space<smem>>
            %add3A_512 = arith.constant 320 : i32
            %add3A_513 = arith.addi %get3A_511, %add3A_512 : i32
            %swap3A_514 = arith.constant 0 : i32
            %swap3A_515 = arith.index_cast %swap3A_514 : i32 to index
            %swap3A_516 = memref.load %arg15[%swap3A_515] : memref<1xi32, #tpu.memory_space<smem>>
            memref.store %add3A_513, %arg15[%swap3A_515] : memref<1xi32, #tpu.memory_space<smem>>
          } else {
          }
          %not3A = arith.constant true
          %not3A_203 = arith.xori %eq3A_199, %not3A : i1
          %convert_element_type3A_204 = arith.extui %not3A_203 : i1 to i32
          %cond3A_205 = arith.constant 0 : i32
          %cond3A_206 = arith.cmpi ne, %convert_element_type3A_204, %cond3A_205 : i32
          scf.if %cond3A_206 {
            %scan3A_207 = arith.constant 0 : i32
            %scan3A_208 = arith.constant 0 : i32
            %scan3A_209 = arith.constant 20 : i32
            %scan3A_210 = arith.addi %scan3A_208, %scan3A_209 : i32
            %scan3A_211 = arith.constant 1 : i32
            scf.for %scan3A_213 = %scan3A_208 to %scan3A_210 step %scan3A_211  : i32 {
              %mul3A_214 = arith.constant 16 : i32
              %mul3A_215 = arith.muli %scan3A_213, %mul3A_214 : i32
              %add3A_216 = arith.addi %mul3A_188, %mul3A_215 : i32
              %get3A_217 = arith.index_cast %add3A_216 : i32 to index
              %get3A_218 = tpu.vector_load %arg9[%get3A_217] {strides = array<i32>} : memref<5120xi32, #tpu.memory_space<vmem>>, vector<16xi32>,
              %slice3A_219 = vector.extract_strided_slice %get3A_218 {offsets = [0], sizes = [1], strides = [1]} : vector<16xi32> to vector<1xi32>
              %squeeze3A_220 = vector.extract %slice3A_219[0] : i32 from vector<1xi32>
              %slice3A_221 = vector.extract_strided_slice %get3A_218 {offsets = [15], sizes = [1], strides = [1]} : vector<16xi32> to vector<1xi32>
              %squeeze3A_222 = vector.extract %slice3A_221[0] : i32 from vector<1xi32>
              %get3A_223 = arith.constant 0 : i32
              %get3A_224 = arith.index_cast %get3A_223 : i32 to index
              %get3A_225 = arith.index_cast %add3A_216 : i32 to index
              %get3A_226 = tpu.vector_load %arg7[%get3A_224, %get3A_225] {strides = array<i32>} : memref<2x5120xf32, #tpu.memory_space<vmem>>, vector<16xf32>,
              %get3A_227 = arith.constant 1 : i32
              %get3A_228 = arith.index_cast %get3A_227 : i32 to index
              %get3A_229 = arith.index_cast %add3A_216 : i32 to index
              %get3A_230 = tpu.vector_load %arg7[%get3A_228, %get3A_229] {strides = array<i32>} : memref<2x5120xf32, #tpu.memory_space<vmem>>, vector<16xf32>,
              %get3A_231 = arith.constant 0 : i32
              %get3A_232 = arith.index_cast %get3A_231 : i32 to index
              %get3A_233 = memref.load %arg14[%get3A_232] : memref<1xi32, #tpu.memory_space<smem>>
              %eq3A_234 = arith.cmpi eq, %squeeze3A_220, %get3A_233 : i32
              %eq3A_235 = arith.cmpi eq, %squeeze3A_222, %get3A_233 : i32
              %and3A = arith.andi %eq3A_234, %eq3A_235 : i1
              %convert_element_type3A_236 = arith.extui %and3A : i1 to i32
              %cond3A_237 = arith.constant 0 : i32
              %cond3A_238 = arith.cmpi ne, %convert_element_type3A_236, %cond3A_237 : i32
              scf.if %cond3A_238 {
                %get3A_244 = arith.constant 0 : index
                %get3A_245 = tpu.vector_load %arg12[%get3A_244] {strides = array<i32>} : memref<16xf32, #tpu.memory_space<vmem>>, vector<16xf32>,
                %add3A_246 = arith.addf %get3A_245, %get3A_226 : vector<16xf32>
                %swap3A_247 = arith.constant 0 : index
                %swap3A_248 = tpu.vector_load %arg12[%swap3A_247] {strides = array<i32>} : memref<16xf32, #tpu.memory_space<vmem>>, vector<16xf32>,
                tpu.vector_store %arg12[%swap3A_247], %add3A_246 {strides = array<i32>} : memref<16xf32, #tpu.memory_space<vmem>>, vector<16xf32>,
                %get3A_249 = arith.constant 0 : index
                %get3A_250 = tpu.vector_load %arg13[%get3A_249] {strides = array<i32>} : memref<16xf32, #tpu.memory_space<vmem>>, vector<16xf32>,
                %add3A_251 = arith.addf %get3A_250, %get3A_230 : vector<16xf32>
                %swap3A_252 = arith.constant 0 : index
                %swap3A_253 = tpu.vector_load %arg13[%swap3A_252] {strides = array<i32>} : memref<16xf32, #tpu.memory_space<vmem>>, vector<16xf32>,
                tpu.vector_store %arg13[%swap3A_252], %add3A_251 {strides = array<i32>} : memref<16xf32, #tpu.memory_space<vmem>>, vector<16xf32>,
                %get3A_254 = arith.constant 0 : i32
                %get3A_255 = arith.index_cast %get3A_254 : i32 to index
                %get3A_256 = memref.load %arg15[%get3A_255] : memref<1xi32, #tpu.memory_space<smem>>
                %add3A_257 = arith.constant 16 : i32
                %add3A_258 = arith.addi %get3A_256, %add3A_257 : i32
                %swap3A_259 = arith.constant 0 : i32
                %swap3A_260 = arith.index_cast %swap3A_259 : i32 to index
                %swap3A_261 = memref.load %arg15[%swap3A_260] : memref<1xi32, #tpu.memory_space<smem>>
                memref.store %add3A_258, %arg15[%swap3A_260] : memref<1xi32, #tpu.memory_space<smem>>
              } else {
              }
              %not3A_239 = arith.constant true
              %not3A_240 = arith.xori %and3A, %not3A_239 : i1
              %convert_element_type3A_241 = arith.extui %not3A_240 : i1 to i32
              %cond3A_242 = arith.constant 0 : i32
              %cond3A_243 = arith.cmpi ne, %convert_element_type3A_241, %cond3A_242 : i32
              scf.if %cond3A_243 {
                %add3A_244 = arith.constant 1 : i32
                %add3A_245 = arith.addi %squeeze3A_222, %add3A_244 : i32
                %while3A = arith.constant 0 : i32
                %while3A_246 = arith.subi %add3A_245, %get3A_233 : i32
                %while3A_247 = arith.addi %get3A_233, %while3A_246 : i32
                %while3A_248 = arith.constant 1 : i32
                %while3A_249 = arith.divsi %while3A_246, %while3A_248 : i32
                %while3A_250 = arith.muli %while3A_249, %while3A_248 : i32
                %while3A_251 = arith.addi %get3A_233, %while3A_250 : i32
                %while3A_252 = arith.constant 1 : i32
                scf.for %while3A_257 = %get3A_233 to %while3A_251 step %while3A_252  : i32 {
                  %eq3A_258 = vector.broadcast %while3A_257 : i32 to vector<16xi32>
                  %eq3A_259 = arith.cmpi eq, %get3A_218, %eq3A_258 : vector<16xi32>
                  %get3A_260 = arith.constant 0 : index
                  %get3A_261 = tpu.vector_load %arg12[%get3A_260] {strides = array<i32>} : memref<16xf32, #tpu.memory_space<vmem>>, vector<16xf32>,
                  %jit3A_262 = arith.constant 0.000000e+00 : f32
                  %broadcast_in_dim3A_263 = vector.broadcast %jit3A_262 : f32 to vector<16xf32>
                  %select_n3A_264 = arith.select %eq3A_259, %get3A_226, %broadcast_in_dim3A_263 : vector<16xi1>, vector<16xf32>
                  %add3A_265 = arith.addf %get3A_261, %select_n3A_264 : vector<16xf32>
                  %swap3A_266 = arith.constant 0 : index
                  %swap3A_267 = tpu.vector_load %arg12[%swap3A_266] {strides = array<i32>} : memref<16xf32, #tpu.memory_space<vmem>>, vector<16xf32>,
                  tpu.vector_store %arg12[%swap3A_266], %add3A_265 {strides = array<i32>} : memref<16xf32, #tpu.memory_space<vmem>>, vector<16xf32>,
                  %get3A_268 = arith.constant 0 : index
                  %get3A_269 = tpu.vector_load %arg13[%get3A_268] {strides = array<i32>} : memref<16xf32, #tpu.memory_space<vmem>>, vector<16xf32>,
                  %jit3A_270 = arith.constant 0.000000e+00 : f32
                  %broadcast_in_dim3A_271 = vector.broadcast %jit3A_270 : f32 to vector<16xf32>
                  %select_n3A_272 = arith.select %eq3A_259, %get3A_230, %broadcast_in_dim3A_271 : vector<16xi1>, vector<16xf32>
                  %add3A_273 = arith.addf %get3A_269, %select_n3A_272 : vector<16xf32>
                  %swap3A_274 = arith.constant 0 : index
                  %swap3A_275 = tpu.vector_load %arg13[%swap3A_274] {strides = array<i32>} : memref<16xf32, #tpu.memory_space<vmem>>, vector<16xf32>,
                  tpu.vector_store %arg13[%swap3A_274], %add3A_273 {strides = array<i32>} : memref<16xf32, #tpu.memory_space<vmem>>, vector<16xf32>,
                  %get3A_276 = arith.constant 0 : i32
                  %get3A_277 = arith.index_cast %get3A_276 : i32 to index
                  %get3A_278 = memref.load %arg15[%get3A_277] : memref<1xi32, #tpu.memory_space<smem>>
                  %all_reduce_population_count3A = tpu.all_reduce %eq3A_259 {dim = 0 : i64, kind = #tpu.reduction_kind<sum>} : vector<16xi1> -> vector<16xi32>
                  %slice3A_279 = vector.extract_strided_slice %all_reduce_population_count3A {offsets = [0], sizes = [1], strides = [1]} : vector<16xi32> to vector<1xi32>
                  %squeeze3A_280 = vector.extract %slice3A_279[0] : i32 from vector<1xi32>
                  %add3A_281 = arith.addi %get3A_278, %squeeze3A_280 : i32
                  %swap3A_282 = arith.constant 0 : i32
                  %swap3A_283 = arith.index_cast %swap3A_282 : i32 to index
                  %swap3A_284 = memref.load %arg15[%swap3A_283] : memref<1xi32, #tpu.memory_space<smem>>
                  memref.store %add3A_281, %arg15[%swap3A_283] : memref<1xi32, #tpu.memory_space<smem>>
                  %lt3A_285 = arith.cmpi slt, %while3A_257, %squeeze3A_222 : i32
                  %convert_element_type3A_286 = arith.extui %lt3A_285 : i1 to i32
                  %cond3A_287 = arith.constant 0 : i32
                  %cond3A_288 = arith.cmpi ne, %convert_element_type3A_286, %cond3A_287 : i32
                  scf.if %cond3A_288 {
                    %get3A_289 = arith.constant 0 : index
                    %get3A_290 = tpu.vector_load %arg12[%get3A_289] {strides = array<i32>} : memref<16xf32, #tpu.memory_space<vmem>>, vector<16xf32>,
                    %get3A_291 = arith.constant 0 : index
                    %get3A_292 = tpu.vector_load %arg13[%get3A_291] {strides = array<i32>} : memref<16xf32, #tpu.memory_space<vmem>>, vector<16xf32>,
                    %xor3A_293 = arith.constant 1 : i32
                    %xor3A_294 = vector.broadcast %xor3A_293 : i32 to vector<16xi32>
                    %xor3A_295 = arith.xori %iota3A, %xor3A_294 : vector<16xi32>
                    %broadcast_in_dim3A_296 = vector.shape_cast %xor3A_295 : vector<16xi32> to vector<16x1xi32>
                    %gather3A_297 = vector.shape_cast %broadcast_in_dim3A_296 : vector<16x1xi32> to vector<16xi32>
                    %gather3A_298 = tpu.dynamic_gather %get3A_290[%gather3A_297] in [0] : vector<16xf32>, vector<16xi32> -> vector<16xf32>
                    %add3A_299 = arith.addf %get3A_290, %gather3A_298 : vector<16xf32>
                    %xor3A_300 = arith.constant 1 : i32
                    %xor3A_301 = vector.broadcast %xor3A_300 : i32 to vector<16xi32>
                    %xor3A_302 = arith.xori %iota3A, %xor3A_301 : vector<16xi32>
                    %broadcast_in_dim3A_303 = vector.shape_cast %xor3A_302 : vector<16xi32> to vector<16x1xi32>
                    %gather3A_304 = vector.shape_cast %broadcast_in_dim3A_303 : vector<16x1xi32> to vector<16xi32>
                    %gather3A_305 = tpu.dynamic_gather %get3A_292[%gather3A_304] in [0] : vector<16xf32>, vector<16xi32> -> vector<16xf32>
                    %add3A_306 = arith.addf %get3A_292, %gather3A_305 : vector<16xf32>
                    %xor3A_307 = arith.constant 2 : i32
                    %xor3A_308 = vector.broadcast %xor3A_307 : i32 to vector<16xi32>
                    %xor3A_309 = arith.xori %iota3A, %xor3A_308 : vector<16xi32>
                    %broadcast_in_dim3A_310 = vector.shape_cast %xor3A_309 : vector<16xi32> to vector<16x1xi32>
                    %gather3A_311 = vector.shape_cast %broadcast_in_dim3A_310 : vector<16x1xi32> to vector<16xi32>
                    %gather3A_312 = tpu.dynamic_gather %add3A_299[%gather3A_311] in [0] : vector<16xf32>, vector<16xi32> -> vector<16xf32>
                    %add3A_313 = arith.addf %add3A_299, %gather3A_312 : vector<16xf32>
                    %xor3A_314 = arith.constant 2 : i32
                    %xor3A_315 = vector.broadcast %xor3A_314 : i32 to vector<16xi32>
                    %xor3A_316 = arith.xori %iota3A, %xor3A_315 : vector<16xi32>
                    %broadcast_in_dim3A_317 = vector.shape_cast %xor3A_316 : vector<16xi32> to vector<16x1xi32>
                    %gather3A_318 = vector.shape_cast %broadcast_in_dim3A_317 : vector<16x1xi32> to vector<16xi32>
                    %gather3A_319 = tpu.dynamic_gather %add3A_306[%gather3A_318] in [0] : vector<16xf32>, vector<16xi32> -> vector<16xf32>
                    %add3A_320 = arith.addf %add3A_306, %gather3A_319 : vector<16xf32>
                    %xor3A_321 = arith.constant 4 : i32
                    %xor3A_322 = vector.broadcast %xor3A_321 : i32 to vector<16xi32>
                    %xor3A_323 = arith.xori %iota3A, %xor3A_322 : vector<16xi32>
                    %broadcast_in_dim3A_324 = vector.shape_cast %xor3A_323 : vector<16xi32> to vector<16x1xi32>
                    %gather3A_325 = vector.shape_cast %broadcast_in_dim3A_324 : vector<16x1xi32> to vector<16xi32>
                    %gather3A_326 = tpu.dynamic_gather %add3A_313[%gather3A_325] in [0] : vector<16xf32>, vector<16xi32> -> vector<16xf32>
                    %add3A_327 = arith.addf %add3A_313, %gather3A_326 : vector<16xf32>
                    %xor3A_328 = arith.constant 4 : i32
                    %xor3A_329 = vector.broadcast %xor3A_328 : i32 to vector<16xi32>
                    %xor3A_330 = arith.xori %iota3A, %xor3A_329 : vector<16xi32>
                    %broadcast_in_dim3A_331 = vector.shape_cast %xor3A_330 : vector<16xi32> to vector<16x1xi32>
                    %gather3A_332 = vector.shape_cast %broadcast_in_dim3A_331 : vector<16x1xi32> to vector<16xi32>
                    %gather3A_333 = tpu.dynamic_gather %add3A_320[%gather3A_332] in [0] : vector<16xf32>, vector<16xi32> -> vector<16xf32>
                    %add3A_334 = arith.addf %add3A_320, %gather3A_333 : vector<16xf32>
                    %xor3A_335 = arith.constant 8 : i32
                    %xor3A_336 = vector.broadcast %xor3A_335 : i32 to vector<16xi32>
                    %xor3A_337 = arith.xori %iota3A, %xor3A_336 : vector<16xi32>
                    %broadcast_in_dim3A_338 = vector.shape_cast %xor3A_337 : vector<16xi32> to vector<16x1xi32>
                    %gather3A_339 = vector.shape_cast %broadcast_in_dim3A_338 : vector<16x1xi32> to vector<16xi32>
                    %gather3A_340 = tpu.dynamic_gather %add3A_327[%gather3A_339] in [0] : vector<16xf32>, vector<16xi32> -> vector<16xf32>
                    %add3A_341 = arith.addf %add3A_327, %gather3A_340 : vector<16xf32>
                    %xor3A_342 = arith.constant 8 : i32
                    %xor3A_343 = vector.broadcast %xor3A_342 : i32 to vector<16xi32>
                    %xor3A_344 = arith.xori %iota3A, %xor3A_343 : vector<16xi32>
                    %broadcast_in_dim3A_345 = vector.shape_cast %xor3A_344 : vector<16xi32> to vector<16x1xi32>
                    %gather3A_346 = vector.shape_cast %broadcast_in_dim3A_345 : vector<16x1xi32> to vector<16xi32>
                    %gather3A_347 = tpu.dynamic_gather %add3A_334[%gather3A_346] in [0] : vector<16xf32>, vector<16xi32> -> vector<16xf32>
                    %add3A_348 = arith.addf %add3A_334, %gather3A_347 : vector<16xf32>
                    %add3A_349 = arith.constant 1024 : i32
                    %add3A_350 = arith.addi %add3A_349, %while3A_257 : i32
                    %broadcast_in_dim3A_351 = vector.broadcast %while3A_257 : i32 to vector<16xi32>
                    %broadcast_in_dim3A_352 = vector.broadcast %add3A_350 : i32 to vector<16xi32>
                    %select_n3A_353 = arith.select %eq3A_15, %broadcast_in_dim3A_351, %broadcast_in_dim3A_352 : vector<16xi1>, vector<16xi32>
                    %select_n3A_354 = arith.select %eq3A_15, %add3A_341, %add3A_348 : vector<16xi1>, vector<16xf32>
                    tpu.vector_store_idx %arg10[%select_n3A_353], %select_n3A_354 masked %lt3A_18 : memref<2048xf32, #tpu.memory_space<vmem>>[vector<16xi32>], vector<16xf32>, vector<16xi1>
                    %get3A_355 = arith.constant 0 : i32
                    %get3A_356 = arith.index_cast %get3A_355 : i32 to index
                    %get3A_357 = memref.load %arg15[%get3A_356] : memref<1xi32, #tpu.memory_space<smem>>
                    %convert_element_type3A_358 = arith.sitofp %get3A_357 : i32 to f32
                    %broadcast_in_dim3A_359 = vector.broadcast %convert_element_type3A_358 : f32 to vector<16xf32>
                    %broadcast_in_dim3A_360 = vector.broadcast %while3A_257 : i32 to vector<16xi32>
                    tpu.vector_store_idx %arg11[%broadcast_in_dim3A_360], %broadcast_in_dim3A_359 masked %eq3A_15 : memref<1024xf32, #tpu.memory_space<vmem>>[vector<16xi32>], vector<16xf32>, vector<16xi1>
                    %swap3A_361 = arith.constant 0 : index
                    %swap3A_362 = tpu.vector_load %arg12[%swap3A_361] {strides = array<i32>} : memref<16xf32, #tpu.memory_space<vmem>>, vector<16xf32>,
                    tpu.vector_store %arg12[%swap3A_361], %broadcast_in_dim3A_13 {strides = array<i32>} : memref<16xf32, #tpu.memory_space<vmem>>, vector<16xf32>,
                    %swap3A_363 = arith.constant 0 : index
                    %swap3A_364 = tpu.vector_load %arg13[%swap3A_363] {strides = array<i32>} : memref<16xf32, #tpu.memory_space<vmem>>, vector<16xf32>,
                    tpu.vector_store %arg13[%swap3A_363], %broadcast_in_dim3A_13 {strides = array<i32>} : memref<16xf32, #tpu.memory_space<vmem>>, vector<16xf32>,
                    %swap3A_365 = arith.constant 0 : i32
                    %swap3A_366 = arith.constant 0 : i32
                    %swap3A_367 = arith.index_cast %swap3A_366 : i32 to index
                    %swap3A_368 = memref.load %arg15[%swap3A_367] : memref<1xi32, #tpu.memory_space<smem>>
                    memref.store %swap3A_365, %arg15[%swap3A_367] : memref<1xi32, #tpu.memory_space<smem>>
                  } else {
                  }
                }
                %while3A_253 = arith.constant 1 : i32
                scf.for %while3A_257 = %while3A_251 to %while3A_247 step %while3A_253  : i32 {
                  %eq3A_258 = vector.broadcast %while3A_257 : i32 to vector<16xi32>
                  %eq3A_259 = arith.cmpi eq, %get3A_218, %eq3A_258 : vector<16xi32>
                  %get3A_260 = arith.constant 0 : index
                  %get3A_261 = tpu.vector_load %arg12[%get3A_260] {strides = array<i32>} : memref<16xf32, #tpu.memory_space<vmem>>, vector<16xf32>,
                  %jit3A_262 = arith.constant 0.000000e+00 : f32
                  %broadcast_in_dim3A_263 = vector.broadcast %jit3A_262 : f32 to vector<16xf32>
                  %select_n3A_264 = arith.select %eq3A_259, %get3A_226, %broadcast_in_dim3A_263 : vector<16xi1>, vector<16xf32>
                  %add3A_265 = arith.addf %get3A_261, %select_n3A_264 : vector<16xf32>
                  %swap3A_266 = arith.constant 0 : index
                  %swap3A_267 = tpu.vector_load %arg12[%swap3A_266] {strides = array<i32>} : memref<16xf32, #tpu.memory_space<vmem>>, vector<16xf32>,
                  tpu.vector_store %arg12[%swap3A_266], %add3A_265 {strides = array<i32>} : memref<16xf32, #tpu.memory_space<vmem>>, vector<16xf32>,
                  %get3A_268 = arith.constant 0 : index
                  %get3A_269 = tpu.vector_load %arg13[%get3A_268] {strides = array<i32>} : memref<16xf32, #tpu.memory_space<vmem>>, vector<16xf32>,
                  %jit3A_270 = arith.constant 0.000000e+00 : f32
                  %broadcast_in_dim3A_271 = vector.broadcast %jit3A_270 : f32 to vector<16xf32>
                  %select_n3A_272 = arith.select %eq3A_259, %get3A_230, %broadcast_in_dim3A_271 : vector<16xi1>, vector<16xf32>
                  %add3A_273 = arith.addf %get3A_269, %select_n3A_272 : vector<16xf32>
                  %swap3A_274 = arith.constant 0 : index
                  %swap3A_275 = tpu.vector_load %arg13[%swap3A_274] {strides = array<i32>} : memref<16xf32, #tpu.memory_space<vmem>>, vector<16xf32>,
                  tpu.vector_store %arg13[%swap3A_274], %add3A_273 {strides = array<i32>} : memref<16xf32, #tpu.memory_space<vmem>>, vector<16xf32>,
                  %get3A_276 = arith.constant 0 : i32
                  %get3A_277 = arith.index_cast %get3A_276 : i32 to index
                  %get3A_278 = memref.load %arg15[%get3A_277] : memref<1xi32, #tpu.memory_space<smem>>
                  %all_reduce_population_count3A = tpu.all_reduce %eq3A_259 {dim = 0 : i64, kind = #tpu.reduction_kind<sum>} : vector<16xi1> -> vector<16xi32>
                  %slice3A_279 = vector.extract_strided_slice %all_reduce_population_count3A {offsets = [0], sizes = [1], strides = [1]} : vector<16xi32> to vector<1xi32>
                  %squeeze3A_280 = vector.extract %slice3A_279[0] : i32 from vector<1xi32>
                  %add3A_281 = arith.addi %get3A_278, %squeeze3A_280 : i32
                  %swap3A_282 = arith.constant 0 : i32
                  %swap3A_283 = arith.index_cast %swap3A_282 : i32 to index
                  %swap3A_284 = memref.load %arg15[%swap3A_283] : memref<1xi32, #tpu.memory_space<smem>>
                  memref.store %add3A_281, %arg15[%swap3A_283] : memref<1xi32, #tpu.memory_space<smem>>
                  %lt3A_285 = arith.cmpi slt, %while3A_257, %squeeze3A_222 : i32
                  %convert_element_type3A_286 = arith.extui %lt3A_285 : i1 to i32
                  %cond3A_287 = arith.constant 0 : i32
                  %cond3A_288 = arith.cmpi ne, %convert_element_type3A_286, %cond3A_287 : i32
                  scf.if %cond3A_288 {
                    %get3A_289 = arith.constant 0 : index
                    %get3A_290 = tpu.vector_load %arg12[%get3A_289] {strides = array<i32>} : memref<16xf32, #tpu.memory_space<vmem>>, vector<16xf32>,
                    %get3A_291 = arith.constant 0 : index
                    %get3A_292 = tpu.vector_load %arg13[%get3A_291] {strides = array<i32>} : memref<16xf32, #tpu.memory_space<vmem>>, vector<16xf32>,
                    %xor3A_293 = arith.constant 1 : i32
                    %xor3A_294 = vector.broadcast %xor3A_293 : i32 to vector<16xi32>
                    %xor3A_295 = arith.xori %iota3A, %xor3A_294 : vector<16xi32>
                    %broadcast_in_dim3A_296 = vector.shape_cast %xor3A_295 : vector<16xi32> to vector<16x1xi32>
                    %gather3A_297 = vector.shape_cast %broadcast_in_dim3A_296 : vector<16x1xi32> to vector<16xi32>
                    %gather3A_298 = tpu.dynamic_gather %get3A_290[%gather3A_297] in [0] : vector<16xf32>, vector<16xi32> -> vector<16xf32>
                    %add3A_299 = arith.addf %get3A_290, %gather3A_298 : vector<16xf32>
                    %xor3A_300 = arith.constant 1 : i32
                    %xor3A_301 = vector.broadcast %xor3A_300 : i32 to vector<16xi32>
                    %xor3A_302 = arith.xori %iota3A, %xor3A_301 : vector<16xi32>
                    %broadcast_in_dim3A_303 = vector.shape_cast %xor3A_302 : vector<16xi32> to vector<16x1xi32>
                    %gather3A_304 = vector.shape_cast %broadcast_in_dim3A_303 : vector<16x1xi32> to vector<16xi32>
                    %gather3A_305 = tpu.dynamic_gather %get3A_292[%gather3A_304] in [0] : vector<16xf32>, vector<16xi32> -> vector<16xf32>
                    %add3A_306 = arith.addf %get3A_292, %gather3A_305 : vector<16xf32>
                    %xor3A_307 = arith.constant 2 : i32
                    %xor3A_308 = vector.broadcast %xor3A_307 : i32 to vector<16xi32>
                    %xor3A_309 = arith.xori %iota3A, %xor3A_308 : vector<16xi32>
                    %broadcast_in_dim3A_310 = vector.shape_cast %xor3A_309 : vector<16xi32> to vector<16x1xi32>
                    %gather3A_311 = vector.shape_cast %broadcast_in_dim3A_310 : vector<16x1xi32> to vector<16xi32>
                    %gather3A_312 = tpu.dynamic_gather %add3A_299[%gather3A_311] in [0] : vector<16xf32>, vector<16xi32> -> vector<16xf32>
                    %add3A_313 = arith.addf %add3A_299, %gather3A_312 : vector<16xf32>
                    %xor3A_314 = arith.constant 2 : i32
                    %xor3A_315 = vector.broadcast %xor3A_314 : i32 to vector<16xi32>
                    %xor3A_316 = arith.xori %iota3A, %xor3A_315 : vector<16xi32>
                    %broadcast_in_dim3A_317 = vector.shape_cast %xor3A_316 : vector<16xi32> to vector<16x1xi32>
                    %gather3A_318 = vector.shape_cast %broadcast_in_dim3A_317 : vector<16x1xi32> to vector<16xi32>
                    %gather3A_319 = tpu.dynamic_gather %add3A_306[%gather3A_318] in [0] : vector<16xf32>, vector<16xi32> -> vector<16xf32>
                    %add3A_320 = arith.addf %add3A_306, %gather3A_319 : vector<16xf32>
                    %xor3A_321 = arith.constant 4 : i32
                    %xor3A_322 = vector.broadcast %xor3A_321 : i32 to vector<16xi32>
                    %xor3A_323 = arith.xori %iota3A, %xor3A_322 : vector<16xi32>
                    %broadcast_in_dim3A_324 = vector.shape_cast %xor3A_323 : vector<16xi32> to vector<16x1xi32>
                    %gather3A_325 = vector.shape_cast %broadcast_in_dim3A_324 : vector<16x1xi32> to vector<16xi32>
                    %gather3A_326 = tpu.dynamic_gather %add3A_313[%gather3A_325] in [0] : vector<16xf32>, vector<16xi32> -> vector<16xf32>
                    %add3A_327 = arith.addf %add3A_313, %gather3A_326 : vector<16xf32>
                    %xor3A_328 = arith.constant 4 : i32
                    %xor3A_329 = vector.broadcast %xor3A_328 : i32 to vector<16xi32>
                    %xor3A_330 = arith.xori %iota3A, %xor3A_329 : vector<16xi32>
                    %broadcast_in_dim3A_331 = vector.shape_cast %xor3A_330 : vector<16xi32> to vector<16x1xi32>
                    %gather3A_332 = vector.shape_cast %broadcast_in_dim3A_331 : vector<16x1xi32> to vector<16xi32>
                    %gather3A_333 = tpu.dynamic_gather %add3A_320[%gather3A_332] in [0] : vector<16xf32>, vector<16xi32> -> vector<16xf32>
                    %add3A_334 = arith.addf %add3A_320, %gather3A_333 : vector<16xf32>
                    %xor3A_335 = arith.constant 8 : i32
                    %xor3A_336 = vector.broadcast %xor3A_335 : i32 to vector<16xi32>
                    %xor3A_337 = arith.xori %iota3A, %xor3A_336 : vector<16xi32>
                    %broadcast_in_dim3A_338 = vector.shape_cast %xor3A_337 : vector<16xi32> to vector<16x1xi32>
                    %gather3A_339 = vector.shape_cast %broadcast_in_dim3A_338 : vector<16x1xi32> to vector<16xi32>
                    %gather3A_340 = tpu.dynamic_gather %add3A_327[%gather3A_339] in [0] : vector<16xf32>, vector<16xi32> -> vector<16xf32>
                    %add3A_341 = arith.addf %add3A_327, %gather3A_340 : vector<16xf32>
                    %xor3A_342 = arith.constant 8 : i32
                    %xor3A_343 = vector.broadcast %xor3A_342 : i32 to vector<16xi32>
                    %xor3A_344 = arith.xori %iota3A, %xor3A_343 : vector<16xi32>
                    %broadcast_in_dim3A_345 = vector.shape_cast %xor3A_344 : vector<16xi32> to vector<16x1xi32>
                    %gather3A_346 = vector.shape_cast %broadcast_in_dim3A_345 : vector<16x1xi32> to vector<16xi32>
                    %gather3A_347 = tpu.dynamic_gather %add3A_334[%gather3A_346] in [0] : vector<16xf32>, vector<16xi32> -> vector<16xf32>
                    %add3A_348 = arith.addf %add3A_334, %gather3A_347 : vector<16xf32>
                    %add3A_349 = arith.constant 1024 : i32
                    %add3A_350 = arith.addi %add3A_349, %while3A_257 : i32
                    %broadcast_in_dim3A_351 = vector.broadcast %while3A_257 : i32 to vector<16xi32>
                    %broadcast_in_dim3A_352 = vector.broadcast %add3A_350 : i32 to vector<16xi32>
                    %select_n3A_353 = arith.select %eq3A_15, %broadcast_in_dim3A_351, %broadcast_in_dim3A_352 : vector<16xi1>, vector<16xi32>
                    %select_n3A_354 = arith.select %eq3A_15, %add3A_341, %add3A_348 : vector<16xi1>, vector<16xf32>
                    tpu.vector_store_idx %arg10[%select_n3A_353], %select_n3A_354 masked %lt3A_18 : memref<2048xf32, #tpu.memory_space<vmem>>[vector<16xi32>], vector<16xf32>, vector<16xi1>
                    %get3A_355 = arith.constant 0 : i32
                    %get3A_356 = arith.index_cast %get3A_355 : i32 to index
                    %get3A_357 = memref.load %arg15[%get3A_356] : memref<1xi32, #tpu.memory_space<smem>>
                    %convert_element_type3A_358 = arith.sitofp %get3A_357 : i32 to f32
                    %broadcast_in_dim3A_359 = vector.broadcast %convert_element_type3A_358 : f32 to vector<16xf32>
                    %broadcast_in_dim3A_360 = vector.broadcast %while3A_257 : i32 to vector<16xi32>
                    tpu.vector_store_idx %arg11[%broadcast_in_dim3A_360], %broadcast_in_dim3A_359 masked %eq3A_15 : memref<1024xf32, #tpu.memory_space<vmem>>[vector<16xi32>], vector<16xf32>, vector<16xi1>
                    %swap3A_361 = arith.constant 0 : index
                    %swap3A_362 = tpu.vector_load %arg12[%swap3A_361] {strides = array<i32>} : memref<16xf32, #tpu.memory_space<vmem>>, vector<16xf32>,
                    tpu.vector_store %arg12[%swap3A_361], %broadcast_in_dim3A_13 {strides = array<i32>} : memref<16xf32, #tpu.memory_space<vmem>>, vector<16xf32>,
                    %swap3A_363 = arith.constant 0 : index
                    %swap3A_364 = tpu.vector_load %arg13[%swap3A_363] {strides = array<i32>} : memref<16xf32, #tpu.memory_space<vmem>>, vector<16xf32>,
                    tpu.vector_store %arg13[%swap3A_363], %broadcast_in_dim3A_13 {strides = array<i32>} : memref<16xf32, #tpu.memory_space<vmem>>, vector<16xf32>,
                    %swap3A_365 = arith.constant 0 : i32
                    %swap3A_366 = arith.constant 0 : i32
                    %swap3A_367 = arith.index_cast %swap3A_366 : i32 to index
                    %swap3A_368 = memref.load %arg15[%swap3A_367] : memref<1xi32, #tpu.memory_space<smem>>
                    memref.store %swap3A_365, %arg15[%swap3A_367] : memref<1xi32, #tpu.memory_space<smem>>
                  } else {
                  }
                }
                %swap3A_254 = arith.constant 0 : i32
                %swap3A_255 = arith.index_cast %swap3A_254 : i32 to index
                %swap3A_256 = memref.load %arg14[%swap3A_255] : memref<1xi32, #tpu.memory_space<smem>>
                memref.store %squeeze3A_222, %arg14[%swap3A_255] : memref<1xi32, #tpu.memory_space<smem>>
              } else {
              }
            }
            %scan3A_212 = arith.constant 20 : i32
          } else {
          }
        }
        %scan3A_179 = arith.constant 16 : i32
        %add3A_180 = arith.constant 2 : i32
        %add3A_181 = arith.addi %add3A_156, %add3A_180 : i32
        %lt3A_182 = arith.cmpi slt, %add3A_181, %select_n3A : i32
        %convert_element_type3A_183 = arith.extui %lt3A_182 : i1 to i32
        %cond3A_184 = arith.constant 0 : i32
        %cond3A_185 = arith.cmpi ne, %convert_element_type3A_183, %cond3A_184 : i32
        scf.if %cond3A_185 {
          %add3A_186 = arith.addi %select_n3A_12, %add3A_156 : i32
          %add3A_187 = arith.constant 2 : i32
          %add3A_188 = arith.addi %add3A_186, %add3A_187 : i32
          %mul3A_189 = arith.constant 5120 : i32
          %mul3A_190 = arith.muli %add3A_188, %mul3A_189 : i32
          %dma_start3A_191 = arith.constant 0 : i32
          %dma_start3A_192 = tpu.memref_slice %arg2[%dma_start3A_191, %mul3A_190] : memref<2x6400000xf32, #tpu.memory_space<hbm>> -> memref<2x5120xf32, #tpu.memory_space<hbm>>
          %dma_start3A_193 = arith.constant 0 : i32
          %dma_start3A_194 = tpu.memref_slice %arg2[%dma_start3A_193, %mul3A_190] : memref<2x6400000xf32, #tpu.memory_space<hbm>> -> memref<2x5120xf32, #tpu.memory_space<hbm>>
          tpu.enqueue_dma source(%dma_start3A_194 : memref<2x5120xf32, #tpu.memory_space<hbm>>) target(%arg7 : memref<2x5120xf32, #tpu.memory_space<vmem>>) target_semaphore(%arg18 : memref<!tpu.dma_semaphore, #tpu.memory_space<semaphore_mem>>)
          %dma_start3A_195 = tpu.memref_slice %arg3[%mul3A_190] : memref<6400000xi32, #tpu.memory_space<hbm>> -> memref<5120xi32, #tpu.memory_space<hbm>>
          %dma_start3A_196 = tpu.memref_slice %arg3[%mul3A_190] : memref<6400000xi32, #tpu.memory_space<hbm>> -> memref<5120xi32, #tpu.memory_space<hbm>>
          tpu.enqueue_dma source(%dma_start3A_196 : memref<5120xi32, #tpu.memory_space<hbm>>) target(%arg9 : memref<5120xi32, #tpu.memory_space<vmem>>) target_semaphore(%arg19 : memref<!tpu.dma_semaphore, #tpu.memory_space<semaphore_mem>>)
        } else {
        }
      } else {
      }
    }
    %scan3A_65 = arith.constant 20 : i32
    %get3A = arith.constant 0 : i32
    %get3A_66 = arith.index_cast %get3A : i32 to index
    %get3A_67 = memref.load %arg14[%get3A_66] : memref<1xi32, #tpu.memory_space<smem>>
    %get3A_68 = arith.constant 0 : index
    %get3A_69 = tpu.vector_load %arg12[%get3A_68] {strides = array<i32>} : memref<16xf32, #tpu.memory_space<vmem>>, vector<16xf32>,
    %get3A_70 = arith.constant 0 : index
    %get3A_71 = tpu.vector_load %arg13[%get3A_70] {strides = array<i32>} : memref<16xf32, #tpu.memory_space<vmem>>, vector<16xf32>,
    %xor3A = arith.constant 1 : i32
    %xor3A_72 = vector.broadcast %xor3A : i32 to vector<16xi32>
    %xor3A_73 = arith.xori %iota3A, %xor3A_72 : vector<16xi32>
    %broadcast_in_dim3A_74 = vector.shape_cast %xor3A_73 : vector<16xi32> to vector<16x1xi32>
    %gather3A = vector.shape_cast %broadcast_in_dim3A_74 : vector<16x1xi32> to vector<16xi32>
    %gather3A_75 = tpu.dynamic_gather %get3A_69[%gather3A] in [0] : vector<16xf32>, vector<16xi32> -> vector<16xf32>
    %add3A_76 = arith.addf %get3A_69, %gather3A_75 : vector<16xf32>
    %xor3A_77 = arith.constant 1 : i32
    %xor3A_78 = vector.broadcast %xor3A_77 : i32 to vector<16xi32>
    %xor3A_79 = arith.xori %iota3A, %xor3A_78 : vector<16xi32>
    %broadcast_in_dim3A_80 = vector.shape_cast %xor3A_79 : vector<16xi32> to vector<16x1xi32>
    %gather3A_81 = vector.shape_cast %broadcast_in_dim3A_80 : vector<16x1xi32> to vector<16xi32>
    %gather3A_82 = tpu.dynamic_gather %get3A_71[%gather3A_81] in [0] : vector<16xf32>, vector<16xi32> -> vector<16xf32>
    %add3A_83 = arith.addf %get3A_71, %gather3A_82 : vector<16xf32>
    %xor3A_84 = arith.constant 2 : i32
    %xor3A_85 = vector.broadcast %xor3A_84 : i32 to vector<16xi32>
    %xor3A_86 = arith.xori %iota3A, %xor3A_85 : vector<16xi32>
    %broadcast_in_dim3A_87 = vector.shape_cast %xor3A_86 : vector<16xi32> to vector<16x1xi32>
    %gather3A_88 = vector.shape_cast %broadcast_in_dim3A_87 : vector<16x1xi32> to vector<16xi32>
    %gather3A_89 = tpu.dynamic_gather %add3A_76[%gather3A_88] in [0] : vector<16xf32>, vector<16xi32> -> vector<16xf32>
    %add3A_90 = arith.addf %add3A_76, %gather3A_89 : vector<16xf32>
    %xor3A_91 = arith.constant 2 : i32
    %xor3A_92 = vector.broadcast %xor3A_91 : i32 to vector<16xi32>
    %xor3A_93 = arith.xori %iota3A, %xor3A_92 : vector<16xi32>
    %broadcast_in_dim3A_94 = vector.shape_cast %xor3A_93 : vector<16xi32> to vector<16x1xi32>
    %gather3A_95 = vector.shape_cast %broadcast_in_dim3A_94 : vector<16x1xi32> to vector<16xi32>
    %gather3A_96 = tpu.dynamic_gather %add3A_83[%gather3A_95] in [0] : vector<16xf32>, vector<16xi32> -> vector<16xf32>
    %add3A_97 = arith.addf %add3A_83, %gather3A_96 : vector<16xf32>
    %xor3A_98 = arith.constant 4 : i32
    %xor3A_99 = vector.broadcast %xor3A_98 : i32 to vector<16xi32>
    %xor3A_100 = arith.xori %iota3A, %xor3A_99 : vector<16xi32>
    %broadcast_in_dim3A_101 = vector.shape_cast %xor3A_100 : vector<16xi32> to vector<16x1xi32>
    %gather3A_102 = vector.shape_cast %broadcast_in_dim3A_101 : vector<16x1xi32> to vector<16xi32>
    %gather3A_103 = tpu.dynamic_gather %add3A_90[%gather3A_102] in [0] : vector<16xf32>, vector<16xi32> -> vector<16xf32>
    %add3A_104 = arith.addf %add3A_90, %gather3A_103 : vector<16xf32>
    %xor3A_105 = arith.constant 4 : i32
    %xor3A_106 = vector.broadcast %xor3A_105 : i32 to vector<16xi32>
    %xor3A_107 = arith.xori %iota3A, %xor3A_106 : vector<16xi32>
    %broadcast_in_dim3A_108 = vector.shape_cast %xor3A_107 : vector<16xi32> to vector<16x1xi32>
    %gather3A_109 = vector.shape_cast %broadcast_in_dim3A_108 : vector<16x1xi32> to vector<16xi32>
    %gather3A_110 = tpu.dynamic_gather %add3A_97[%gather3A_109] in [0] : vector<16xf32>, vector<16xi32> -> vector<16xf32>
    %add3A_111 = arith.addf %add3A_97, %gather3A_110 : vector<16xf32>
    %xor3A_112 = arith.constant 8 : i32
    %xor3A_113 = vector.broadcast %xor3A_112 : i32 to vector<16xi32>
    %xor3A_114 = arith.xori %iota3A, %xor3A_113 : vector<16xi32>
    %broadcast_in_dim3A_115 = vector.shape_cast %xor3A_114 : vector<16xi32> to vector<16x1xi32>
    %gather3A_116 = vector.shape_cast %broadcast_in_dim3A_115 : vector<16x1xi32> to vector<16xi32>
    %gather3A_117 = tpu.dynamic_gather %add3A_104[%gather3A_116] in [0] : vector<16xf32>, vector<16xi32> -> vector<16xf32>
    %add3A_118 = arith.addf %add3A_104, %gather3A_117 : vector<16xf32>
    %xor3A_119 = arith.constant 8 : i32
    %xor3A_120 = vector.broadcast %xor3A_119 : i32 to vector<16xi32>
    %xor3A_121 = arith.xori %iota3A, %xor3A_120 : vector<16xi32>
    %broadcast_in_dim3A_122 = vector.shape_cast %xor3A_121 : vector<16xi32> to vector<16x1xi32>
    %gather3A_123 = vector.shape_cast %broadcast_in_dim3A_122 : vector<16x1xi32> to vector<16xi32>
    %gather3A_124 = tpu.dynamic_gather %add3A_111[%gather3A_123] in [0] : vector<16xf32>, vector<16xi32> -> vector<16xf32>
    %add3A_125 = arith.addf %add3A_111, %gather3A_124 : vector<16xf32>
    %add3A_126 = arith.constant 1024 : i32
    %add3A_127 = arith.addi %add3A_126, %get3A_67 : i32
    %broadcast_in_dim3A_128 = vector.broadcast %get3A_67 : i32 to vector<16xi32>
    %broadcast_in_dim3A_129 = vector.broadcast %add3A_127 : i32 to vector<16xi32>
    %select_n3A_130 = arith.select %eq3A_15, %broadcast_in_dim3A_128, %broadcast_in_dim3A_129 : vector<16xi1>, vector<16xi32>
    %select_n3A_131 = arith.select %eq3A_15, %add3A_118, %add3A_125 : vector<16xi1>, vector<16xf32>
    tpu.vector_store_idx %arg10[%select_n3A_130], %select_n3A_131 masked %lt3A_18 : memref<2048xf32, #tpu.memory_space<vmem>>[vector<16xi32>], vector<16xf32>, vector<16xi1>
    %get3A_132 = arith.constant 0 : i32
    %get3A_133 = arith.index_cast %get3A_132 : i32 to index
    %get3A_134 = memref.load %arg15[%get3A_133] : memref<1xi32, #tpu.memory_space<smem>>
    %convert_element_type3A = arith.sitofp %get3A_134 : i32 to f32
    %broadcast_in_dim3A_135 = vector.broadcast %convert_element_type3A : f32 to vector<16xf32>
    %broadcast_in_dim3A_136 = vector.broadcast %get3A_67 : i32 to vector<16xi32>
    tpu.vector_store_idx %arg11[%broadcast_in_dim3A_136], %broadcast_in_dim3A_135 masked %eq3A_15 : memref<1024xf32, #tpu.memory_space<vmem>>[vector<16xi32>], vector<16xf32>, vector<16xi1>
    %swap3A_137 = arith.constant 0 : index
    %swap3A_138 = tpu.vector_load %arg12[%swap3A_137] {strides = array<i32>} : memref<16xf32, #tpu.memory_space<vmem>>, vector<16xf32>,
    tpu.vector_store %arg12[%swap3A_137], %broadcast_in_dim3A_13 {strides = array<i32>} : memref<16xf32, #tpu.memory_space<vmem>>, vector<16xf32>,
    %swap3A_139 = arith.constant 0 : index
    %swap3A_140 = tpu.vector_load %arg13[%swap3A_139] {strides = array<i32>} : memref<16xf32, #tpu.memory_space<vmem>>, vector<16xf32>,
    tpu.vector_store %arg13[%swap3A_139], %broadcast_in_dim3A_13 {strides = array<i32>} : memref<16xf32, #tpu.memory_space<vmem>>, vector<16xf32>,
    %swap3A_141 = arith.constant 0 : i32
    %swap3A_142 = arith.constant 0 : i32
    %swap3A_143 = arith.index_cast %swap3A_142 : i32 to index
    %swap3A_144 = memref.load %arg15[%swap3A_143] : memref<1xi32, #tpu.memory_space<smem>>
    memref.store %swap3A_141, %arg15[%swap3A_143] : memref<1xi32, #tpu.memory_space<smem>>
    "tpu.region"() ({
      %run_scoped3A = tpu.sem_alloc : memref<!tpu.dma_semaphore, #tpu.memory_space<semaphore_mem>>
      %dma_start3A_145 = arith.constant 0 : i32
      %dma_start3A_146 = tpu.memref_slice %arg4[%add3A, %dma_start3A_145] : memref<32x2048xf32, #tpu.memory_space<hbm>> -> memref<1x2048xf32, #tpu.memory_space<hbm>>
      %dma_start3A_147 = tpu.memref_squeeze %dma_start3A_146 : memref<1x2048xf32, #tpu.memory_space<hbm>> -> memref<2048xf32, #tpu.memory_space<hbm>>
      %dma_start3A_148 = arith.constant 0 : i32
      %dma_start3A_149 = tpu.memref_slice %arg4[%add3A, %dma_start3A_148] : memref<32x2048xf32, #tpu.memory_space<hbm>> -> memref<1x2048xf32, #tpu.memory_space<hbm>>
      %dma_start3A_150 = tpu.memref_squeeze %dma_start3A_149 : memref<1x2048xf32, #tpu.memory_space<hbm>> -> memref<2048xf32, #tpu.memory_space<hbm>>
      tpu.enqueue_dma source(%arg10 : memref<2048xf32, #tpu.memory_space<vmem>>) target(%dma_start3A_150 : memref<2048xf32, #tpu.memory_space<hbm>>) target_semaphore(%run_scoped3A : memref<!tpu.dma_semaphore, #tpu.memory_space<semaphore_mem>>)
      %dma_wait3A = arith.constant 0 : i32
      %dma_wait3A_151 = tpu.memref_slice %arg4[%add3A, %dma_wait3A] : memref<32x2048xf32, #tpu.memory_space<hbm>> -> memref<1x2048xf32, #tpu.memory_space<hbm>>
      %dma_wait3A_152 = tpu.memref_squeeze %dma_wait3A_151 : memref<1x2048xf32, #tpu.memory_space<hbm>> -> memref<2048xf32, #tpu.memory_space<hbm>>
      %dma_wait3A_153 = arith.constant 0 : i32
      %dma_wait3A_154 = tpu.memref_slice %arg4[%add3A, %dma_wait3A_153] : memref<32x2048xf32, #tpu.memory_space<hbm>> -> memref<1x2048xf32, #tpu.memory_space<hbm>>
      %dma_wait3A_155 = tpu.memref_squeeze %dma_wait3A_154 : memref<1x2048xf32, #tpu.memory_space<hbm>> -> memref<2048xf32, #tpu.memory_space<hbm>>
      tpu.wait_dma2 semaphore(%run_scoped3A : memref<!tpu.dma_semaphore, #tpu.memory_space<semaphore_mem>>) src(%arg10 : memref<2048xf32, #tpu.memory_space<vmem>>) dst(%dma_wait3A_155 : memref<2048xf32, #tpu.memory_space<hbm>>)
      tpu.yield
    }) : () -> ()
    "tpu.region"() ({
      %run_scoped3A = tpu.sem_alloc : memref<!tpu.dma_semaphore, #tpu.memory_space<semaphore_mem>>
      %dma_start3A_145 = arith.constant 0 : i32
      %dma_start3A_146 = tpu.memref_slice %arg5[%add3A, %dma_start3A_145] : memref<32x1024xf32, #tpu.memory_space<hbm>> -> memref<1x1024xf32, #tpu.memory_space<hbm>>
      %dma_start3A_147 = tpu.memref_squeeze %dma_start3A_146 : memref<1x1024xf32, #tpu.memory_space<hbm>> -> memref<1024xf32, #tpu.memory_space<hbm>>
      %dma_start3A_148 = arith.constant 0 : i32
      %dma_start3A_149 = tpu.memref_slice %arg5[%add3A, %dma_start3A_148] : memref<32x1024xf32, #tpu.memory_space<hbm>> -> memref<1x1024xf32, #tpu.memory_space<hbm>>
      %dma_start3A_150 = tpu.memref_squeeze %dma_start3A_149 : memref<1x1024xf32, #tpu.memory_space<hbm>> -> memref<1024xf32, #tpu.memory_space<hbm>>
      tpu.enqueue_dma source(%arg11 : memref<1024xf32, #tpu.memory_space<vmem>>) target(%dma_start3A_150 : memref<1024xf32, #tpu.memory_space<hbm>>) target_semaphore(%run_scoped3A : memref<!tpu.dma_semaphore, #tpu.memory_space<semaphore_mem>>)
      %dma_wait3A = arith.constant 0 : i32
      %dma_wait3A_151 = tpu.memref_slice %arg5[%add3A, %dma_wait3A] : memref<32x1024xf32, #tpu.memory_space<hbm>> -> memref<1x1024xf32, #tpu.memory_space<hbm>>
      %dma_wait3A_152 = tpu.memref_squeeze %dma_wait3A_151 : memref<1x1024xf32, #tpu.memory_space<hbm>> -> memref<1024xf32, #tpu.memory_space<hbm>>
      %dma_wait3A_153 = arith.constant 0 : i32
      %dma_wait3A_154 = tpu.memref_slice %arg5[%add3A, %dma_wait3A_153] : memref<32x1024xf32, #tpu.memory_space<hbm>> -> memref<1x1024xf32, #tpu.memory_space<hbm>>
      %dma_wait3A_155 = tpu.memref_squeeze %dma_wait3A_154 : memref<1x1024xf32, #tpu.memory_space<hbm>> -> memref<1024xf32, #tpu.memory_space<hbm>>
      tpu.wait_dma2 semaphore(%run_scoped3A : memref<!tpu.dma_semaphore, #tpu.memory_space<semaphore_mem>>) src(%arg11 : memref<1024xf32, #tpu.memory_space<vmem>>) dst(%dma_wait3A_155 : memref<1024xf32, #tpu.memory_space<hbm>>)
      tpu.yield
    }) : () -> ()
    return
  }
}

module attributes {stable_mosaic.version = 14 : i64} {
  func.func @_combine_body(%arg0: memref<32x2048xf32, #tpu.memory_space<vmem>>, %arg1: memref<32x1024xf32, #tpu.memory_space<vmem>>, %arg2: memref<2x1024xf32, #tpu.memory_space<vmem>>) attributes {dimension_semantics = [], scalar_prefetch = 0 : i64, scratch_operands = 0 : i64, tpu.core_type = #tpu.core_type<tc>} {
    %get3A = arith.constant 0 : index
    %get3A_0 = arith.constant 0 : index
    %get3A_1 = vector.load %arg0[%get3A, %get3A_0] : memref<32x2048xf32, #tpu.memory_space<vmem>>, vector<32x2048xf32>
    %slice3A = vector.extract_strided_slice %get3A_1 {offsets = [0, 0], sizes = [32, 1024], strides = [1, 1]} : vector<32x2048xf32> to vector<32x1024xf32>
    %reduce_sum3A = arith.constant dense<0.000000e+00> : vector<1024xf32>
    %reduce_sum3A_2 = vector.multi_reduction <add>, %slice3A, %reduce_sum3A [0] : vector<32x1024xf32> to vector<1024xf32>
    %slice3A_3 = vector.extract_strided_slice %get3A_1 {offsets = [0, 1024], sizes = [32, 1024], strides = [1, 1]} : vector<32x2048xf32> to vector<32x1024xf32>
    %reduce_sum3A_4 = arith.constant dense<0.000000e+00> : vector<1024xf32>
    %reduce_sum3A_5 = vector.multi_reduction <add>, %slice3A_3, %reduce_sum3A_4 [0] : vector<32x1024xf32> to vector<1024xf32>
    %get3A_6 = arith.constant 0 : index
    %get3A_7 = arith.constant 0 : index
    %get3A_8 = vector.load %arg1[%get3A_6, %get3A_7] : memref<32x1024xf32, #tpu.memory_space<vmem>>, vector<32x1024xf32>
    %reduce_sum3A_9 = arith.constant dense<0.000000e+00> : vector<1024xf32>
    %reduce_sum3A_10 = vector.multi_reduction <add>, %get3A_8, %reduce_sum3A_9 [0] : vector<32x1024xf32> to vector<1024xf32>
    %max3A = arith.constant 1.000000e+00 : f32
    %max3A_11 = vector.broadcast %max3A : f32 to vector<1024xf32>
    %max3A_12 = arith.maximumf %reduce_sum3A_10, %max3A_11 : vector<1024xf32>
    %gt3A = arith.constant 0.000000e+00 : f32
    %gt3A_13 = vector.broadcast %gt3A : f32 to vector<1024xf32>
    %gt3A_14 = arith.cmpf ogt, %reduce_sum3A_10, %gt3A_13 : vector<1024xf32>
    %div3A = arith.divf %reduce_sum3A_2, %max3A_12 : vector<1024xf32>
    %jit3A = arith.constant 0.000000e+00 : f32
    %broadcast_in_dim3A = vector.broadcast %jit3A : f32 to vector<1024xf32>
    %select_n3A = arith.select %gt3A_14, %div3A, %broadcast_in_dim3A : vector<1024xi1>, vector<1024xf32>
    %div3A_15 = arith.divf %reduce_sum3A_5, %max3A_12 : vector<1024xf32>
    %jit3A_16 = arith.constant 0.000000e+00 : f32
    %broadcast_in_dim3A_17 = vector.broadcast %jit3A_16 : f32 to vector<1024xf32>
    %select_n3A_18 = arith.select %gt3A_14, %div3A_15, %broadcast_in_dim3A_17 : vector<1024xi1>, vector<1024xf32>
    %stack3A = vector.shape_cast %select_n3A : vector<1024xf32> to vector<1x1024xf32>
    %stack3A_19 = vector.shape_cast %select_n3A_18 : vector<1024xf32> to vector<1x1024xf32>
    %stack3A_20 = tpu.concatenate %stack3A, %stack3A_19 in 0 : vector<1x1024xf32>, vector<1x1024xf32> -> vector<2x1024xf32>
    %swap3A = arith.constant 0 : index
    %swap3A_21 = arith.constant 0 : index
    %swap3A_22 = vector.load %arg2[%swap3A, %swap3A_21] : memref<2x1024xf32, #tpu.memory_space<vmem>>, vector<2x1024xf32>
    tpu.vector_store %arg2[%swap3A, %swap3A_21], %stack3A_20 {strides = array<i32>} : memref<2x1024xf32, #tpu.memory_space<vmem>>, vector<2x1024xf32>,
    return
  }
}

</mosaic_0001>

<sc_bundles>
// kernel: kernel.4.cloned.1.call-start
scs
__scs_entry_jumppad:
0x0: {  	(pc) =	sbr.rel $0x88, $3  }
0x1: {  	(tag) =	ssettag $0x0;
	lr =	simm.s32 $0x1  }
0x2: {  	[smem:$0x3F9F] =	sst lr;
	_ =	strace $0xD0000000  }
0x3: {  	_ = 	snop  }
0x4: {  	_ = 	snop  }
0x5: {  	_ = 	snop  }
0x6: {  	_ = 	snop  }
0x7: {  	_ = 	snop  }
__scs_overlays_trampoline_lowered:
0x8: {  	[smem:$0x3FAE] =	sst s0  }
0x9: {  	[smem:$0x3FAF] =	sst s1  }
0xa: {  	[smem:$0x3FB0] =	sst s2  }
0xb: {  	[smem:$0x3FB1] =	sst s3  }
0xc: {  	[smem:$0x3FB2] =	sst s4  }
0xd: {  	[smem:$0x3FB3] =	sst s5  }
0xe: {  	[smem:$0x3FB4] =	sst s6  }
0xf: {  	[smem:$0x3FB5] =	sst s7  }
0x10: {  	[smem:$0x3FB6] =	sst s8  }
0x11: {  	[smem:$0x3FB7] =	sst s9;
	s0 =	simm.s32 @!p0 $0x0  }
0x12: {  	s1 =	sld [smem:$0x3F9D];
	s0 =	simm.s32 @p0 $0x1  }
0x13: {  	[smem:$0x3FB8] =	sst s0;
	s0 =	simm.s32 @!p1 $0x0  }
0x14: {  	s2 =	sld [smem:$0x3F9C];
	s0 =	simm.s32 @p1 $0x1  }
0x15: {  	[smem:$0x3FB9] =	sst s0;
	s0 =	simm.s32 @!p2 $0x0  }
0x16: {  	s3 =	sld [smem:$0x3FDB];
	s0 =	simm.s32 @p2 $0x1  }
0x17: {  	s4 =	simm.s32 $0x1BF5;
	[smem:$0x3FBB] =	sst s0  }
0x18: {  	s0 =	sld [smem:$0x3F9E];
	_ =	swait.ge [sflag:s4], $0x0  }
0x19: {  	s7 =	sld [smem:$0x3F9F]  }
0x1a: {  	s8 =	sadd.s32 $0xFFFFE003, lr  }
0x1b: {  	s9 =	sadd.s32 $0xFFFFFEF7, lr;
	s5 =	simm.s32 $0xFFFFFFFF;
	p2 =	slt.u32 s8, $0xFFFFF086  }
0x1c: {  	p1 =	slt.u32 s9, $0xF7A;
	s5 =	simm.s32 @!p2 $0x0  }
0x1d: {  	s5 =	simm.s32 @p1 $0x1;
	p0 =	seq.s32 s7, s2  }
0x1e: {  	s7 =	smul.u32 @!p0 $0xF7A, s2;
	p2 =	seq.s32 @!p0 s5, $0x0  }
0x1f: {  	s9 =	smul.u32 $0xF7A, s1;
	s8 =	simm.s32 @!p0 $0x1BF5;
	p2 =	por !p2, p0  }
0x20: {  	[sflag:s8] =	ssyncset.s32 @!p0 $0xFFFFF086;
	s6 =	sadd.s32 @!p0 s3, s7;
	s7 =	simm.s32 @!p0 $0x108  }
0x21: {  	s3 =	sadd.s32 s3, s9;
	s6 =	sadd.s32 @!p0 $0x88, s6;
	s7 =	simm.s32 @p2 $0x1082  }
0x22: {  	[simem:s7], [sflag:s8] =	dma.local @!p0 [hbm:s6], $0xF7A  }
0x23: {  	s9 =	sor.u32 $0xD0000000, s2;
	s6 =	simm.s32 $0x108;
	_ =	swait.ge @!p0 [sflag:s8], $0x0  }
0x24: {  	s3 =	sadd.s32 $0x88, s3;
	s6 =	simm.s32 @!p1 $0x1082;
	[sflag:s4] =	ssyncset.s32 $0xFFFFF086  }
0x25: {  	[simem:s6], [sflag:s4] =	dma.local [hbm:s3], $0xF7A  }
0x26: {  	[smem:$0x3F9F] =	sst s1;
	(tag) =	ssettag s2;
	_ =	strace s9  }
0x27: {  	s1 =	sld [smem:$0x3FAF]  }
0x28: {  	s2 =	sld [smem:$0x3FB0]  }
0x29: {  	s4 =	sld [smem:$0x3FB2]  }
0x2a: {  	p0 =	seq.s32 s5, $0x0;
	s5 =	sld [smem:$0x3FB3]  }
0x2b: {  	s6 =	sld [smem:$0x3FB4]  }
0x2c: {  	s7 =	sld [smem:$0x3FB5]  }
0x2d: {  	s3 =	simm.s32 $0x108;
	s8 =	sld [smem:$0x3FB6]  }
0x2e: {  	s3 =	simm.s32 @!p0 $0x1082;
	s9 =	sld [smem:$0x3FB7]  }
0x2f: {  	lr =	sadd.s32 s0, s3;
	s0 =	sld [smem:$0x3FAE]  }
0x30: {  	s3 =	sld [smem:$0x3FB1]  }
0x31: {  	[smem:$0x3FBA] =	sst s10  }
0x32: {  	s10 =	sld [smem:$0x3FB8];
	_ =	sdelay $0x3  }
0x33: {  	p0 =	seq.s32 s10, $0x1;
	s10 =	sld [smem:$0x3FBA];
	_ =	sdelay $0x3  }
0x34: {  	[smem:$0x3FBA] =	sst s10  }
0x35: {  	s10 =	sld [smem:$0x3FB9];
	_ =	sdelay $0x3  }
0x36: {  	p1 =	seq.s32 s10, $0x1;
	s10 =	sld [smem:$0x3FBA];
	_ =	sdelay $0x3  }
0x37: {  	[smem:$0x3FBA] =	sst s10  }
0x38: {  	s10 =	sld [smem:$0x3FBB]  }
0x39: {  	_ = 	snop;
	(pc) =	sbr.ind lr, $3  }
0x3a: {  	_ = 	snop  }
0x3b: {  	_ = 	snop  }
0x3c: {  	p2 =	seq.s32 s10, $0x1;
	s10 =	sld [smem:$0x3FBA]  }
0x3d: {  	_ =	shalt  }
0x3e: {  	_ =	shalt  }
0x3f: {  	_ =	shalt  }
0x40: {  	_ =	shalt  }
0x41: {  	_ =	shalt  }
0x42: {  	_ =	shalt  }
0x43: {  	_ =	shalt  }
0x44: {  	_ =	shalt  }
0x45: {  	_ =	shalt  }
0x46: {  	_ =	shalt  }
0x47: {  	_ =	shalt  }
0x48: {  	_ =	shalt  }
0x49: {  	_ =	shalt  }
0x4a: {  	_ =	shalt  }
0x4b: {  	_ =	shalt  }
0x4c: {  	_ =	shalt  }
0x4d: {  	_ =	shalt  }
0x4e: {  	_ =	shalt  }
0x4f: {  	_ =	shalt  }
0x50: {  	_ =	shalt  }
0x51: {  	_ =	shalt  }
0x52: {  	_ =	shalt  }
0x53: {  	_ =	shalt  }
0x54: {  	_ =	shalt  }
0x55: {  	_ =	shalt  }
0x56: {  	_ =	shalt  }
0x57: {  	_ =	shalt  }
0x58: {  	_ =	shalt  }
0x59: {  	_ =	shalt  }
0x5a: {  	_ =	shalt  }
0x5b: {  	_ =	shalt  }
0x5c: {  	_ =	shalt  }
0x5d: {  	_ =	shalt  }
0x5e: {  	_ =	shalt  }
0x5f: {  	_ =	shalt  }
0x60: {  	_ =	shalt  }
0x61: {  	_ =	shalt  }
0x62: {  	_ =	shalt  }
0x63: {  	_ =	shalt  }
0x64: {  	_ =	shalt  }
0x65: {  	_ =	shalt  }
0x66: {  	_ =	shalt  }
0x67: {  	_ =	shalt  }
0x68: {  	_ =	shalt  }
0x69: {  	_ =	shalt  }
0x6a: {  	_ =	shalt  }
0x6b: {  	_ =	shalt  }
0x6c: {  	_ =	shalt  }
0x6d: {  	_ =	shalt  }
0x6e: {  	_ =	shalt  }
0x6f: {  	_ =	shalt  }
0x70: {  	_ =	shalt  }
0x71: {  	_ =	shalt  }
0x72: {  	_ =	shalt  }
0x73: {  	_ =	shalt  }
0x74: {  	_ =	shalt  }
0x75: {  	_ =	shalt  }
0x76: {  	_ =	shalt  }
0x77: {  	_ =	shalt  }
0x78: {  	_ =	shalt  }
0x79: {  	_ =	shalt  }
0x7a: {  	_ =	shalt  }
0x7b: {  	_ =	shalt  }
0x7c: {  	_ =	shalt  }
0x7d: {  	_ =	shalt  }
0x7e: {  	_ =	shalt  }
0x7f: {  	_ =	shalt  }
0x80: {  	_ =	shalt  }
0x81: {  	_ =	shalt  }
0x82: {  	_ =	shalt  }
0x83: {  	_ =	shalt  }
0x84: {  	_ =	shalt  }
0x85: {  	_ =	shalt  }
0x86: {  	_ =	shalt  }
0x87: {  	_ =	shalt  }
.Lfunc_end0:
.L_simem_size_0:
called_computation_lowered:
.L_overlay_start_0:
0x88: {  	s2 =	sld [smem:$0x3FD9]  }
0x89: {  	s3 =	sld [smem:$0x3FFE];
	_ =	sdelay $0x1  }
0x8a: {  	s1 =	srdreg.scid  }
0x8b: {  	s0 =	sand.u32 $0x1, s1  }
0x8c: {  	s17 =	sshll.u32 s0, $0xA;
	s2 =	sadd.s32 s3, s2  }
0x8d: {  	s2 =	sadd.s32 s2, s17  }
0x8e: {  	[smem:$0x3FC6] =	sst s2  }
0x8f: {  	_ = 	snop  }
0x90: {  	s2 =	sld [smem:$0x3FC9]  }
0x91: {  	s18 =	sld [smem:$0x3FC8];
	(tm) =	ssettm $0x1  }
0x92: {  	s4 =	sld [smem:$0x3FFB];
	_ =	sdelay $0x3  }
0x93: {  	_ =	strace s4  }
0x94: {  	s4 =	sld [smem:$0x3FFC];
	_ =	sdelay $0x3  }
0x95: {  	_ =	strace s4  }
0x96: {  	s4 =	sld [smem:$0x3FFD];
	_ =	sdelay $0x3  }
0x97: {  	_ =	strace s4  }
0x98: {  	_ =	strace $0x8FFFFFFF  }
0x99: {  	s19 =	sld [smem:$0x3FDB];
	_ =	sdelay $0x1  }
0x9a: {  	s5 =	simm.s32 $_scs_section_size  }
0x9b: {  	s6 =	simm.s32 $_size__tile_overlayer_lowered;
	s7 =	simm.s32 $_tile_overlayer_lowered  }
0x9c: {  	s22 =	simm.s32 $0x1BFF;
	s21 =	sshll.u32 s7, $0x1;
	s4 =	sadd.s32 s5, s19  }
0x9d: {  	s8 =	simm.s32 $0x0;
	s20 =	sshll.u32 s6, $0x1;
	s6 =	sadd.s32 s21, s4  }
0x9e: {  	[timem:s8], [sflag:s22] =	dma.local [hbm:s6], s20  }
0x9f: {  	_ =	swait.ge [sflag:s22], s20  }
0xa0: {  	s5 =	ssub.s32 $0x0, s20;
	[sflag:s22] =	ssyncset.done $0x0  }
0xa1: {  	[sflag:s22] =	ssyncadd.s32 s5;
	_ =	sdelay $0x1  }
0xa2: {  	s23 =	simm.s32 $0x1B8B  }
0xa3: {  	_ =	swait.ge [sflag:s23], $0x1  }
0xa4: {  	[sflag:s23] =	ssyncset.done $0x0  }
0xa5: {  	s25 =	simm.s32 $0x1B8E;
	s24 =	sld [smem:$0x3FFE];
	[sflag:s23] =	ssyncadd.s32 $0xFFFFFFFF  }
0xa6: {  	s26 =	simm.s32 $execute0_lowered;
	[smem:$0x3FD2] =	sst s25  }
0xa7: {  	s6 =	sshll.u32 s26, $0x1;
	_ =	strace $0x80000046;
	[dreg:$0x1] =	wrdreg $0xFFFFFFFF  }
0xa8: {  	s28 =	simm.s32 $_size_execute0_lowered;
	s4 =	sadd.s32 s4, s6;
	[dreg:$0x0] =	wrdreg $0x0  }
0xa9: {  	s6 =	sshll.u32 s28, $0x1;
	[dreg:$0x2] =	wrdreg s4  }
0xaa: {  	[dreg:$0x3] =	wrdreg s6  }
0xab: {  	[dreg:$0x4] =	wrdreg $0xC0  }
0xac: {  	_ =	task [dreg:s8], $0x5FFFF  }
0xad: {  	[dreg:$0x1] =	wrdreg $0xFFFFFFFF  }
0xae: {  	[dreg:$0x0] =	wrdreg $0x60  }
0xaf: {  	[dreg:$0x2] =	wrdreg s2  }
0xb0: {  	[dreg:$0x3] =	wrdreg s18  }
0xb1: {  	[dreg:$0x4] =	wrdreg s24  }
0xb2: {  	[dreg:$0x5] =	wrdreg $0x9  }
0xb3: {  	_ =	task.clear_ibuf [dreg:s8], $0x6FFFF;
	_ =	strace $0x90000046  }
0xb4: {  	s29 =	simm.s32 $0x9;
	_ =	strace $0x80000048  }
0xb5: {  	_ =	swait.ge [sflag:s29], $0x1  }
0xb6: {  	[sflag:s29] =	ssyncadd.s32 $0xFFFFFFFF  }
0xb7: {  	_ =	strace $0x90000048  }
0xb8: {  	_ =	sfence  }
0xb9: {  	s30 =	sld [smem:$0x0];
	_ =	sdelay $0x2  }
0xba: {  	s31 =	sshll.u32 s1, $0xD;
	s1 =	sshrl.u32 s1, $0x2  }
0xbb: {  	s3 =	sand.u32 $0x4000, s31;
	s1 =	sadd.s32 s1, s30  }
0xbc: {  	s0 =	sor.u32 s3, s0;
	s1 =	sshll.u32 s1, $0x11  }
0xbd: {  	s0 =	sor.u32 s1, s0  }
0xbe: {  	s0 =	sadd.s32 $0x8F2B, s0  }
0xbf: {  	[sflag:s0] =	ssyncadd.remote.s32 $0x1  }
0xc0: {  	_ =	sfence.sel $0xFFFF  }
0xc1: {  	[dreg:$0x0] =	wrdreg $0xFFFFFFFF;
	(pc) =	sbr.abs _section_cstart, $3  }
0xc2: {  	[dreg:$0x1] =	wrdreg $0xFFFFFFFF  }
0xc3: {  	_ =	task.clear_ibuf [dreg:s8], $0x2FFFF;
	_ =	strace $0x9FFFFFFF  }
0xc4: {  	(tm) =	ssettm $0x7FFFFFFF  }
0xc5: {  	_ =	shalt  }
tec
execute0_lowered:
.L_overlay_start_1:
0x0: {  	(tag) =	ssettag $0x1  }
0x1: {  	s10 =	rddreg [dreg:$0x0]  }
0x2: {  	s0 =	srdreg.scid;
	s11 =	rddreg [dreg:$0x1]  }
0x3: {  	s9 =	stileid.u32;
	s2 =	rddreg [dreg:$0x2];
	s4 =	simm.s32 $0x0  }
0x4: {  	s0 =	sand.u32 $0x1, s0;
	s1 =	sshll.u32 s9, $0x1;
	s3 =	sshrl.u32 s9, $0x2  }
0x5: {  	[smem:$0x7FF] =	sst s4;
	p0 =	seq.s32 s9, $0x0;
	s1 =	sor.u32 s0, s1  }
0x6: {  	s6 =	sshll.u32 s3, $0xE;
	_ =	strace $0x80000047;
	s3 =	sshll.u32 s3, $0xD  }
0x7: {  	s0 =	ssub.s32 $0x2, s0;
	s5 =	sshll.u32 s1, $0x7;
	s7 =	smul.u32 $0x27, s1  }
0x8: {  	s1 =	smul.u32 $0x28, s1;
	s22 =	sshrl.u32 s0, $0x1;
	s5 =	sand.u32 $0x380, s5  }
0x9: {  	s0 =	ssub.s32 s0, s22;
	s6 =	sor.u32 s6, s5;
	s3 =	sor.u32 s3, s5  }
0xa: {  	v0 =	vimm.s32 $0xEFCDAB89;
	s5 =	sadd.s32 $0x2, s7;
	s0 =	smax.u32 s0, $0x1;
	s6 =	sshrl.u32 s6, $0x3  }
0xb: {  	v1 =	vimm.s32 $0x67452301;
	v2 =	vimm.s32 $0xDCFE98BA;
	v3 =	vimm.s32 $0x54761032;
	s3 =	sshrl.u32 s3, $0x3;
	s5 =	smov.u32 @p0 s1;
	[dreg:$0xe] =	wrdreg s0  }
0xc: {  	v4 =	vimm.s32 $0xBA98FEDC;
	v5 =	vimm.s32 $0x32107654;
	s8 =	sadd.s32 s6, s2;
	s21 =	sadd.s32 s3, s2;
	s23 =	smul.u32 $0x1400, s5  }
0xd: {  	v6 =	vimm.s32 $0xFEDCBA98;
	v7 =	vimm.s32 $0x76543210;
	v0 =	vunpack.c.l.s4.s8 v0;
	s6 =	simm.s32 $0x28;
	[dreg:$0x4] =	wrdreg s5;
	s31 =	sadd.s32 $0xC00, s8  }
0xe: {  	v1 =	vunpack.c.l.s4.s8 v1;
	v2 =	vunpack.c.l.s4.s8 v2;
	v3 =	vunpack.c.l.s4.s8 v3;
	s24 =	smul.u32 $0x500, s5;
	s1 =	sadd.s32 $0x2C00, s21;
	[dreg:$0xc] =	wrdreg s31  }
0xf: {  	v4 =	vunpack.c.l.s4.s8 v4;
	v5 =	vunpack.c.l.s4.s8 v5;
	v6 =	vunpack.c.l.s4.s8 v6;
	s25 =	smul.u32 $0x280, s5;
	s6 =	simm.s32 @!p0 $0x27;
	[dreg:$0xd] =	wrdreg s1  }
0x10: {  	v0 =	vunpack.c.0.s8.s32 v0;
	v1 =	vunpack.c.0.s8.s32 v1;
	v2 =	vunpack.c.0.s8.s32 v2;
	s2 =	sadd.s32 s10, s24;
	[dreg:$0x5] =	wrdreg s6  }
0x11: {  	v3 =	vunpack.c.0.s8.s32 v3;
	v4 =	vunpack.c.0.s8.s32 v4;
	v5 =	vunpack.c.0.s8.s32 v5;
	s3 =	sadd.s32 $0x1400, s23;
	s5 =	sadd.s32 s11, s25;
	[dreg:$0x6] =	wrdreg s2  }
.Ltmp0:
0x12: {  	v7 =	vunpack.c.l.s4.s8 v7;
	v1 =	vcombine.low v1, v0;
	s29 =	sadd.s32 $0xFFFFFFFE, s6;
	[dreg:$0x7] =	wrdreg s5;
	(pc) =	sbr.rel .LBB2_1-.Ltmp0, $4  }
0x13: {  	v2 =	vcombine.low v3, v2;
	v3 =	vcombine.low v5, v4;
	v4 =	vunpack.c.0.s8.s32 v6;
	s30 =	sadd.s32 $0xFFFFFFFD, s6;
	s26 =	sshrl.u32 s3, $0x2;
	[dreg:$0xa] =	wrdreg s29  }
0x14: {  	vm0 =	vmmov $0x1;
	vm1 =	vcmask $0x3F04;
	v5 =	vunpack.c.0.s8.s32 v7;
	s3 =	sshrl.u32 s3, $0x3;
	[dreg:$0xb] =	wrdreg s30;
	s2 =	sadd.s32 s10, s26  }
0x15: {  	s22 =	simm.s32 $0x8000;
	v0 =	vimm.f32 $0.0e+00;
	v1 =	vand.u32 $0xF, v1;
	v4 =	vand.u32 $0xF, v4;
	s28 =	sadd.s32 s11, s3;
	[dreg:$0x8] =	wrdreg s2  }
0x16: {  	v2 =	vand.u32 $0xF, v2;
	v3 =	vand.u32 $0xF, v3;
	s21 =	simm.s32 $0x7800;
	v4 =	vcombine.low v4, v5;
	s1 =	simm.s32 $0x0;
	[dreg:$0x9] =	wrdreg s28  }
.LBB2_41:
0x17: {  	v5 =	vld [tilespmem:$0x8400]  }
0x18: {  	v6 =	vld [tilespmem:$0x8480];
	_ =	sdelay $0x4  }
0x19: {  	v7 =	vperm.xlane v5, v1;
	v8 =	vperm.xlane v6, v1;
	_ =	sdelay $0x1  }
0x1a: {  	v5 =	vadd.f32 v7, v5;
	v6 =	vadd.f32 v8, v6;
	_ =	sdelay $0x1  }
0x1b: {  	v7 =	vperm.xlane v5, v2;
	v8 =	vperm.xlane v6, v2;
	_ =	sdelay $0x1  }
0x1c: {  	v5 =	vadd.f32 v7, v5;
	v6 =	vadd.f32 v8, v6  }
0x1d: {  	s0 =	sld [smem:$0x0]  }
0x1e: {  	v7 =	vperm.xlane v5, v3;
	v8 =	vperm.xlane v6, v3;
	_ =	sdelay $0x1  }
0x1f: {  	s1 =	sadd.s32 $0x400, s0;
	v5 =	vadd.f32 v7, v5;
	v6 =	vadd.f32 v8, v6  }
0x20: {  	v7 =	vmov s1  }
0x21: {  	s24 =	sld [smem:$0x80];
	v7 =	vsel vm0, s0, v7;
	v63 =	vperm.xlane v5, v4;
	v9 =	vperm.xlane v6, v4  }
0x22: {  	v10 =	vmov s0  }
0x23: {  	v5 =	vadd.f32 v63, v5;
	v6 =	vadd.f32 v9, v6  }
0x24: {  	s25 =	scvt.s32.f32 s24  }
0x25: {  	v5 =	vsel vm0, v5, v6  }
0x26: {  	[tilespmem:v7+s21+$0x0] =	vst.idx.msk $0x3, v5;
	v5 =	vmov s25  }
0x27: {  	[smem:$0x80] =	sst s4;
	[tilespmem:v10+s22+$0x0] =	vst.idx.msk $0x1, v5  }
0x28: {  	s26 =	rddreg [dreg:$0xc];
	[tilespmem:$0x8400] =	vst v0  }
0x29: {  	s28 =	simm.s32 $0x80;
	s2 =	simm.s32 $0x400;
	s3 =	simm.s32 $0x5;
	[tilespmem:$0x8480] =	vst v0  }
0x2a: {  	[hbm4b:s26+s28] =	stream.strided.scatter [tilespmem:s21], [sflag:$0x5], $0x800, s2, s28, $0x38;
	[tilespmem:$0x8500] =	vst v63  }
0x2b: {  	_ =	swait.ge [sflag:s3], $0x800  }
0x2c: {  	[sflag:s3] =	ssyncset.done $0x0  }
0x2d: {  	s29 =	rddreg [dreg:$0xd];
	[sflag:s3] =	ssyncadd.s32 $0xFFFFF800  }
0x2e: {  	[hbm4b:s29+s28] =	stream.strided.scatter [tilespmem:s22], [sflag:$0x5], $0x400, s2, s28, $0x38;
	[tilespmem:$0x8500] =	vst v63  }
0x2f: {  	_ =	swait.ge [sflag:s3], $0x400  }
0x30: {  	s30 =	rddreg [dreg:$0xf]  }
0x31: {  	s31 =	rddreg [dreg:$0xe];
	s1 =	sadd.s32 $0x1, s30  }
0x32: {  	p0 =	sne.s32 s1, s31  }
.Ltmp1:
0x33: {  	_ = 	snop;
	(pc) =	sbr.rel @!p0 .LBB2_42-.Ltmp1, $3  }
0x34: {  	_ =	sdelay $0x1  }
0x35: {  	[sflag:s3] =	ssyncset.done $0x0  }
0x36: {  	[sflag:s3] =	ssyncadd.s32 $0xFFFFFC00  }
.LBB2_1:
0x37: {  	[dreg:$0xf] =	wrdreg s1;
	s0 =	simm.s32 $0x0  }
.LBB2_2:
0x38: {  	p0 =	sne.s32 s0, $0x1FC0  }
.Ltmp2:
0x39: {  	_ = 	snop;
	(pc) =	sbr.rel @p0 .LBB2_2-.Ltmp2, $3  }
0x3a: {  	_ =	sdelay $0x1  }
0x3b: {  	s1 =	sshra.s32 s0, $0x2  }
0x3c: {  	s0 =	sadd.s32 $0x40, s0;
	[tilespmem:s1+$0x7800] =	vst v0  }
0x3d: {  	s0 =	simm.s32 $0x40;
	s1 =	simm.s32 $0x0  }
.LBB2_4:
0x3e: {  	p0 =	sne.s32 s0, $0xFC0;
	[tilespmem:s1+$0x8000] =	vst v0;
	s1 =	smov.u32 s0;
	s0 =	sadd.s32 $0x40, s0  }
.Ltmp3:
0x3f: {  	(pc) =	sbr.rel @p0 .LBB2_4-.Ltmp3, $2  }
0x40: {  	_ =	sdelay $0x2  }
0x41: {  	s1 =	sshra.s32 s1, $0x2  }
0x42: {  	[tilespmem:s1+$0x8000] =	vst v0  }
0x43: {  	s0 =	rddreg [dreg:$0x6];
	[tilespmem:$0x8400] =	vst v0  }
0x44: {  	s30 =	simm.s32 $0x0;
	s24 =	rddreg [dreg:$0x7];
	[tilespmem:$0x8480] =	vst v0  }
0x45: {  	[tilespmem:s30], [sflag:$0x1] =	stream.linear.gather [hbm4b:s0+s30], $0x2800, $0x38;
	[tilespmem:$0x8500] =	vst v63  }
0x46: {  	s25 =	simm.s32 $0x5000;
	s26 =	rddreg [dreg:$0x8]  }
0x47: {  	[tilespmem:s25], [sflag:$0x2] =	stream.linear.gather [hbm4b:s24+s30], $0x1400, $0x38;
	[tilespmem:$0x8500] =	vst v63  }
.Ltmp4:
0x48: {  	s29 =	rddreg [dreg:$0x9];
	(pc) =	sbr.rel .LBB2_6-.Ltmp4, $4  }
0x49: {  	s28 =	simm.s32 $0x2800;
	[smem:$0x80] =	sst s30  }
0x4a: {  	[tilespmem:s28], [sflag:$0x3] =	stream.linear.gather [hbm4b:s26+s30], $0x2800, $0x38;
	[tilespmem:$0x8500] =	vst v63  }
0x4b: {  	s31 =	simm.s32 $0x6400;
	[smem:$0x0] =	sst s30  }
0x4c: {  	[tilespmem:s31], [sflag:$0x4] =	stream.linear.gather [hbm4b:s29+s30], $0x1400, $0x38;
	[tilespmem:$0x8500] =	vst v63  }
.LBB2_39:
0x4d: {  	s0 =	rddreg [dreg:$0xb]  }
0x4e: {  	s1 =	rddreg [dreg:$0x10]  }
0x4f: {  	p0 =	sge.u32 s1, s0;
	s0 =	rddreg [dreg:$0x4]  }
0x50: {  	s0 =	sadd.s32 @!p0 s0, s2  }
0x51: {  	s0 =	smul.u32 @!p0 $0x1400, s0;
	_ =	sdelay $0x1  }
0x52: {  	s0 =	sadd.s32 @!p0 $0x2800, s0  }
0x53: {  	s2 =	rddreg [dreg:$0x0];
	s1 =	sshrl.u32 @!p0 s0, $0x2  }
0x54: {  	s3 =	simm.s32 @!p0 $0x2800;
	s1 =	sadd.s32 @!p0 s2, s1;
	s2 =	simm.s32 @!p0 $0x0  }
0x55: {  	[tilespmem:s3], [sflag:$0x3] =	stream.linear.gather @!p0 [hbm4b:s1+s2], $0x2800, $0x38;
	[tilespmem:$0x8500] =	vst v63  }
0x56: {  	s0 =	sshrl.u32 @!p0 s0, $0x3;
	s1 =	rddreg [dreg:$0x1]  }
0x57: {  	s6 =	rddreg [dreg:$0x5];
	s0 =	sadd.s32 @!p0 s1, s0;
	s1 =	simm.s32 @!p0 $0x6400  }
0x58: {  	[tilespmem:s1], [sflag:$0x4] =	stream.linear.gather @!p0 [hbm4b:s0+s2], $0x1400, $0x38;
	[tilespmem:$0x8500] =	vst v63  }
.LBB2_40:
0x59: {  	s30 =	sadd.s32 $0x1, s30  }
0x5a: {  	p0 =	sne.s32 s30, $0x14  }
.Ltmp5:
0x5b: {  	_ = 	snop;
	(pc) =	sbr.rel @!p0 .LBB2_41-.Ltmp5, $1  }
0x5c: {  	_ =	sdelay $0x3  }
.LBB2_6:
0x5d: {  	s3 =	sshll.u32 s30, $0x1  }
0x5e: {  	p0 =	sge.u32 s3, s6  }
.Ltmp6:
0x5f: {  	_ = 	snop;
	(pc) =	sbr.rel @p0 .LBB2_23-.Ltmp6, $1  }
0x60: {  	_ =	sdelay $0x3  }
0x61: {  	s0 =	simm.s32 $0x1  }
0x62: {  	_ =	swait.ge [sflag:s0], $0x2800  }
0x63: {  	[sflag:s0] =	ssyncset.done $0x0  }
0x64: {  	s29 =	simm.s32 $0x2;
	[sflag:s0] =	ssyncadd.s32 $0xFFFFD800  }
0x65: {  	_ =	swait.ge [sflag:s29], $0x1400  }
0x66: {  	[sflag:s29] =	ssyncset.done $0x0  }
0x67: {  	p0 =	sne.s32 s30, $0x0;
	[sflag:s29] =	ssyncadd.s32 $0xFFFFEC00  }
0x68: {  	v5 =	vld @!p0 [tilespmem:$0x5000];
	_ =	sdelay $0x4  }
0x69: {  	(v2sf) =	vpush @!p0 v5, $0x0;
	_ =	sdelay $0xb  }
.Ltmp7:
0x6a: {  	_ = 	snop;
	(pc) =	sbr.rel .LBB2_8-.Ltmp7, $4  }
0x6b: {  	s1 =	rddreg [dreg:$0x4]  }
0x6c: {  	s1 =	sadd.s32 s1, s3  }
0x6d: {  	[dreg:$0x11] =	wrdreg s1;
	s0 =	spop @!p0 (v2sf)  }
0x6e: {  	s31 =	smov.u32 s3;
	[smem:$0x0] =	sst @!p0 s0;
	s0 =	simm.s32 $0x0  }
.LBB2_12:
0x6f: {  	[tilespmem:$0x8400] =	vst v0  }
0x70: {  	[tilespmem:$0x8480] =	vst v0  }
.LBB2_13:
0x71: {  	s7 =	smul.u32 $0x280, s0  }
0x72: {  	s14 =	sand.u32 $0x40, s16;
	s12 =	sadd.s32 $0x40, s16;
	s19 =	sadd.s32 $0x50, s16  }
0x73: {  	s23 =	sadd.s32 $0x60, s16;
	s6 =	sadd.s32 $0x70, s16;
	s24 =	sadd.s32 $0x90, s16  }
0x74: {  	s10 =	sor.u32 $0x10, s14;
	s13 =	sor.u32 $0x20, s14;
	s8 =	sor.u32 $0x30, s14  }
0x75: {  	s9 =	sshll.u32 s12, $0x1;
	s15 =	sand.u32 $0x40, s12;
	s20 =	sshll.u32 s19, $0x1  }
0x76: {  	s19 =	sand.u32 $0x50, s19;
	s2 =	sshll.u32 s23, $0x1;
	s5 =	sand.u32 $0x60, s23  }
0x77: {  	s28 =	sand.u32 $0x70, s6;
	s1 =	sand.u32 $0x3F00, s7;
	s29 =	sand.u32 $0x7F00, s9  }
0x78: {  	s20 =	sand.u32 $0x7F00, s20;
	s18 =	sor.u32 s14, s1;
	s3 =	sor.u32 s10, s1  }
0x79: {  	s11 =	sor.u32 s13, s1;
	s1 =	sor.u32 s8, s1;
	s12 =	sor.u32 s15, s29  }
0x7a: {  	s25 =	sor.u32 s19, s20;
	s19 =	sand.u32 $0x7F00, s2;
	s20 =	sshll.u32 s6, $0x1;
	v5 =	vld [tilespmem:s18+$0x0]  }
0x7b: {  	s29 =	sshll.u32 s24, $0x1;
	s2 =	sand.u32 $0x50, s24;
	s6 =	sadd.s32 $0xA0, s16;
	v6 =	vld [tilespmem:s3+$0x0]  }
0x7c: {  	s24 =	sadd.s32 $0xC0, s16;
	s26 =	sor.u32 s5, s19;
	s19 =	sand.u32 $0x7F00, s20;
	v7 =	vld [tilespmem:s11+$0x0]  }
0x7d: {  	s5 =	sand.u32 $0x7F00, s29;
	v8 =	vld [tilespmem:s1+$0x0];
	s11 =	sshll.u32 s6, $0x1;
	s20 =	sadd.s32 $0xB0, s16  }
0x7e: {  	v9 =	vld [tilespmem:s12+$0x0];
	s3 =	sshll.u32 s24, $0x1;
	s29 =	sor.u32 s28, s19;
	s28 =	sor.u32 s2, s5  }
0x7f: {  	v10 =	vld [tilespmem:s25+$0x0];
	s19 =	sand.u32 $0x60, s6;
	s1 =	sand.u32 $0x7F00, s11;
	s23 =	sshll.u32 s20, $0x1  }
0x80: {  	v13 =	vld [tilespmem:s18+$0x100];
	s2 =	sand.u32 $0x70, s20;
	s11 =	sand.u32 $0x40, s24;
	s6 =	sand.u32 $0x7F00, s3  }
0x81: {  	v11 =	vld [tilespmem:s26+$0x0];
	s24 =	sadd.s32 $0xD0, s16;
	s1 =	sor.u32 s19, s1;
	s5 =	sand.u32 $0x7F00, s23  }
0x82: {  	v12 =	vld [tilespmem:s29+$0x0];
	s20 =	sor.u32 s11, s6;
	s12 =	sor.u32 s2, s5;
	s2 =	sshll.u32 s24, $0x1  }
0x83: {  	v14 =	vld [tilespmem:s28+$0x0];
	s6 =	sadd.s32 $0xE0, s16;
	s5 =	sand.u32 $0x50, s24;
	s19 =	sand.u32 $0x7F00, s2  }
0x84: {  	v15 =	vld [tilespmem:s1+$0x0];
	s2 =	sshll.u32 s6, $0x1;
	s19 =	sor.u32 s5, s19;
	s5 =	sadd.s32 $0xF0, s16  }
0x85: {  	s24 =	sand.u32 $0x60, s6;
	v17 =	vld [tilespmem:s20+$0x0];
	s23 =	sand.u32 $0x7F00, s2;
	s6 =	sshll.u32 s5, $0x1  }
0x86: {  	v16 =	vld [tilespmem:s12+$0x0];
	s2 =	sadd.s32 $0x110, s16;
	s5 =	sand.u32 $0x70, s5;
	s6 =	sand.u32 $0x7F00, s6  }
0x87: {  	v18 =	vld [tilespmem:s19+$0x0];
	s20 =	sor.u32 s24, s23;
	s23 =	sor.u32 s5, s6;
	s6 =	sshll.u32 s2, $0x1  }
0x88: {  	v19 =	vld [tilespmem:s20+$0x0];
	s2 =	sand.u32 $0x50, s2;
	s5 =	sand.u32 $0x7F00, s6;
	s6 =	sadd.s32 $0x120, s16  }
0x89: {  	s24 =	sadd.s32 $0x130, s16;
	v20 =	vld [tilespmem:s23+$0x0];
	s16 =	sor.u32 s2, s5;
	s2 =	sshll.u32 s6, $0x1  }
0x8a: {  	v21 =	vld [tilespmem:s18+$0x200];
	s5 =	sand.u32 $0x60, s6;
	s6 =	sshll.u32 s24, $0x1;
	s2 =	sand.u32 $0x7F00, s2  }
0x8b: {  	v5 =	vadd.f32 v6, v5;
	v6 =	vadd.f32 v8, v7;
	s24 =	sand.u32 $0x70, s24;
	v22 =	vld [tilespmem:s16+$0x0];
	s6 =	sand.u32 $0x7F00, s6;
	s2 =	sor.u32 s5, s2  }
0x8c: {  	v28 =	vadd.f32 v10, v9;
	v29 =	vadd.f32 v12, v11;
	s5 =	sor.u32 s24, s6;
	v23 =	vld [tilespmem:s2+$0x0]  }
0x8d: {  	v30 =	vadd.f32 v14, v13;
	v31 =	vadd.f32 v16, v15;
	v7 =	vld [tilespmem:s5+$0x0]  }
0x8e: {  	v32 =	vadd.f32 v18, v17;
	v33 =	vadd.f32 v20, v19  }
0x8f: {  	v5 =	vadd.f32 v6, v5;
	v6 =	vadd.f32 v29, v28  }
0x90: {  	v34 =	vadd.f32 v31, v30;
	v35 =	vadd.f32 v33, v32  }
0x91: {  	v5 =	vadd.f32 v6, v5;
	v36 =	vadd.f32 v22, v21  }
0x92: {  	v7 =	vadd.f32 v7, v23;
	v6 =	vadd.f32 v35, v34  }
0x93: {  	v37 =	vld [tilespmem:$0x8400]  }
0x94: {  	v7 =	vadd.f32 v7, v36;
	v5 =	vadd.f32 v6, v5;
	_ =	sdelay $0x1  }
0x95: {  	v5 =	vadd.f32 v7, v5;
	_ =	sdelay $0x1  }
0x96: {  	v5 =	vadd.f32 v5, v37  }
0x97: {  	s24 =	sor.u32 s14, s7  }
0x98: {  	s10 =	sor.u32 s10, s7;
	s6 =	sor.u32 $0x80, s24;
	[tilespmem:$0x8400] =	vst v5  }
0x99: {  	s14 =	sor.u32 $0x80, s10;
	s24 =	sor.u32 s13, s7;
	v5 =	vld [tilespmem:s6+$0x0]  }
0x9a: {  	s15 =	sor.u32 s9, s15;
	s13 =	sor.u32 $0x80, s24;
	v6 =	vld [tilespmem:s14+$0x0]  }
0x9b: {  	s24 =	sor.u32 $0x80, s15;
	v7 =	vld [tilespmem:s13+$0x0]  }
0x9c: {  	v39 =	vld [tilespmem:s24+$0x0]  }
0x9d: {  	v40 =	vld [tilespmem:s25+$0x80]  }
0x9e: {  	v41 =	vld [tilespmem:s26+$0x80]  }
0x9f: {  	v42 =	vld [tilespmem:s29+$0x80]  }
0xa0: {  	v43 =	vld [tilespmem:s18+$0x180]  }
0xa1: {  	v44 =	vld [tilespmem:s28+$0x80]  }
0xa2: {  	v45 =	vld [tilespmem:s1+$0x80]  }
0xa3: {  	v46 =	vld [tilespmem:s12+$0x80]  }
0xa4: {  	v48 =	vld [tilespmem:s19+$0x80]  }
0xa5: {  	s7 =	sor.u32 s8, s7;
	v49 =	vld [tilespmem:s20+$0x80]  }
0xa6: {  	s14 =	sor.u32 $0x80, s7;
	s28 =	sor.u32 s3, s11;
	v50 =	vld [tilespmem:s23+$0x80]  }
0xa7: {  	v38 =	vld [tilespmem:s14+$0x0];
	s1 =	sor.u32 $0x80, s28  }
0xa8: {  	v47 =	vld [tilespmem:s1+$0x0]  }
0xa9: {  	v51 =	vld [tilespmem:s18+$0x280]  }
0xaa: {  	v52 =	vld [tilespmem:s16+$0x80];
	v5 =	vadd.f32 v6, v5;
	v54 =	vadd.f32 v40, v39  }
0xab: {  	v53 =	vld [tilespmem:s2+$0x80];
	v55 =	vadd.f32 v42, v41;
	v56 =	vadd.f32 v44, v43  }
0xac: {  	v57 =	vadd.f32 v46, v45;
	v6 =	vadd.f32 v38, v7;
	v7 =	vld [tilespmem:s5+$0x80]  }
0xad: {  	v59 =	vadd.f32 v50, v49;
	v58 =	vadd.f32 v48, v47  }
0xae: {  	v5 =	vadd.f32 v6, v5;
	v6 =	vadd.f32 v55, v54  }
0xaf: {  	v60 =	vadd.f32 v57, v56;
	v61 =	vadd.f32 v59, v58  }
0xb0: {  	v62 =	vadd.f32 v52, v51;
	v5 =	vadd.f32 v6, v5  }
0xb1: {  	v7 =	vadd.f32 v7, v53;
	v6 =	vadd.f32 v61, v60  }
0xb2: {  	v63 =	vld [tilespmem:$0x8480]  }
0xb3: {  	v7 =	vadd.f32 v7, v62;
	v5 =	vadd.f32 v6, v5  }
0xb4: {  	[smem:$0x0] =	sst s17  }
0xb5: {  	s29 =	sld [smem:$0x80];
	v5 =	vadd.f32 v7, v5;
	_ =	sdelay $0x1  }
0xb6: {  	v5 =	vadd.f32 v5, v63  }
0xb7: {  	s1 =	sadd.s32 $0x140, s29  }
0xb8: {  	[smem:$0x80] =	sst s1;
	[tilespmem:$0x8480] =	vst v5  }
.LBB2_21:
0xb9: {  	s0 =	sadd.s32 $0x1, s0  }
0xba: {  	p0 =	sne.s32 s0, $0x10  }
.Ltmp8:
0xbb: {  	_ = 	snop;
	(pc) =	sbr.rel @!p0 .LBB2_22-.Ltmp8, $1  }
0xbc: {  	_ =	sdelay $0x3  }
.LBB2_8:
0xbd: {  	s16 =	smul.u32 $0x140, s0;
	_ =	sdelay $0x1  }
0xbe: {  	v5 =	vld [tilespmem:s16+$0x5000]  }
0xbf: {  	v6 =	vld [tilespmem:s16+$0x5130];
	_ =	sdelay $0x3  }
0xc0: {  	(v2sf) =	vpush v5, $0x0  }
0xc1: {  	(v2sf) =	vpush v6, $0xF;
	_ =	sdelay $0xd  }
0xc2: {  	s17 =	spop (v2sf)  }
0xc3: {  	s1 =	spop (v2sf)  }
0xc4: {  	p0 =	sne.s32 s17, s1  }
.Ltmp9:
0xc5: {  	_ = 	snop;
	(pc) =	sbr.rel @p0 .LBB2_14-.Ltmp9, $2  }
0xc6: {  	_ =	sdelay $0x2  }
0xc7: {  	s7 =	simm.s32 $0x0  }
0xc8: {  	s1 =	sld [smem:$0x0];
	_ =	sdelay $0x2  }
0xc9: {  	p0 =	sge.s32 s1, s17  }
.Ltmp10:
0xca: {  	_ = 	snop;
	(pc) =	sbr.rel @p0 .LBB2_13-.Ltmp10, $1  }
0xcb: {  	_ =	sdelay $0x3  }
0xcc: {  	v5 =	vld [tilespmem:$0x8400]  }
0xcd: {  	v6 =	vld [tilespmem:$0x8480];
	_ =	sdelay $0x4  }
0xce: {  	v7 =	vperm.xlane v5, v1;
	v8 =	vperm.xlane v6, v1;
	_ =	sdelay $0x1  }
0xcf: {  	v5 =	vadd.f32 v7, v5;
	v6 =	vadd.f32 v8, v6;
	_ =	sdelay $0x1  }
0xd0: {  	v7 =	vperm.xlane v5, v2;
	v8 =	vperm.xlane v6, v2;
	_ =	sdelay $0x1  }
0xd1: {  	v5 =	vadd.f32 v7, v5;
	v6 =	vadd.f32 v8, v6;
	_ =	sdelay $0x1  }
0xd2: {  	v7 =	vperm.xlane v5, v3;
	v8 =	vperm.xlane v6, v3;
	_ =	sdelay $0x1  }
0xd3: {  	s3 =	sadd.s32 $0x400, s1;
	v5 =	vadd.f32 v7, v5;
	v6 =	vadd.f32 v8, v6  }
0xd4: {  	v10 =	vmov s1;
	v7 =	vmov s3  }
0xd5: {  	s29 =	sld [smem:$0x80];
	v7 =	vsel vm0, s1, v7;
	s1 =	sadd.s32 $0x1, s1;
	v63 =	vperm.xlane v5, v4;
	v9 =	vperm.xlane v6, v4  }
0xd6: {  	p0 =	sne.s32 s1, s17  }
.Ltmp11:
0xd7: {  	v5 =	vadd.f32 v63, v5;
	v6 =	vadd.f32 v9, v6;
	(pc) =	sbr.rel @!p0 .LBB2_12-.Ltmp11, $4  }
0xd8: {  	s3 =	scvt.s32.f32 s29  }
0xd9: {  	v5 =	vsel vm0, v5, v6  }
0xda: {  	[tilespmem:v7+s21+$0x0] =	vst.idx.msk $0x3, v5;
	v5 =	vmov s3  }
0xdb: {  	[smem:$0x80] =	sst s4;
	[tilespmem:v10+s22+$0x0] =	vst.idx.msk $0x1, v5  }
.LBB2_11:
0xdc: {  	[tilespmem:$0x8400] =	vst v0;
	s3 =	smov.u32 s1;
	s1 =	sadd.s32 $0x1, s1  }
0xdd: {  	v5 =	vld [tilespmem:$0x8400];
	p0 =	sne.s32 s1, s17;
	[tilespmem:$0x8480] =	vst v0  }
0xde: {  	v6 =	vld [tilespmem:$0x8480];
	_ =	sdelay $0x3  }
0xdf: {  	v7 =	vperm.xlane v5, v1  }
0xe0: {  	v8 =	vperm.xlane v6, v1  }
0xe1: {  	v5 =	vadd.f32 v7, v5  }
0xe2: {  	v6 =	vadd.f32 v8, v6  }
0xe3: {  	v7 =	vperm.xlane v5, v2  }
0xe4: {  	v8 =	vperm.xlane v6, v2  }
0xe5: {  	v5 =	vadd.f32 v7, v5  }
0xe6: {  	v6 =	vadd.f32 v8, v6  }
0xe7: {  	v7 =	vperm.xlane v5, v3  }
0xe8: {  	v8 =	vperm.xlane v6, v3  }
0xe9: {  	v5 =	vadd.f32 v7, v5  }
0xea: {  	s7 =	sadd.s32 $0x400, s3;
	v6 =	vadd.f32 v8, v6  }
0xeb: {  	v8 =	vmov s7;
	v7 =	vperm.xlane v5, v4  }
0xec: {  	v8 =	vsel vm0, s3, v8;
	v9 =	vperm.xlane v6, v4;
	s7 =	sld [smem:$0x80]  }
0xed: {  	v5 =	vadd.f32 v7, v5;
	v7 =	vmov s3;
	[smem:$0x80] =	sst s4  }
.Ltmp12:
0xee: {  	v6 =	vadd.f32 v9, v6;
	(pc) =	sbr.rel @p0 .LBB2_11-.Ltmp12, $4  }
0xef: {  	s3 =	scvt.s32.f32 s7  }
0xf0: {  	v5 =	vsel vm0, v5, v6  }
0xf1: {  	[tilespmem:v8+s21+$0x0] =	vst.idx.msk $0x3, v5;
	v5 =	vmov s3  }
0xf2: {  	[tilespmem:v7+s22+$0x0] =	vst.idx.msk $0x1, v5  }
.Ltmp13:
0xf3: {  	_ = 	snop;
	(pc) =	sbr.rel .LBB2_12-.Ltmp13, $1  }
0xf4: {  	_ =	sdelay $0x3  }
.LBB2_15:
0xf5: {  	v5 =	vld [tilespmem:$0x8400]  }
0xf6: {  	v8 =	vld [tilespmem:$0x8480];
	_ =	sdelay $0x2  }
0xf7: {  	s1 =	sld [smem:$0x80]  }
0xf8: {  	v5 =	vadd.f32 v5, v6  }
0xf9: {  	v6 =	vadd.f32 v8, v7  }
0xfa: {  	s1 =	sadd.s32 $0x10, s1;
	[tilespmem:$0x8400] =	vst v5  }
0xfb: {  	[smem:$0x80] =	sst s1;
	[tilespmem:$0x8480] =	vst v6  }
.LBB2_20:
0xfc: {  	s7 =	sadd.s32 $0x1, s7  }
0xfd: {  	p0 =	sne.s32 s7, $0x14  }
.Ltmp14:
0xfe: {  	_ = 	snop;
	(pc) =	sbr.rel @!p0 .LBB2_21-.Ltmp14, $1  }
0xff: {  	_ =	sdelay $0x3  }
.LBB2_14:
0x100: {  	s1 =	sshll.u32 s7, $0x4  }
0x101: {  	s2 =	sadd.s32 s16, s1  }
0x102: {  	v5 =	vld [tilespmem:s2+$0x5000];
	_ =	sdelay $0x4  }
0x103: {  	(v2sf) =	vpush v5, $0x0  }
0x104: {  	(v2sf) =	vpush v5, $0xF;
	_ =	sdelay $0xb  }
0x105: {  	s1 =	sld [smem:$0x0];
	_ =	sdelay $0x1  }
0x106: {  	s3 =	spop (v2sf)  }
0x107: {  	p0 =	sne.s32 s3, s1;
	s3 =	spop (v2sf)  }
0x108: {  	p1 =	sne.s32 @!p0 s3, s1  }
0x109: {  	p0 =	por p0, p1  }
.Ltmp15:
0x10a: {  	s5 =	sand.u32 $0x70, s2;
	s2 =	sshll.u32 s2, $0x1;
	(pc) =	sbr.rel @!p0 .LBB2_15-.Ltmp15, $4  }
0x10b: {  	s2 =	sand.u32 $0x7F00, s2  }
0x10c: {  	s2 =	sor.u32 s5, s2  }
0x10d: {  	v6 =	vld [tilespmem:s2+$0x0]  }
0x10e: {  	v7 =	vld [tilespmem:s2+$0x80]  }
0x10f: {  	s8 =	sadd.s32 $0x1, s3  }
0x110: {  	p0 =	sge.s32 s1, s8  }
.Ltmp16:
0x111: {  	_ = 	snop;
	(pc) =	sbr.rel @p0 .LBB2_19-.Ltmp16, $1  }
0x112: {  	_ =	sdelay $0x3  }
0x113: {  	s9 =	sld [smem:$0x80]  }
.LBB2_18:
0x114: {  	vm2 =	veq.s32 v5, s1  }
0x115: {  	v8 =	vmpcnt.ones.xlane vm2;
	_ =	sdelay $0x1  }
0x116: {  	(v2sf) =	vpush v8, $0x0;
	v8 =	vld [tilespmem:$0x8400];
	_ =	sdelay $0x2  }
0x117: {  	v9 =	vld [tilespmem:$0x8480]  }
0x118: {  	v10 =	vnsel vm2, $0x0, v6  }
0x119: {  	v10 =	vadd.f32 v8, v10;
	_ =	sdelay $0x1  }
0x11a: {  	p0 =	sge.s32 s1, s3;
	v8 =	vnsel vm2, $0x0, v7;
	[tilespmem:$0x8400] =	vst v10  }
0x11b: {  	v8 =	vadd.f32 v9, v8;
	v9 =	vld @!p0 [tilespmem:$0x8400];
	_ =	sdelay $0x4  }
0x11c: {  	v11 =	vperm.xlane @!p0 v8, v1;
	v10 =	vperm.xlane @!p0 v9, v1;
	_ =	sdelay $0x1  }
0x11d: {  	[tilespmem:$0x8480] =	vst v8;
	v8 =	vadd.f32 @!p0 v11, v8;
	v9 =	vadd.f32 @!p0 v10, v9;
	_ =	sdelay $0x1  }
0x11e: {  	v11 =	vperm.xlane @!p0 v8, v2;
	v10 =	vperm.xlane @!p0 v9, v2;
	_ =	sdelay $0x1  }
0x11f: {  	v8 =	vadd.f32 @!p0 v11, v8;
	v9 =	vadd.f32 @!p0 v10, v9;
	_ =	sdelay $0x1  }
0x120: {  	v11 =	vperm.xlane @!p0 v8, v3;
	v10 =	vperm.xlane @!p0 v9, v3;
	_ =	sdelay $0x1  }
0x121: {  	s2 =	spop (v2sf);
	v8 =	vadd.f32 @!p0 v11, v8;
	v9 =	vadd.f32 @!p0 v10, v9  }
0x122: {  	s9 =	sadd.s32 s9, s2;
	s2 =	sadd.s32 @!p0 $0x400, s1;
	v10 =	vmov @!p0 s1  }
0x123: {  	v12 =	vperm.xlane @!p0 v8, v4;
	v13 =	vsel @!p0 vm1, s2, v10;
	v11 =	vperm.xlane @!p0 v9, v4;
	_ =	sdelay $0x1  }
0x124: {  	v8 =	vadd.f32 @!p0 v12, v8;
	v9 =	vadd.f32 @!p0 v11, v9  }
0x125: {  	s2 =	scvt.s32.f32 @!p0 s9  }
0x126: {  	v8 =	vsel @!p0 vm0, v9, v8  }
0x127: {  	[tilespmem:v13+s21+$0x0] =	vst.idx.msk @!p0 $0x3, v8;
	v8 =	vmov @!p0 s2  }
0x128: {  	[tilespmem:v10+s22+$0x0] =	vst.idx.msk @!p0 $0x1, v8  }
0x129: {  	[smem:$0x80] =	sst s9;
	s1 =	sadd.s32 $0x1, s1;
	s9 =	simm.s32 @!p0 $0x0;
	[tilespmem:$0x8400] =	vst @!p0 v0  }
0x12a: {  	[smem:$0x80] =	sst @!p0 s9;
	[tilespmem:$0x8480] =	vst @!p0 v0;
	p0 =	sne.s32 s8, s1  }
.Ltmp17:
0x12b: {  	_ = 	snop;
	(pc) =	sbr.rel @p0 .LBB2_18-.Ltmp17, $1  }
0x12c: {  	_ =	sdelay $0x3  }
.LBB2_19:
.Ltmp18:
0x12d: {  	(pc) =	sbr.rel .LBB2_20-.Ltmp18, $2  }
0x12e: {  	_ =	sdelay $0x2  }
0x12f: {  	[smem:$0x0] =	sst s3  }
.LBB2_22:
0x130: {  	s0 =	rddreg [dreg:$0xa]  }
0x131: {  	p0 =	sge.u32 s31, s0;
	s0 =	rddreg [dreg:$0x11]  }
0x132: {  	s0 =	smul.u32 @!p0 $0x1400, s0;
	_ =	sdelay $0x1  }
0x133: {  	s0 =	sadd.s32 @!p0 $0x2800, s0  }
0x134: {  	s2 =	rddreg [dreg:$0x0];
	s1 =	sshrl.u32 @!p0 s0, $0x2  }
0x135: {  	s1 =	sadd.s32 @!p0 s2, s1;
	s2 =	simm.s32 @!p0 $0x0  }
0x136: {  	[tilespmem:s2], [sflag:$0x1] =	stream.linear.gather @!p0 [hbm4b:s1+s2], $0x2800, $0x38;
	[tilespmem:$0x8500] =	vst v63  }
0x137: {  	s3 =	smov.u32 s31;
	s0 =	sshrl.u32 @!p0 s0, $0x3;
	s1 =	rddreg [dreg:$0x1]  }
0x138: {  	s6 =	rddreg [dreg:$0x5];
	s0 =	sadd.s32 @!p0 s1, s0;
	s1 =	simm.s32 @!p0 $0x5000  }
0x139: {  	[tilespmem:s1], [sflag:$0x2] =	stream.linear.gather @!p0 [hbm4b:s0+s2], $0x1400, $0x38;
	[tilespmem:$0x8500] =	vst v63  }
.LBB2_23:
0x13a: {  	s2 =	sor.u32 $0x1, s3  }
0x13b: {  	p0 =	sge.u32 s2, s6  }
.Ltmp19:
0x13c: {  	_ = 	snop;
	(pc) =	sbr.rel @p0 .LBB2_40-.Ltmp19, $1  }
0x13d: {  	_ =	sdelay $0x3  }
0x13e: {  	[dreg:$0x10] =	wrdreg s3;
	s0 =	simm.s32 $0x3  }
0x13f: {  	_ =	swait.ge [sflag:s0], $0x2800  }
.Ltmp20:
0x140: {  	[sflag:s0] =	ssyncset.done $0x0;
	(pc) =	sbr.rel .LBB2_25-.Ltmp20, $4  }
0x141: {  	s31 =	simm.s32 $0x4;
	[sflag:s0] =	ssyncadd.s32 $0xFFFFD800  }
0x142: {  	_ =	swait.ge [sflag:s31], $0x1400  }
0x143: {  	[sflag:s31] =	ssyncset.done $0x0  }
0x144: {  	s0 =	simm.s32 $0x0;
	[sflag:s31] =	ssyncadd.s32 $0xFFFFEC00  }
.LBB2_29:
0x145: {  	[tilespmem:$0x8400] =	vst v0  }
0x146: {  	[tilespmem:$0x8480] =	vst v0  }
.LBB2_30:
0x147: {  	s18 =	smul.u32 $0x280, s0;
	s13 =	sand.u32 $0x40, s16;
	s8 =	sadd.s32 $0x40, s16  }
0x148: {  	s15 =	sadd.s32 $0x50, s16;
	s20 =	sadd.s32 $0x60, s16;
	s23 =	sadd.s32 $0x70, s16  }
0x149: {  	s31 =	sadd.s32 $0x90, s16;
	s14 =	sor.u32 $0x10, s13;
	s9 =	sor.u32 $0x20, s13  }
0x14a: {  	s10 =	sor.u32 $0x30, s13;
	s7 =	sshll.u32 s8, $0x1;
	s8 =	sand.u32 $0x40, s8  }
0x14b: {  	s19 =	sshll.u32 s15, $0x1;
	s15 =	sand.u32 $0x50, s15;
	s26 =	sshll.u32 s20, $0x1  }
0x14c: {  	s20 =	sand.u32 $0x60, s20;
	s24 =	sshll.u32 s23, $0x1;
	s28 =	sand.u32 $0x70, s23  }
0x14d: {  	s25 =	sshll.u32 s31, $0x1;
	s23 =	sadd.s32 $0xD0, s16;
	s1 =	sand.u32 $0x3F00, s18  }
0x14e: {  	s12 =	sand.u32 $0x7F00, s7;
	s19 =	sand.u32 $0x7F00, s19;
	s29 =	sand.u32 $0x7F00, s24  }
0x14f: {  	s24 =	sshll.u32 s23, $0x1;
	s3 =	sadd.s32 $0x2800, s1;
	s12 =	sor.u32 s8, s12  }
0x150: {  	s15 =	sor.u32 s15, s19;
	s19 =	sand.u32 $0x7F00, s26;
	s28 =	sor.u32 s28, s29;
	v9 =	vld [tilespmem:s12+$0x2800]  }
0x151: {  	s29 =	sand.u32 $0x50, s31;
	s31 =	sadd.s32 $0xA0, s16;
	s5 =	sor.u32 s13, s3;
	v10 =	vld [tilespmem:s15+$0x2800]  }
0x152: {  	s6 =	sor.u32 s14, s3;
	s11 =	sor.u32 s9, s3;
	s3 =	sor.u32 s10, s3;
	v5 =	vld [tilespmem:s5+$0x0]  }
0x153: {  	s26 =	sor.u32 s20, s19;
	s12 =	sadd.s32 $0xC0, s16;
	v6 =	vld [tilespmem:s6+$0x0];
	s5 =	sand.u32 $0x7F00, s25  }
0x154: {  	v8 =	vld [tilespmem:s3+$0x0];
	s25 =	sor.u32 s13, s1;
	s3 =	sshll.u32 s31, $0x1;
	s6 =	sadd.s32 $0xB0, s16  }
0x155: {  	v12 =	vld [tilespmem:s28+$0x2800];
	s29 =	sor.u32 s29, s5;
	s5 =	sand.u32 $0x60, s31;
	s1 =	sand.u32 $0x7F00, s3  }
0x156: {  	v7 =	vld [tilespmem:s11+$0x0];
	s11 =	sshll.u32 s6, $0x1;
	s3 =	sshll.u32 s12, $0x1;
	s31 =	sadd.s32 $0xE0, s16  }
0x157: {  	v11 =	vld [tilespmem:s26+$0x2800];
	s1 =	sor.u32 s5, s1;
	s5 =	sand.u32 $0x70, s6;
	s19 =	sand.u32 $0x7F00, s11  }
0x158: {  	v13 =	vld [tilespmem:s25+$0x2900];
	s11 =	sand.u32 $0x40, s12;
	s20 =	sand.u32 $0x7F00, s3;
	s6 =	sand.u32 $0x7F00, s24  }
0x159: {  	v14 =	vld [tilespmem:s29+$0x2800];
	s24 =	sadd.s32 $0xF0, s16;
	s12 =	sor.u32 s5, s19;
	s5 =	sor.u32 s11, s20  }
0x15a: {  	s19 =	sand.u32 $0x50, s23;
	v15 =	vld [tilespmem:s1+$0x2800];
	s23 =	sshll.u32 s31, $0x1;
	s20 =	sand.u32 $0x60, s31  }
0x15b: {  	s31 =	sshll.u32 s24, $0x1;
	s19 =	sor.u32 s19, s6;
	v16 =	vld [tilespmem:s12+$0x2800];
	s6 =	sand.u32 $0x7F00, s23  }
0x15c: {  	v17 =	vld [tilespmem:s5+$0x2800];
	s23 =	sand.u32 $0x70, s24;
	s31 =	sand.u32 $0x7F00, s31;
	s24 =	sadd.s32 $0x110, s16  }
0x15d: {  	v18 =	vld [tilespmem:s19+$0x2800];
	s20 =	sor.u32 s20, s6;
	s23 =	sor.u32 s23, s31;
	s31 =	sshll.u32 s24, $0x1  }
0x15e: {  	s6 =	sand.u32 $0x50, s24;
	s24 =	sadd.s32 $0x120, s16;
	v19 =	vld [tilespmem:s20+$0x2800];
	s5 =	sand.u32 $0x7F00, s31  }
0x15f: {  	s31 =	sadd.s32 $0x130, s16;
	v20 =	vld [tilespmem:s23+$0x2800];
	s16 =	sor.u32 s6, s5;
	s5 =	sshll.u32 s24, $0x1  }
0x160: {  	v21 =	vld [tilespmem:s25+$0x2A00];
	s6 =	sand.u32 $0x60, s24;
	s24 =	sshll.u32 s31, $0x1;
	s5 =	sand.u32 $0x7F00, s5  }
0x161: {  	v28 =	vadd.f32 v10, v9;
	v5 =	vadd.f32 v6, v5;
	s31 =	sand.u32 $0x70, s31;
	v22 =	vld [tilespmem:s16+$0x2800];
	s24 =	sand.u32 $0x7F00, s24;
	s5 =	sor.u32 s6, s5  }
0x162: {  	v6 =	vadd.f32 v8, v7;
	v29 =	vadd.f32 v12, v11;
	s6 =	sor.u32 s31, s24;
	v23 =	vld [tilespmem:s5+$0x2800]  }
0x163: {  	v30 =	vadd.f32 v14, v13;
	v31 =	vadd.f32 v16, v15;
	v7 =	vld [tilespmem:s6+$0x2800]  }
0x164: {  	v32 =	vadd.f32 v18, v17;
	v33 =	vadd.f32 v20, v19  }
0x165: {  	v5 =	vadd.f32 v6, v5;
	v6 =	vadd.f32 v29, v28  }
0x166: {  	v34 =	vadd.f32 v31, v30;
	v35 =	vadd.f32 v33, v32  }
0x167: {  	v5 =	vadd.f32 v6, v5;
	v36 =	vadd.f32 v22, v21  }
0x168: {  	v7 =	vadd.f32 v7, v23;
	v6 =	vadd.f32 v35, v34  }
0x169: {  	v37 =	vld [tilespmem:$0x8400]  }
0x16a: {  	v7 =	vadd.f32 v7, v36;
	v5 =	vadd.f32 v6, v5;
	_ =	sdelay $0x1  }
0x16b: {  	v5 =	vadd.f32 v7, v5;
	_ =	sdelay $0x1  }
0x16c: {  	v5 =	vadd.f32 v5, v37  }
0x16d: {  	s13 =	sor.u32 s13, s18  }
0x16e: {  	s14 =	sor.u32 s14, s18;
	s13 =	sor.u32 $0x80, s13;
	[tilespmem:$0x8400] =	vst v5  }
0x16f: {  	s9 =	sor.u32 s9, s18;
	s14 =	sor.u32 $0x80, s14;
	v5 =	vld [tilespmem:s13+$0x2800]  }
0x170: {  	s10 =	sor.u32 s10, s18;
	s9 =	sor.u32 $0x80, s9;
	v6 =	vld [tilespmem:s14+$0x2800]  }
0x171: {  	s7 =	sor.u32 s7, s8;
	s24 =	sor.u32 $0x80, s10;
	v7 =	vld [tilespmem:s9+$0x2800]  }
0x172: {  	s7 =	sor.u32 $0x80, s7;
	v38 =	vld [tilespmem:s24+$0x2800]  }
0x173: {  	v39 =	vld [tilespmem:s7+$0x2800]  }
0x174: {  	v40 =	vld [tilespmem:s15+$0x2880]  }
0x175: {  	v41 =	vld [tilespmem:s26+$0x2880]  }
0x176: {  	v42 =	vld [tilespmem:s28+$0x2880]  }
0x177: {  	v43 =	vld [tilespmem:s25+$0x2980]  }
0x178: {  	v44 =	vld [tilespmem:s29+$0x2880]  }
0x179: {  	v45 =	vld [tilespmem:s1+$0x2880]  }
0x17a: {  	v46 =	vld [tilespmem:s12+$0x2880]  }
0x17b: {  	v48 =	vld [tilespmem:s19+$0x2880]  }
0x17c: {  	s29 =	sor.u32 s3, s11;
	v49 =	vld [tilespmem:s20+$0x2880]  }
0x17d: {  	v50 =	vld [tilespmem:s23+$0x2880];
	s1 =	sor.u32 $0x80, s29  }
0x17e: {  	v47 =	vld [tilespmem:s1+$0x2800]  }
0x17f: {  	v51 =	vld [tilespmem:s25+$0x2A80]  }
0x180: {  	v52 =	vld [tilespmem:s16+$0x2880];
	v5 =	vadd.f32 v6, v5;
	v6 =	vadd.f32 v38, v7  }
0x181: {  	v53 =	vld [tilespmem:s5+$0x2880];
	v54 =	vadd.f32 v40, v39;
	v55 =	vadd.f32 v42, v41  }
0x182: {  	v7 =	vld [tilespmem:s6+$0x2880];
	v56 =	vadd.f32 v44, v43;
	v57 =	vadd.f32 v46, v45  }
0x183: {  	v59 =	vadd.f32 v50, v49;
	v58 =	vadd.f32 v48, v47  }
0x184: {  	v5 =	vadd.f32 v6, v5;
	v6 =	vadd.f32 v55, v54  }
0x185: {  	v60 =	vadd.f32 v57, v56;
	v61 =	vadd.f32 v59, v58  }
0x186: {  	v62 =	vadd.f32 v52, v51;
	v5 =	vadd.f32 v6, v5  }
0x187: {  	v7 =	vadd.f32 v7, v53;
	v6 =	vadd.f32 v61, v60  }
0x188: {  	v63 =	vld [tilespmem:$0x8480]  }
0x189: {  	v7 =	vadd.f32 v7, v62;
	v5 =	vadd.f32 v6, v5  }
0x18a: {  	[smem:$0x0] =	sst s17  }
0x18b: {  	s31 =	sld [smem:$0x80];
	v5 =	vadd.f32 v7, v5;
	_ =	sdelay $0x1  }
0x18c: {  	v5 =	vadd.f32 v5, v63  }
0x18d: {  	s1 =	sadd.s32 $0x140, s31  }
0x18e: {  	[smem:$0x80] =	sst s1;
	[tilespmem:$0x8480] =	vst v5  }
.LBB2_38:
0x18f: {  	s0 =	sadd.s32 $0x1, s0  }
0x190: {  	p0 =	sne.s32 s0, $0x10  }
.Ltmp21:
0x191: {  	_ = 	snop;
	(pc) =	sbr.rel @!p0 .LBB2_39-.Ltmp21, $1  }
0x192: {  	_ =	sdelay $0x3  }
.LBB2_25:
0x193: {  	s16 =	smul.u32 $0x140, s0;
	_ =	sdelay $0x1  }
0x194: {  	v5 =	vld [tilespmem:s16+$0x6400]  }
0x195: {  	v6 =	vld [tilespmem:s16+$0x6530];
	_ =	sdelay $0x3  }
0x196: {  	(v2sf) =	vpush v5, $0x0  }
0x197: {  	(v2sf) =	vpush v6, $0xF;
	_ =	sdelay $0xd  }
0x198: {  	s17 =	spop (v2sf)  }
0x199: {  	s1 =	spop (v2sf)  }
0x19a: {  	p0 =	sne.s32 s17, s1  }
.Ltmp22:
0x19b: {  	_ = 	snop;
	(pc) =	sbr.rel @p0 .LBB2_31-.Ltmp22, $2  }
0x19c: {  	_ =	sdelay $0x2  }
0x19d: {  	s7 =	simm.s32 $0x0  }
0x19e: {  	s1 =	sld [smem:$0x0];
	_ =	sdelay $0x2  }
0x19f: {  	p0 =	sge.s32 s1, s17  }
.Ltmp23:
0x1a0: {  	_ = 	snop;
	(pc) =	sbr.rel @p0 .LBB2_30-.Ltmp23, $1  }
0x1a1: {  	_ =	sdelay $0x3  }
0x1a2: {  	v5 =	vld [tilespmem:$0x8400]  }
0x1a3: {  	v6 =	vld [tilespmem:$0x8480];
	_ =	sdelay $0x4  }
0x1a4: {  	v7 =	vperm.xlane v5, v1;
	v8 =	vperm.xlane v6, v1;
	_ =	sdelay $0x1  }
0x1a5: {  	v5 =	vadd.f32 v7, v5;
	v6 =	vadd.f32 v8, v6;
	_ =	sdelay $0x1  }
0x1a6: {  	v7 =	vperm.xlane v5, v2;
	v8 =	vperm.xlane v6, v2;
	_ =	sdelay $0x1  }
0x1a7: {  	v5 =	vadd.f32 v7, v5;
	v6 =	vadd.f32 v8, v6;
	_ =	sdelay $0x1  }
0x1a8: {  	v7 =	vperm.xlane v5, v3;
	v8 =	vperm.xlane v6, v3;
	_ =	sdelay $0x1  }
0x1a9: {  	s3 =	sadd.s32 $0x400, s1;
	v5 =	vadd.f32 v7, v5;
	v6 =	vadd.f32 v8, v6  }
0x1aa: {  	v10 =	vmov s1;
	v7 =	vmov s3  }
0x1ab: {  	s31 =	sld [smem:$0x80];
	v7 =	vsel vm0, s1, v7;
	s1 =	sadd.s32 $0x1, s1;
	v63 =	vperm.xlane v5, v4;
	v9 =	vperm.xlane v6, v4  }
0x1ac: {  	p0 =	sne.s32 s1, s17  }
.Ltmp24:
0x1ad: {  	v5 =	vadd.f32 v63, v5;
	v6 =	vadd.f32 v9, v6;
	(pc) =	sbr.rel @!p0 .LBB2_29-.Ltmp24, $4  }
0x1ae: {  	s3 =	scvt.s32.f32 s31  }
0x1af: {  	v5 =	vsel vm0, v5, v6  }
0x1b0: {  	[tilespmem:v7+s21+$0x0] =	vst.idx.msk $0x3, v5;
	v5 =	vmov s3  }
0x1b1: {  	[smem:$0x80] =	sst s4;
	[tilespmem:v10+s22+$0x0] =	vst.idx.msk $0x1, v5  }
.LBB2_28:
0x1b2: {  	[tilespmem:$0x8400] =	vst v0;
	s3 =	smov.u32 s1;
	s1 =	sadd.s32 $0x1, s1  }
0x1b3: {  	v5 =	vld [tilespmem:$0x8400];
	p0 =	sne.s32 s1, s17;
	[tilespmem:$0x8480] =	vst v0  }
0x1b4: {  	v6 =	vld [tilespmem:$0x8480];
	_ =	sdelay $0x3  }
0x1b5: {  	v7 =	vperm.xlane v5, v1  }
0x1b6: {  	v8 =	vperm.xlane v6, v1  }
0x1b7: {  	v5 =	vadd.f32 v7, v5  }
0x1b8: {  	v6 =	vadd.f32 v8, v6  }
0x1b9: {  	v7 =	vperm.xlane v5, v2  }
0x1ba: {  	v8 =	vperm.xlane v6, v2  }
0x1bb: {  	v5 =	vadd.f32 v7, v5  }
0x1bc: {  	v6 =	vadd.f32 v8, v6  }
0x1bd: {  	v7 =	vperm.xlane v5, v3  }
0x1be: {  	v8 =	vperm.xlane v6, v3  }
0x1bf: {  	v5 =	vadd.f32 v7, v5  }
0x1c0: {  	s5 =	sadd.s32 $0x400, s3;
	v6 =	vadd.f32 v8, v6  }
0x1c1: {  	v8 =	vmov s5;
	v7 =	vperm.xlane v5, v4  }
0x1c2: {  	v8 =	vsel vm0, s3, v8;
	v9 =	vperm.xlane v6, v4;
	s5 =	sld [smem:$0x80]  }
0x1c3: {  	v5 =	vadd.f32 v7, v5;
	v7 =	vmov s3;
	[smem:$0x80] =	sst s4  }
.Ltmp25:
0x1c4: {  	v6 =	vadd.f32 v9, v6;
	(pc) =	sbr.rel @p0 .LBB2_28-.Ltmp25, $4  }
0x1c5: {  	s3 =	scvt.s32.f32 s5  }
0x1c6: {  	v5 =	vsel vm0, v5, v6  }
0x1c7: {  	[tilespmem:v8+s21+$0x0] =	vst.idx.msk $0x3, v5;
	v5 =	vmov s3  }
0x1c8: {  	[tilespmem:v7+s22+$0x0] =	vst.idx.msk $0x1, v5  }
.Ltmp26:
0x1c9: {  	_ = 	snop;
	(pc) =	sbr.rel .LBB2_29-.Ltmp26, $1  }
0x1ca: {  	_ =	sdelay $0x3  }
.LBB2_32:
0x1cb: {  	v5 =	vld [tilespmem:$0x8400]  }
0x1cc: {  	v8 =	vld [tilespmem:$0x8480];
	_ =	sdelay $0x2  }
0x1cd: {  	s1 =	sld [smem:$0x80]  }
0x1ce: {  	v5 =	vadd.f32 v5, v6  }
0x1cf: {  	v6 =	vadd.f32 v8, v7  }
0x1d0: {  	s1 =	sadd.s32 $0x10, s1;
	[tilespmem:$0x8400] =	vst v5  }
0x1d1: {  	[smem:$0x80] =	sst s1;
	[tilespmem:$0x8480] =	vst v6  }
.LBB2_37:
0x1d2: {  	s7 =	sadd.s32 $0x1, s7  }
0x1d3: {  	p0 =	sne.s32 s7, $0x14  }
.Ltmp27:
0x1d4: {  	_ = 	snop;
	(pc) =	sbr.rel @!p0 .LBB2_38-.Ltmp27, $1  }
0x1d5: {  	_ =	sdelay $0x3  }
.LBB2_31:
0x1d6: {  	s1 =	sshll.u32 s7, $0x4  }
0x1d7: {  	s3 =	sadd.s32 s16, s1  }
0x1d8: {  	v5 =	vld [tilespmem:s3+$0x6400];
	_ =	sdelay $0x4  }
0x1d9: {  	(v2sf) =	vpush v5, $0x0  }
0x1da: {  	(v2sf) =	vpush v5, $0xF;
	_ =	sdelay $0xb  }
0x1db: {  	s1 =	sld [smem:$0x0];
	_ =	sdelay $0x1  }
0x1dc: {  	s6 =	sand.u32 $0x70, s3;
	s5 =	spop (v2sf)  }
0x1dd: {  	s8 =	sshll.u32 s3, $0x1;
	p0 =	sne.s32 s5, s1;
	s3 =	spop (v2sf)  }
0x1de: {  	p1 =	sne.s32 @!p0 s3, s1  }
0x1df: {  	p0 =	por p0, p1  }
.Ltmp28:
0x1e0: {  	_ = 	snop;
	(pc) =	sbr.rel @!p0 .LBB2_32-.Ltmp28, $4  }
0x1e1: {  	s31 =	sand.u32 $0x7F00, s8  }
0x1e2: {  	s5 =	sor.u32 s6, s31  }
0x1e3: {  	v6 =	vld [tilespmem:s5+$0x2800]  }
0x1e4: {  	v7 =	vld [tilespmem:s5+$0x2880]  }
0x1e5: {  	s8 =	sadd.s32 $0x1, s3  }
0x1e6: {  	p0 =	sge.s32 s1, s8  }
.Ltmp29:
0x1e7: {  	_ = 	snop;
	(pc) =	sbr.rel @p0 .LBB2_36-.Ltmp29, $1  }
0x1e8: {  	_ =	sdelay $0x3  }
0x1e9: {  	s9 =	sld [smem:$0x80]  }
.LBB2_35:
0x1ea: {  	vm2 =	veq.s32 v5, s1  }
0x1eb: {  	v8 =	vmpcnt.ones.xlane vm2;
	_ =	sdelay $0x1  }
0x1ec: {  	(v2sf) =	vpush v8, $0x0;
	v8 =	vld [tilespmem:$0x8400];
	_ =	sdelay $0x2  }
0x1ed: {  	v9 =	vld [tilespmem:$0x8480]  }
0x1ee: {  	v10 =	vnsel vm2, $0x0, v6  }
0x1ef: {  	v10 =	vadd.f32 v8, v10;
	_ =	sdelay $0x1  }
0x1f0: {  	p0 =	sge.s32 s1, s3;
	v8 =	vnsel vm2, $0x0, v7;
	[tilespmem:$0x8400] =	vst v10  }
0x1f1: {  	v8 =	vadd.f32 v9, v8;
	v9 =	vld @!p0 [tilespmem:$0x8400];
	_ =	sdelay $0x4  }
0x1f2: {  	v11 =	vperm.xlane @!p0 v8, v1;
	v10 =	vperm.xlane @!p0 v9, v1;
	_ =	sdelay $0x1  }
0x1f3: {  	[tilespmem:$0x8480] =	vst v8;
	v8 =	vadd.f32 @!p0 v11, v8;
	v9 =	vadd.f32 @!p0 v10, v9;
	_ =	sdelay $0x1  }
0x1f4: {  	v11 =	vperm.xlane @!p0 v8, v2;
	v10 =	vperm.xlane @!p0 v9, v2;
	_ =	sdelay $0x1  }
0x1f5: {  	v8 =	vadd.f32 @!p0 v11, v8;
	v9 =	vadd.f32 @!p0 v10, v9;
	_ =	sdelay $0x1  }
0x1f6: {  	v11 =	vperm.xlane @!p0 v8, v3;
	v10 =	vperm.xlane @!p0 v9, v3;
	_ =	sdelay $0x1  }
0x1f7: {  	s5 =	spop (v2sf);
	v8 =	vadd.f32 @!p0 v11, v8;
	v9 =	vadd.f32 @!p0 v10, v9  }
0x1f8: {  	s9 =	sadd.s32 s9, s5;
	s5 =	sadd.s32 @!p0 $0x400, s1;
	v10 =	vmov @!p0 s1  }
0x1f9: {  	v12 =	vperm.xlane @!p0 v8, v4;
	v13 =	vsel @!p0 vm1, s5, v10;
	v11 =	vperm.xlane @!p0 v9, v4;
	_ =	sdelay $0x1  }
0x1fa: {  	v8 =	vadd.f32 @!p0 v12, v8;
	v9 =	vadd.f32 @!p0 v11, v9  }
0x1fb: {  	s5 =	scvt.s32.f32 @!p0 s9  }
0x1fc: {  	v8 =	vsel @!p0 vm0, v9, v8  }
0x1fd: {  	[tilespmem:v13+s21+$0x0] =	vst.idx.msk @!p0 $0x3, v8;
	v8 =	vmov @!p0 s5  }
0x1fe: {  	[tilespmem:v10+s22+$0x0] =	vst.idx.msk @!p0 $0x1, v8  }
0x1ff: {  	[smem:$0x80] =	sst s9;
	s1 =	sadd.s32 $0x1, s1;
	s9 =	simm.s32 @!p0 $0x0;
	[tilespmem:$0x8400] =	vst @!p0 v0  }
0x200: {  	[smem:$0x80] =	sst @!p0 s9;
	[tilespmem:$0x8480] =	vst @!p0 v0;
	p0 =	sne.s32 s8, s1  }
.Ltmp30:
0x201: {  	_ = 	snop;
	(pc) =	sbr.rel @p0 .LBB2_35-.Ltmp30, $1  }
0x202: {  	_ =	sdelay $0x3  }
.LBB2_36:
.Ltmp31:
0x203: {  	(pc) =	sbr.rel .LBB2_37-.Ltmp31, $2  }
0x204: {  	_ =	sdelay $0x2  }
0x205: {  	[smem:$0x0] =	sst s3  }
.LBB2_42:
0x206: {  	_ =	sfence.sel $0x180000  }
0x207: {  	[bflag:$0x0] =	sbarrier.arrive $0xFFFF  }
0x208: {  	_ =	strace $0x90000047  }
0x209: {  	s0 =	stileid.u32;
	[bflag:$0x2] =	sbarrier.arrive $0xFFFF  }
0x20a: {  	p0 =	sne.s32 s0, $0x0;
	s0 =	rddreg [dreg:$0x3]  }
0x20b: {  	s0 =	sadd.s32 @!p0 $0x100000, s0  }
0x20c: {  	[sflag:s0] =	ssyncadd.tile.s32 @!p0 $0x1;
	_ =	shalt  }
.Lfunc_end2:
_tile_overlayer_lowered:
.L_overlay_start_2:
0x20d: {  	(tag) =	ssettag $0x2  }
0x20e: {  	s0 =	rddreg [dreg:$0x0];
	s2 =	stileid.u32  }
0x20f: {  	s1 =	rddreg [dreg:$0x1];
	p0 =	sne.s32 s2, $0x0  }
0x210: {  	s3 =	rddreg [dreg:$0x2];
	[bflag:$0x3] =	sbarrier.arrive $0xFFFF;
	s2 =	simm.s32 @!p0 $0x1C05  }
0x211: {  	[timem:s3], [sflag:s2] =	dma.local @!p0 [hbm:s0], s1  }
0x212: {  	s0 =	simm.s32 @!p0 $0x5  }
0x213: {  	_ =	swait.ge @!p0 [sflag:s0], s1  }
0x214: {  	s1 =	ssub.s32 @!p0 $0x0, s1;
	[sflag:s0] =	ssyncset.done @!p0 $0x0  }
0x215: {  	[sflag:s0] =	ssyncadd.s32 @!p0 s1  }
0x216: {  	[bflag:$0x3] =	sbarrier.arrive $0xFFFF  }
0x217: {  	_ =	shalt  }

</sc_bundles>
